<compile_context>
chip_gen: v7x
topology: tpu7x:2x2x1
jax: 0.10.2.dev20260603
libtpu: 0.0.44.dev20260713+nightly
codegen_flags: <defaults>
</compile_context>

<pallas_src>
import functools

import jax
import jax.numpy as jnp
from jax import lax
from jax.experimental import pallas as pl
from jax.experimental.pallas import tpu as pltpu
from jax.experimental.pallas import tpu_sc as plsc

_B = 256; _T = 8; _D = 512; _NL = 2; _E = 8; _F = 1024
_VOCAB = 119; _FEAT = 200; _PBF = 16; _PB_SCALE = 10.0
_N = _B * _T
_G = 256
_NBLK = 24
_NPAD = _NBLK * _G
_NW = 32


def _ln_rows(x, g, b):
    mu = jnp.mean(x, axis=-1, keepdims=True)
    xc = x - mu
    var = jnp.mean(xc * xc, axis=-1, keepdims=True)
    return xc * jax.lax.rsqrt(var + 1e-5) * g + b


def _core(x, pbv, kw_ref, kb_ref, vw_ref, vb_ref, ow_ref, ob_ref,
          g1_ref, b1_ref, gw_ref, gb_ref,
          x1_ref, pos0_ref, pos1_ref, s1_ref, s2_ref, be_ref, nv_ref):
    xb = x.astype(jnp.bfloat16)
    K = jnp.dot(xb, kw_ref[...], preferred_element_type=jnp.float32) + kb_ref[...]
    V = jnp.dot(xb, vw_ref[...], preferred_element_type=jnp.float32) + vb_ref[...]
    K3 = K.reshape(_B, _T, _D)
    V3 = V.reshape(_B, _T, _D)
    pb3 = pbv.reshape(_B, _T, _T)
    wv3 = jnp.broadcast_to(jnp.sum(K3 * V3, axis=1, keepdims=True), (_B, _T, _D))
    for jj in range(_T):
        wv3 = wv3 + pb3[:, :, jj:jj + 1] * V3[:, jj:jj + 1, :]
    wv = wv3.reshape(_N, _D).astype(jnp.bfloat16)
    attn = jnp.dot(wv, ow_ref[...], preferred_element_type=jnp.float32) + ob_ref[...]
    xn = _ln_rows(x + attn, g1_ref[...], b1_ref[...])
    x1_ref[...] = xn

    logits = jnp.dot(xn, gw_ref[...], preferred_element_type=jnp.float32) + gb_ref[...]
    m = jnp.max(logits, axis=-1, keepdims=True)
    ex = jnp.exp(logits - m)
    p = ex / jnp.sum(ex, axis=-1, keepdims=True)
    lane = jax.lax.broadcasted_iota(jnp.int32, (_N, _E), 1)
    m1 = jnp.max(p, axis=-1, keepdims=True)
    i1 = jnp.min(jnp.where(p == m1, lane, _E), axis=-1, keepdims=True)
    oh1 = lane == i1
    pm = jnp.where(oh1, -1.0, p)
    m2 = jnp.max(pm, axis=-1, keepdims=True)
    i2 = jnp.min(jnp.where(pm == m2, lane, _E), axis=-1, keepdims=True)
    oh2 = lane == i2
    s1_ref[...] = m1
    s2_ref[...] = m2

    m0f = jnp.where(oh1, 1.0, 0.0)
    m1f = jnp.where(oh2, 1.0, 0.0)
    mm = jnp.concatenate([m0f, m1f], axis=1).astype(jnp.bfloat16)
    tri = (jax.lax.broadcasted_iota(jnp.int32, (_N, _N), 0)
           >= jax.lax.broadcasted_iota(jnp.int32, (_N, _N), 1)).astype(jnp.bfloat16)
    cum = jnp.dot(tri, mm, preferred_element_type=jnp.float32)
    cum0 = cum[:, :_E]
    cum1 = cum[:, _E:]
    c0 = cum0[_N - 1:_N, :]
    ct = c0 + cum1[_N - 1:_N, :]
    cti = ct.astype(jnp.int32)
    cpad = (jax.lax.shift_right_logical(cti + (_G - 1), 8) * _G).astype(jnp.float32)
    e0 = jax.lax.broadcasted_iota(jnp.int32, (_E, _E), 0)
    e1 = jax.lax.broadcasted_iota(jnp.int32, (_E, _E), 1)
    tri8x = (e0 < e1).astype(jnp.float32)
    tri8i = (e0 <= e1).astype(jnp.float32)
    bs = jnp.dot(cpad, tri8x, preferred_element_type=jnp.float32)
    pos0 = jnp.sum(m0f * (cum0 - 1.0 + bs), axis=-1, keepdims=True)
    pos1 = jnp.sum(m1f * (cum1 - 1.0 + bs + c0), axis=-1, keepdims=True)
    pos0_ref[...] = pos0.astype(jnp.int32)
    pos1_ref[...] = pos1.astype(jnp.int32)

    bcnt = cpad * (1.0 / _G)
    ib = jnp.dot(bcnt, tri8i, preferred_element_type=jnp.float32)
    ba = jax.lax.broadcasted_iota(jnp.int32, (_NBLK, 1), 0).astype(jnp.float32)
    ge = (ba >= jnp.broadcast_to(ib, (_NBLK, _E))).astype(jnp.float32)
    be = jnp.sum(ge, axis=-1, keepdims=True)
    be_i = jnp.minimum(be, float(_E - 1)).astype(jnp.int32)
    lane8 = jax.lax.broadcasted_iota(jnp.int32, (_NBLK, _E), 1)
    ohbe = lane8 == be_i
    startb = ib - bcnt
    sbe = jnp.sum(jnp.where(ohbe, jnp.broadcast_to(startb, (_NBLK, _E)), 0.0),
                  axis=-1, keepdims=True)
    cbe = jnp.sum(jnp.where(ohbe, jnp.broadcast_to(ct, (_NBLK, _E)), 0.0),
                  axis=-1, keepdims=True)
    nv = jnp.clip(cbe - (ba - sbe) * _G, 0.0, float(_G))
    nv = jnp.where(be >= float(_E), 0.0, nv)
    be_ref[...] = be_i
    nv_ref[...] = nv.astype(jnp.int32)


def _combine_ln2(xprev_ref, eo0_ref, eo1_ref, s1p_ref, s2p_ref, g2_ref, b2_ref):
    moe = s1p_ref[...] * eo0_ref[...] + s2p_ref[...] * eo1_ref[...]
    return _ln_rows(xprev_ref[...] + moe, g2_ref[...], b2_ref[...])


def _a0_first_body(pbW_s, pbb_s, pba_s,
                   src_ref, friT_ref, frjT_ref, cbfv_ref, Wm_ref, bm_ref,
                   kw_ref, kb_ref, vw_ref, vb_ref, ow_ref, ob_ref,
                   g1_ref, b1_ref, gw_ref, gb_ref,
                   x1_ref, pos0_ref, pos1_ref, s1_ref, s2_ref,
                   be_ref, nv_ref, pb_ref):
    cw = jnp.dot(cbfv_ref[...], Wm_ref[...], preferred_element_type=jnp.float32)
    oh = (src_ref[...] == jax.lax.broadcasted_iota(jnp.int32, (_N, _VOCAB), 1)
          ).astype(jnp.float32)
    x = jnp.dot(oh, cw, preferred_element_type=jnp.float32) + bm_ref[...]
    dT = (frjT_ref[...] - friT_ref[...]) * _PB_SCALE
    acc = jnp.zeros((_T, _N), jnp.float32)
    for f in range(_PBF):
        acc = acc + jnp.cos(dT * pbW_s[f] + pbb_s[f]) * pba_s[f]
    pbv = acc.T
    pb_ref[...] = pbv
    _core(x, pbv, kw_ref, kb_ref, vw_ref, vb_ref, ow_ref, ob_ref,
          g1_ref, b1_ref, gw_ref, gb_ref,
          x1_ref, pos0_ref, pos1_ref, s1_ref, s2_ref, be_ref, nv_ref)


def _a0_next_body(xprev_ref, eo0_ref, eo1_ref, s1p_ref, s2p_ref,
                  g2p_ref, b2p_ref, pbin_ref,
                  kw_ref, kb_ref, vw_ref, vb_ref, ow_ref, ob_ref,
                  g1_ref, b1_ref, gw_ref, gb_ref,
                  x1_ref, pos0_ref, pos1_ref, s1_ref, s2_ref,
                  be_ref, nv_ref):
    x = _combine_ln2(xprev_ref, eo0_ref, eo1_ref, s1p_ref, s2p_ref,
                     g2p_ref, b2p_ref)
    _core(x, pbin_ref[...], kw_ref, kb_ref, vw_ref, vb_ref, ow_ref, ob_ref,
          g1_ref, b1_ref, gw_ref, gb_ref,
          x1_ref, pos0_ref, pos1_ref, s1_ref, s2_ref, be_ref, nv_ref)


def _final_body(xprev_ref, eo0_ref, eo1_ref, s1p_ref, s2p_ref,
                g2p_ref, b2p_ref, out_ref):
    out_ref[...] = _combine_ln2(xprev_ref, eo0_ref, eo1_ref, s1p_ref, s2p_ref,
                                g2p_ref, b2p_ref)


def _expert_body(be_ref, nv_ref, xs_ref, ew1_ref, eb1_ref, ew2_ref, eb2_ref,
                 eo_ref):
    b = pl.program_id(0)

    @pl.when(nv_ref[b, 0] > 0)
    def _go():
        h = jnp.dot(xs_ref[...].astype(jnp.bfloat16), ew1_ref[0],
                    preferred_element_type=jnp.float32)
        h = jnp.maximum(h + eb1_ref[0], 0.0).astype(jnp.bfloat16)
        eo = jnp.dot(h, ew2_ref[0], preferred_element_type=jnp.float32) + eb2_ref[0]
        eo_ref[...] = eo


def _vm(shape=None):
    return pl.BlockSpec(memory_space=pltpu.VMEM)


def _a0_first_call(pbW1, pbb, pba, srcc, friT, frjT, cbfv, Wm, bm2,
                   kw, kb, vw, vb, ow, ob, g1, b1, gw, gb,
                   interpret):
    smem = pl.BlockSpec(memory_space=pltpu.SMEM)
    n_in = 19
    out_shape = [jax.ShapeDtypeStruct((_N, _D), jnp.float32),
                 jax.ShapeDtypeStruct((_N, 1), jnp.int32),
                 jax.ShapeDtypeStruct((_N, 1), jnp.int32),
                 jax.ShapeDtypeStruct((_N, 1), jnp.float32),
                 jax.ShapeDtypeStruct((_N, 1), jnp.float32),
                 jax.ShapeDtypeStruct((_NBLK, 1), jnp.int32),
                 jax.ShapeDtypeStruct((_NBLK, 1), jnp.int32),
                 jax.ShapeDtypeStruct((_N, _T), jnp.float32)]
    return pl.pallas_call(
        _a0_first_body,
        in_specs=[smem, smem, smem] + [_vm() for _ in range(n_in - 3)],
        out_specs=[_vm() for _ in out_shape],
        out_shape=out_shape,
        interpret=interpret,
    )(pbW1, pbb, pba, srcc, friT, frjT, cbfv, Wm, bm2,
      kw, kb, vw, vb, ow, ob, g1, b1, gw, gb)


def _a0_next_call(xprev, eo0, eo1, s1p, s2p, g2p, b2p, pbin,
                  kw, kb, vw, vb, ow, ob, g1, b1, gw, gb,
                  interpret):
    n_in = 18
    out_shape = [jax.ShapeDtypeStruct((_N, _D), jnp.float32),
                 jax.ShapeDtypeStruct((_N, 1), jnp.int32),
                 jax.ShapeDtypeStruct((_N, 1), jnp.int32),
                 jax.ShapeDtypeStruct((_N, 1), jnp.float32),
                 jax.ShapeDtypeStruct((_N, 1), jnp.float32),
                 jax.ShapeDtypeStruct((_NBLK, 1), jnp.int32),
                 jax.ShapeDtypeStruct((_NBLK, 1), jnp.int32)]
    return pl.pallas_call(
        _a0_next_body,
        in_specs=[_vm() for _ in range(n_in)],
        out_specs=[_vm() for _ in out_shape],
        out_shape=out_shape,
        interpret=interpret,
    )(xprev, eo0, eo1, s1p, s2p, g2p, b2p, pbin,
      kw, kb, vw, vb, ow, ob, g1, b1, gw, gb)


def _final_call(xprev, eo0, eo1, s1p, s2p, g2p, b2p, interpret):
    return pl.pallas_call(
        _final_body,
        in_specs=[_vm() for _ in range(7)],
        out_specs=_vm(),
        out_shape=jax.ShapeDtypeStruct((_N, _D), jnp.float32),
        interpret=interpret,
    )(xprev, eo0, eo1, s1p, s2p, g2p, b2p)


def _expert_call(be, nv, xs, ew1, eb1, ew2, eb2, interpret):
    grid_spec = pltpu.PrefetchScalarGridSpec(
        num_scalar_prefetch=2,
        grid=(_NBLK,),
        in_specs=[pl.BlockSpec((_G, _D), lambda b, be, nv: (b, 0)),
                  pl.BlockSpec((1, _D, _F), lambda b, be, nv: (be[b, 0], 0, 0)),
                  pl.BlockSpec((1, 1, _F), lambda b, be, nv: (be[b, 0], 0, 0)),
                  pl.BlockSpec((1, _F, _D), lambda b, be, nv: (be[b, 0], 0, 0)),
                  pl.BlockSpec((1, 1, _D), lambda b, be, nv: (be[b, 0], 0, 0))],
        out_specs=pl.BlockSpec((_G, _D), lambda b, be, nv: (b, 0)),
    )
    return pl.pallas_call(
        _expert_body,
        grid_spec=grid_spec,
        out_shape=jax.ShapeDtypeStruct((_NPAD, _D), jnp.float32),
        compiler_params=pltpu.CompilerParams(
            dimension_semantics=("arbitrary",)),
        interpret=interpret,
    )(be, nv, xs, ew1, eb1, ew2, eb2)



_TPW = _N // _NW
_RPW = 2 * _N // _NW
def _sc_scatter(x1b, pos0, pos1):
    mesh = plsc.VectorSubcoreMesh(core_axis_name="c", subcore_axis_name="s")

    @functools.partial(
        pl.kernel, mesh=mesh,
        out_type=jax.ShapeDtypeStruct((_NPAD, _D), jnp.float32),
        scratch_types=[pltpu.VMEM((_TPW,), jnp.int32),
                       pltpu.VMEM((_TPW,), jnp.int32),
                       pltpu.VMEM((_TPW, _D), jnp.float32),
                       pltpu.SemaphoreType.DMA,
                       pltpu.SemaphoreType.DMA])
    def k(x_hbm, p0_hbm, p1_hbm, xs_hbm, i0_v, i1_v, rows_v, sem0, sem1):
        wid = lax.axis_index("s") * 2 + lax.axis_index("c")
        base = wid * _TPW
        pltpu.sync_copy(p0_hbm.at[pl.ds(base, _TPW)], i0_v)
        pltpu.sync_copy(p1_hbm.at[pl.ds(base, _TPW)], i1_v)
        pltpu.sync_copy(x_hbm.at[pl.ds(base, _TPW)], rows_v)
        c0 = pltpu.async_copy(rows_v, xs_hbm.at[i0_v], sem0)
        c1 = pltpu.async_copy(rows_v, xs_hbm.at[i1_v], sem1)
        c0.wait()
        c1.wait()

    return k(x1b, pos0, pos1)


def _sc_gather(eo, pos0, pos1):
    mesh = plsc.VectorSubcoreMesh(core_axis_name="c", subcore_axis_name="s")

    @functools.partial(
        pl.kernel, mesh=mesh,
        out_type=[jax.ShapeDtypeStruct((_N, _D), jnp.float32),
                  jax.ShapeDtypeStruct((_N, _D), jnp.float32)],
        scratch_types=[pltpu.VMEM((_TPW,), jnp.int32),
                       pltpu.VMEM((_TPW,), jnp.int32),
                       pltpu.VMEM((_TPW, _D), jnp.float32),
                       pltpu.VMEM((_TPW, _D), jnp.float32),
                       pltpu.SemaphoreType.DMA,
                       pltpu.SemaphoreType.DMA])
    def k(eo_hbm, p0_hbm, p1_hbm, o0_hbm, o1_hbm,
          i0_v, i1_v, r0_v, r1_v, sem0, sem1):
        wid = lax.axis_index("s") * 2 + lax.axis_index("c")
        base = wid * _TPW
        pltpu.sync_copy(p0_hbm.at[pl.ds(base, _TPW)], i0_v)
        pltpu.sync_copy(p1_hbm.at[pl.ds(base, _TPW)], i1_v)
        c0 = pltpu.async_copy(eo_hbm.at[i0_v], r0_v, sem0)
        c1 = pltpu.async_copy(eo_hbm.at[i1_v], r1_v, sem1)
        c0.wait()
        c1.wait()
        pltpu.sync_copy(r0_v, o0_hbm.at[pl.ds(base, _TPW)])
        pltpu.sync_copy(r1_v, o1_hbm.at[pl.ds(base, _TPW)])

    return k(eo, pos0, pos1)


def kernel(src, frac, cbfv, Wm, bm, pbW, pbb, pba, key_w, key_b, val_w, val_b,
           out_w, out_b, ln1_g, ln1_b, gate_w, gate_b, e_w1, e_b1, e_w2, e_b2,
           ln2_g, ln2_b, *, interpret=False):
    bf = jnp.bfloat16
    srcc = src.reshape(_N, 1).astype(jnp.int32)
    friT = frac.reshape(1, _N)
    frjT = jnp.repeat(frac.T, _T, axis=1)
    key_w = key_w.astype(bf); val_w = val_w.astype(bf); out_w = out_w.astype(bf)
    e_w1 = e_w1.astype(bf); e_w2 = e_w2.astype(bf)
    kb = key_b.reshape(_NL, 1, _D); vb = val_b.reshape(_NL, 1, _D)
    ob = out_b.reshape(_NL, 1, _D)
    g1 = ln1_g.reshape(_NL, 1, _D); b1 = ln1_b.reshape(_NL, 1, _D)
    g2 = ln2_g.reshape(_NL, 1, _D); b2 = ln2_b.reshape(_NL, 1, _D)
    gb = gate_b.reshape(_NL, 1, _E)
    eb1 = e_b1.reshape(_NL, _E, 1, _F); eb2 = e_b2.reshape(_NL, _E, 1, _D)

    x1, pos0, pos1, s1, s2, be, nv, pb = _a0_first_call(
        pbW.reshape(_PBF), pbb, pba, srcc, friT, frjT, cbfv, Wm,
        bm.reshape(1, _D), key_w[0], kb[0], val_w[0], vb[0], out_w[0], ob[0],
        g1[0], b1[0], gate_w[0], gb[0], interpret)
    xs = _sc_scatter(x1, pos0.reshape(_N), pos1.reshape(_N))
    eo = _expert_call(be, nv, xs, e_w1[0], eb1[0], e_w2[0], eb2[0], interpret)
    eo0, eo1 = _sc_gather(eo, pos0.reshape(_N), pos1.reshape(_N))

    x1n, pos0n, pos1n, s1n, s2n, ben, nvn = _a0_next_call(
        x1, eo0, eo1, s1, s2, g2[0], b2[0], pb,
        key_w[1], kb[1], val_w[1], vb[1], out_w[1], ob[1],
        g1[1], b1[1], gate_w[1], gb[1], interpret)
    xsn = _sc_scatter(x1n, pos0n.reshape(_N), pos1n.reshape(_N))
    eon = _expert_call(ben, nvn, xsn, e_w1[1], eb1[1], e_w2[1], eb2[1],
                       interpret)
    eo0n, eo1n = _sc_gather(eon, pos0n.reshape(_N), pos1n.reshape(_N))

    out = _final_call(x1n, eo0n, eo1n, s1n, s2n, g2[1], b2[1], interpret)
    return out.reshape(_B, _T, _D)

# --- scband reference (transcript-rebuilt; emitter-appended) ---
"""Pipeline reference for scband-encoder-23381801959708 (READ-ONLY COPY).

The authoritative reference and input builder live on the scoring server;
editing this copy changes nothing except your own understanding.
"""

import jax, jax.numpy as jnp
import numpy as np

B = 256; T = 8; D_MODEL = 512; N_LAYERS = 2; HEADS = 8; HEAD_DIM = 64
D_FF = 1024; N_EXPERTS = 8; FEAT = 200; VOCAB = 119; PB_FEAT = 16; PB_SCALE = 10.0


def _ln(x, g, b):
    mu = jnp.mean(x, axis=-1, keepdims=True)
    var = jnp.mean((x - mu) ** 2, axis=-1, keepdims=True)
    return (x - mu) / jnp.sqrt(var + 1e-5) * g + b


def setup_inputs(seed: int = 0) -> dict:
    key = jax.random.key(seed)
    ks = jax.random.split(key, 16)
    src = jax.random.randint(ks[0], (B, T), 0, VOCAB, dtype=jnp.int32)
    frac = jax.random.uniform(ks[1], (B, T), dtype=jnp.float32)
    cbfv = jax.random.normal(ks[2], (VOCAB, FEAT), dtype=jnp.float32).at[0].set(0.0)
    Wm = jax.random.normal(ks[3], (FEAT, D_MODEL), dtype=jnp.float32) * 0.05
    bm = jnp.zeros((D_MODEL,), jnp.float32)
    pbW = jax.random.normal(ks[4], (1, PB_FEAT), dtype=jnp.float32) * 0.1
    pbb = jax.random.uniform(ks[5], (PB_FEAT,), dtype=jnp.float32) * 2.0 * np.pi
    pba = jax.random.normal(ks[6], (PB_FEAT,), dtype=jnp.float32)
    key_w = jax.random.normal(ks[7], (N_LAYERS, D_MODEL, D_MODEL), dtype=jnp.float32) * 0.02
    key_b = jnp.zeros((N_LAYERS, D_MODEL), jnp.float32)
    val_w = jax.random.normal(ks[8], (N_LAYERS, D_MODEL, D_MODEL), dtype=jnp.float32) * 0.02
    val_b = jnp.zeros((N_LAYERS, D_MODEL), jnp.float32)
    out_w = jax.random.normal(ks[9], (N_LAYERS, D_MODEL, D_MODEL), dtype=jnp.float32) * 0.02
    out_b = jnp.zeros((N_LAYERS, D_MODEL), jnp.float32)
    ln1_g = jnp.ones((N_LAYERS, D_MODEL), jnp.float32)
    ln1_b = jnp.zeros((N_LAYERS, D_MODEL), jnp.float32)
    gate_w = jax.random.normal(ks[10], (N_LAYERS, D_MODEL, N_EXPERTS), dtype=jnp.float32) * 0.02
    gate_b = jnp.zeros((N_LAYERS, N_EXPERTS), jnp.float32)
    e_w1 = jax.random.normal(ks[11], (N_LAYERS, N_EXPERTS, D_MODEL, D_FF), dtype=jnp.float32) * 0.02
    e_b1 = jnp.zeros((N_LAYERS, N_EXPERTS, D_FF), jnp.float32)
    e_w2 = jax.random.normal(ks[12], (N_LAYERS, N_EXPERTS, D_FF, D_MODEL), dtype=jnp.float32) * 0.02
    e_b2 = jnp.zeros((N_LAYERS, N_EXPERTS, D_MODEL), jnp.float32)
    ln2_g = jnp.ones((N_LAYERS, D_MODEL), jnp.float32)
    ln2_b = jnp.zeros((N_LAYERS, D_MODEL), jnp.float32)
    return dict(src=src, frac=frac, cbfv=cbfv, Wm=Wm, bm=bm, pbW=pbW, pbb=pbb, pba=pba,
                key_w=key_w, key_b=key_b, val_w=val_w, val_b=val_b, out_w=out_w, out_b=out_b,
                ln1_g=ln1_g, ln1_b=ln1_b, gate_w=gate_w, gate_b=gate_b,
                e_w1=e_w1, e_b1=e_b1, e_w2=e_w2, e_b2=e_b2, ln2_g=ln2_g, ln2_b=ln2_b)


def reference(src, frac, cbfv, Wm, bm, pbW, pbb, pba, key_w, key_b, val_w, val_b,
              out_w, out_b, ln1_g, ln1_b, gate_w, gate_b, e_w1, e_b1, e_w2, e_b2, ln2_g, ln2_b):
    # Embedder: frozen mat2vec lookup + linear projection
    x = jnp.take(cbfv, src, axis=0) @ Wm + bm  # [B, T, D]
    # FourierPositionalBias
    diffs = (frac[:, None, :] - frac[:, :, None]) * PB_SCALE  # [B, T, T]
    rff = jnp.cos(diffs[..., None] @ pbW + pbb)               # [B, T, T, PB_FEAT]
    pb = rff @ pba                                            # [B, T, T]
    for i in range(N_LAYERS):
        K = (x @ key_w[i] + key_b[i]).reshape(B, T, HEADS, HEAD_DIM).transpose(0, 2, 1, 3)
        V = (x @ val_w[i] + val_b[i]).reshape(B, T, HEADS, HEAD_DIM).transpose(0, 2, 1, 3)
        pbh = jnp.broadcast_to(pb[:, None, :, :], (B, HEADS, T, T))
        scores = K[:, :, None, :, :] + pbh[..., None]         # [B, H, T, T, hd]
        wv = jnp.sum(scores * V[:, :, None, :, :], axis=3)    # [B, H, T, hd]
        wv = wv.transpose(0, 2, 1, 3).reshape(B, T, D_MODEL)
        x = _ln(x + (wv @ out_w[i] + out_b[i]), ln1_g[i], ln1_b[i])
        # MoE FFN with top-2 gating (dropout = eval mode identity)
        probs = jax.nn.softmax(x @ gate_w[i] + gate_b[i], axis=-1)  # [B, T, E]
        top2_s, top2_i = jax.lax.top_k(probs, 2)
        w = (top2_s[..., 0:1] * jax.nn.one_hot(top2_i[..., 0], N_EXPERTS, dtype=x.dtype)
             + top2_s[..., 1:2] * jax.nn.one_hot(top2_i[..., 1], N_EXPERTS, dtype=x.dtype))  # [B, T, E]
        h = jax.nn.relu(jnp.einsum('btd,edf->ebtf', x, e_w1[i]) + e_b1[i][:, None, None, :])
        eo = jnp.einsum('ebtf,efd->ebtd', h, e_w2[i]) + e_b2[i][:, None, None, :]
        moe = jnp.einsum('bte,ebtd->btd', w, eo)
        x = _ln(x + moe, ln2_g[i], ln2_b[i])
    return x

if __name__ == "__main__":
    import jax
    _d = setup_inputs()
    print(jax.jit(kernel)(*tuple(_d.values())))

</pallas_src>

<mosaic_0001>
#map = affine_map<(d0, d1) -> (0, 0)>
#map1 = affine_map<(d0, d1) -> (0)>
module attributes {stable_mosaic.version = 14 : i64} {
  func.func @k(%arg0: i32, %arg1: i32, %arg2: memref<6144x512xf32, #tpu.memory_space<hbm>>, %arg3: memref<2048xi32, #tpu.memory_space<hbm>>, %arg4: memref<2048xi32, #tpu.memory_space<hbm>>, %arg5: memref<2048x512xf32, #tpu.memory_space<hbm>>, %arg6: memref<2048x512xf32, #tpu.memory_space<hbm>>, %arg7: memref<64xi32, #tpu.memory_space<vmem>>, %arg8: memref<64xi32, #tpu.memory_space<vmem>>, %arg9: memref<64x512xf32, #tpu.memory_space<vmem>>, %arg10: memref<64x512xf32, #tpu.memory_space<vmem>>, %arg11: memref<!tpu.dma_semaphore, #tpu.memory_space<semaphore_mem>>, %arg12: memref<!tpu.dma_semaphore, #tpu.memory_space<semaphore_mem>>) attributes {dimension_semantics = [#tpu.dimension_semantics<core_parallel>, #tpu.dimension_semantics<subcore_parallel>], iteration_bounds = array<i64: 2, 16>, scalar_prefetch = 0 : i64, scratch_operands = 6 : i64, tpu.core_type = #tpu.core_type<sc_vector_subcore>, window_params = [{transform_indices = #map}, {transform_indices = #map1}, {transform_indices = #map1}, {transform_indices = #map}, {transform_indices = #map}]} {
    %mul3A = arith.constant 2 : i32
    %mul3A_0 = arith.muli %arg1, %mul3A : i32
    %add3A = arith.addi %mul3A_0, %arg0 : i32
    %mul3A_1 = arith.constant 64 : i32
    %mul3A_2 = arith.muli %add3A, %mul3A_1 : i32
    "tpu.region"() ({
      %run_scoped3A = tpu.sem_alloc : memref<!tpu.dma_semaphore, #tpu.memory_space<semaphore_mem>>
      %dma_start3A_13 = tpu.memref_slice %arg3[%mul3A_2] : memref<2048xi32, #tpu.memory_space<hbm>> -> memref<64xi32, #tpu.memory_space<hbm>>
      %dma_start3A_14 = tpu.memref_slice %arg3[%mul3A_2] : memref<2048xi32, #tpu.memory_space<hbm>> -> memref<64xi32, #tpu.memory_space<hbm>>
      tpu.enqueue_dma source(%dma_start3A_14 : memref<64xi32, #tpu.memory_space<hbm>>) target(%arg7 : memref<64xi32, #tpu.memory_space<vmem>>) target_semaphore(%run_scoped3A : memref<!tpu.dma_semaphore, #tpu.memory_space<semaphore_mem>>)
      %dma_wait3A_15 = tpu.memref_slice %arg3[%mul3A_2] : memref<2048xi32, #tpu.memory_space<hbm>> -> memref<64xi32, #tpu.memory_space<hbm>>
      %dma_wait3A_16 = tpu.memref_slice %arg3[%mul3A_2] : memref<2048xi32, #tpu.memory_space<hbm>> -> memref<64xi32, #tpu.memory_space<hbm>>
      tpu.wait_dma2 semaphore(%run_scoped3A : memref<!tpu.dma_semaphore, #tpu.memory_space<semaphore_mem>>) src(%dma_wait3A_16 : memref<64xi32, #tpu.memory_space<hbm>>) dst(%arg7 : memref<64xi32, #tpu.memory_space<vmem>>)
      tpu.yield
    }) : () -> ()
    "tpu.region"() ({
      %run_scoped3A = tpu.sem_alloc : memref<!tpu.dma_semaphore, #tpu.memory_space<semaphore_mem>>
      %dma_start3A_13 = tpu.memref_slice %arg4[%mul3A_2] : memref<2048xi32, #tpu.memory_space<hbm>> -> memref<64xi32, #tpu.memory_space<hbm>>
      %dma_start3A_14 = tpu.memref_slice %arg4[%mul3A_2] : memref<2048xi32, #tpu.memory_space<hbm>> -> memref<64xi32, #tpu.memory_space<hbm>>
      tpu.enqueue_dma source(%dma_start3A_14 : memref<64xi32, #tpu.memory_space<hbm>>) target(%arg8 : memref<64xi32, #tpu.memory_space<vmem>>) target_semaphore(%run_scoped3A : memref<!tpu.dma_semaphore, #tpu.memory_space<semaphore_mem>>)
      %dma_wait3A_15 = tpu.memref_slice %arg4[%mul3A_2] : memref<2048xi32, #tpu.memory_space<hbm>> -> memref<64xi32, #tpu.memory_space<hbm>>
      %dma_wait3A_16 = tpu.memref_slice %arg4[%mul3A_2] : memref<2048xi32, #tpu.memory_space<hbm>> -> memref<64xi32, #tpu.memory_space<hbm>>
      tpu.wait_dma2 semaphore(%run_scoped3A : memref<!tpu.dma_semaphore, #tpu.memory_space<semaphore_mem>>) src(%dma_wait3A_16 : memref<64xi32, #tpu.memory_space<hbm>>) dst(%arg8 : memref<64xi32, #tpu.memory_space<vmem>>)
      tpu.yield
    }) : () -> ()
    %dma_start3A = arith.constant 0 : i32
    %dma_start3A_3 = arith.constant 0 : i32
    %dma_start3A_4 = tpu.memref_slice %arg2[%dma_start3A, %dma_start3A_3] : memref<6144x512xf32, #tpu.memory_space<hbm>> -> memref<6144x512xf32, #tpu.memory_space<hbm>>
    tpu.enqueue_indirect_dma source(%dma_start3A_4 : memref<6144x512xf32, #tpu.memory_space<hbm>>) target(%arg9 : memref<64x512xf32, #tpu.memory_space<vmem>>) offsets(%arg7 : memref<64xi32, #tpu.memory_space<vmem>>) semaphore(%arg11 : memref<!tpu.dma_semaphore, #tpu.memory_space<semaphore_mem>>)
    %dma_start3A_5 = arith.constant 0 : i32
    %dma_start3A_6 = arith.constant 0 : i32
    %dma_start3A_7 = tpu.memref_slice %arg2[%dma_start3A_5, %dma_start3A_6] : memref<6144x512xf32, #tpu.memory_space<hbm>> -> memref<6144x512xf32, #tpu.memory_space<hbm>>
    tpu.enqueue_indirect_dma source(%dma_start3A_7 : memref<6144x512xf32, #tpu.memory_space<hbm>>) target(%arg10 : memref<64x512xf32, #tpu.memory_space<vmem>>) offsets(%arg8 : memref<64xi32, #tpu.memory_space<vmem>>) semaphore(%arg12 : memref<!tpu.dma_semaphore, #tpu.memory_space<semaphore_mem>>)
    %dma_wait3A = arith.constant 0 : i32
    %dma_wait3A_8 = arith.constant 0 : i32
    %dma_wait3A_9 = tpu.memref_slice %arg2[%dma_wait3A, %dma_wait3A_8] : memref<6144x512xf32, #tpu.memory_space<hbm>> -> memref<6144x512xf32, #tpu.memory_space<hbm>>
    tpu.wait_indirect_dma semaphore(%arg11 : memref<!tpu.dma_semaphore, #tpu.memory_space<semaphore_mem>>) src(%dma_wait3A_9 : memref<6144x512xf32, #tpu.memory_space<hbm>>) dst(%arg9 : memref<64x512xf32, #tpu.memory_space<vmem>>)
    %dma_wait3A_10 = arith.constant 0 : i32
    %dma_wait3A_11 = arith.constant 0 : i32
    %dma_wait3A_12 = tpu.memref_slice %arg2[%dma_wait3A_10, %dma_wait3A_11] : memref<6144x512xf32, #tpu.memory_space<hbm>> -> memref<6144x512xf32, #tpu.memory_space<hbm>>
    tpu.wait_indirect_dma semaphore(%arg12 : memref<!tpu.dma_semaphore, #tpu.memory_space<semaphore_mem>>) src(%dma_wait3A_12 : memref<6144x512xf32, #tpu.memory_space<hbm>>) dst(%arg10 : memref<64x512xf32, #tpu.memory_space<vmem>>)
    "tpu.region"() ({
      %run_scoped3A = tpu.sem_alloc : memref<!tpu.dma_semaphore, #tpu.memory_space<semaphore_mem>>
      %dma_start3A_13 = arith.constant 0 : i32
      %dma_start3A_14 = tpu.memref_slice %arg5[%mul3A_2, %dma_start3A_13] : memref<2048x512xf32, #tpu.memory_space<hbm>> -> memref<64x512xf32, #tpu.memory_space<hbm>>
      %dma_start3A_15 = arith.constant 0 : i32
      %dma_start3A_16 = tpu.memref_slice %arg5[%mul3A_2, %dma_start3A_15] : memref<2048x512xf32, #tpu.memory_space<hbm>> -> memref<64x512xf32, #tpu.memory_space<hbm>>
      tpu.enqueue_dma source(%arg9 : memref<64x512xf32, #tpu.memory_space<vmem>>) target(%dma_start3A_16 : memref<64x512xf32, #tpu.memory_space<hbm>>) target_semaphore(%run_scoped3A : memref<!tpu.dma_semaphore, #tpu.memory_space<semaphore_mem>>)
      %dma_wait3A_17 = arith.constant 0 : i32
      %dma_wait3A_18 = tpu.memref_slice %arg5[%mul3A_2, %dma_wait3A_17] : memref<2048x512xf32, #tpu.memory_space<hbm>> -> memref<64x512xf32, #tpu.memory_space<hbm>>
      %dma_wait3A_19 = arith.constant 0 : i32
      %dma_wait3A_20 = tpu.memref_slice %arg5[%mul3A_2, %dma_wait3A_19] : memref<2048x512xf32, #tpu.memory_space<hbm>> -> memref<64x512xf32, #tpu.memory_space<hbm>>
      tpu.wait_dma2 semaphore(%run_scoped3A : memref<!tpu.dma_semaphore, #tpu.memory_space<semaphore_mem>>) src(%arg9 : memref<64x512xf32, #tpu.memory_space<vmem>>) dst(%dma_wait3A_20 : memref<64x512xf32, #tpu.memory_space<hbm>>)
      tpu.yield
    }) : () -> ()
    "tpu.region"() ({
      %run_scoped3A = tpu.sem_alloc : memref<!tpu.dma_semaphore, #tpu.memory_space<semaphore_mem>>
      %dma_start3A_13 = arith.constant 0 : i32
      %dma_start3A_14 = tpu.memref_slice %arg6[%mul3A_2, %dma_start3A_13] : memref<2048x512xf32, #tpu.memory_space<hbm>> -> memref<64x512xf32, #tpu.memory_space<hbm>>
      %dma_start3A_15 = arith.constant 0 : i32
      %dma_start3A_16 = tpu.memref_slice %arg6[%mul3A_2, %dma_start3A_15] : memref<2048x512xf32, #tpu.memory_space<hbm>> -> memref<64x512xf32, #tpu.memory_space<hbm>>
      tpu.enqueue_dma source(%arg10 : memref<64x512xf32, #tpu.memory_space<vmem>>) target(%dma_start3A_16 : memref<64x512xf32, #tpu.memory_space<hbm>>) target_semaphore(%run_scoped3A : memref<!tpu.dma_semaphore, #tpu.memory_space<semaphore_mem>>)
      %dma_wait3A_17 = arith.constant 0 : i32
      %dma_wait3A_18 = tpu.memref_slice %arg6[%mul3A_2, %dma_wait3A_17] : memref<2048x512xf32, #tpu.memory_space<hbm>> -> memref<64x512xf32, #tpu.memory_space<hbm>>
      %dma_wait3A_19 = arith.constant 0 : i32
      %dma_wait3A_20 = tpu.memref_slice %arg6[%mul3A_2, %dma_wait3A_19] : memref<2048x512xf32, #tpu.memory_space<hbm>> -> memref<64x512xf32, #tpu.memory_space<hbm>>
      tpu.wait_dma2 semaphore(%run_scoped3A : memref<!tpu.dma_semaphore, #tpu.memory_space<semaphore_mem>>) src(%arg10 : memref<64x512xf32, #tpu.memory_space<vmem>>) dst(%dma_wait3A_20 : memref<64x512xf32, #tpu.memory_space<hbm>>)
      tpu.yield
    }) : () -> ()
    return
  }
}

#map = affine_map<(d0, d1) -> (0, 0)>
#map1 = affine_map<(d0, d1) -> (0)>
module attributes {stable_mosaic.version = 14 : i64} {
  func.func @k(%arg0: i32, %arg1: i32, %arg2: memref<6144x512xf32, #tpu.memory_space<hbm>>, %arg3: memref<2048xi32, #tpu.memory_space<hbm>>, %arg4: memref<2048xi32, #tpu.memory_space<hbm>>, %arg5: memref<2048x512xf32, #tpu.memory_space<hbm>>, %arg6: memref<2048x512xf32, #tpu.memory_space<hbm>>, %arg7: memref<64xi32, #tpu.memory_space<vmem>>, %arg8: memref<64xi32, #tpu.memory_space<vmem>>, %arg9: memref<64x512xf32, #tpu.memory_space<vmem>>, %arg10: memref<64x512xf32, #tpu.memory_space<vmem>>, %arg11: memref<!tpu.dma_semaphore, #tpu.memory_space<semaphore_mem>>, %arg12: memref<!tpu.dma_semaphore, #tpu.memory_space<semaphore_mem>>) attributes {dimension_semantics = [#tpu.dimension_semantics<core_parallel>, #tpu.dimension_semantics<subcore_parallel>], iteration_bounds = array<i64: 2, 16>, scalar_prefetch = 0 : i64, scratch_operands = 6 : i64, tpu.core_type = #tpu.core_type<sc_vector_subcore>, window_params = [{transform_indices = #map}, {transform_indices = #map1}, {transform_indices = #map1}, {transform_indices = #map}, {transform_indices = #map}]} {
    %mul3A = arith.constant 2 : i32
    %mul3A_0 = arith.muli %arg1, %mul3A : i32
    %add3A = arith.addi %mul3A_0, %arg0 : i32
    %mul3A_1 = arith.constant 64 : i32
    %mul3A_2 = arith.muli %add3A, %mul3A_1 : i32
    "tpu.region"() ({
      %run_scoped3A = tpu.sem_alloc : memref<!tpu.dma_semaphore, #tpu.memory_space<semaphore_mem>>
      %dma_start3A_13 = tpu.memref_slice %arg3[%mul3A_2] : memref<2048xi32, #tpu.memory_space<hbm>> -> memref<64xi32, #tpu.memory_space<hbm>>
      %dma_start3A_14 = tpu.memref_slice %arg3[%mul3A_2] : memref<2048xi32, #tpu.memory_space<hbm>> -> memref<64xi32, #tpu.memory_space<hbm>>
      tpu.enqueue_dma source(%dma_start3A_14 : memref<64xi32, #tpu.memory_space<hbm>>) target(%arg7 : memref<64xi32, #tpu.memory_space<vmem>>) target_semaphore(%run_scoped3A : memref<!tpu.dma_semaphore, #tpu.memory_space<semaphore_mem>>)
      %dma_wait3A_15 = tpu.memref_slice %arg3[%mul3A_2] : memref<2048xi32, #tpu.memory_space<hbm>> -> memref<64xi32, #tpu.memory_space<hbm>>
      %dma_wait3A_16 = tpu.memref_slice %arg3[%mul3A_2] : memref<2048xi32, #tpu.memory_space<hbm>> -> memref<64xi32, #tpu.memory_space<hbm>>
      tpu.wait_dma2 semaphore(%run_scoped3A : memref<!tpu.dma_semaphore, #tpu.memory_space<semaphore_mem>>) src(%dma_wait3A_16 : memref<64xi32, #tpu.memory_space<hbm>>) dst(%arg7 : memref<64xi32, #tpu.memory_space<vmem>>)
      tpu.yield
    }) : () -> ()
    "tpu.region"() ({
      %run_scoped3A = tpu.sem_alloc : memref<!tpu.dma_semaphore, #tpu.memory_space<semaphore_mem>>
      %dma_start3A_13 = tpu.memref_slice %arg4[%mul3A_2] : memref<2048xi32, #tpu.memory_space<hbm>> -> memref<64xi32, #tpu.memory_space<hbm>>
      %dma_start3A_14 = tpu.memref_slice %arg4[%mul3A_2] : memref<2048xi32, #tpu.memory_space<hbm>> -> memref<64xi32, #tpu.memory_space<hbm>>
      tpu.enqueue_dma source(%dma_start3A_14 : memref<64xi32, #tpu.memory_space<hbm>>) target(%arg8 : memref<64xi32, #tpu.memory_space<vmem>>) target_semaphore(%run_scoped3A : memref<!tpu.dma_semaphore, #tpu.memory_space<semaphore_mem>>)
      %dma_wait3A_15 = tpu.memref_slice %arg4[%mul3A_2] : memref<2048xi32, #tpu.memory_space<hbm>> -> memref<64xi32, #tpu.memory_space<hbm>>
      %dma_wait3A_16 = tpu.memref_slice %arg4[%mul3A_2] : memref<2048xi32, #tpu.memory_space<hbm>> -> memref<64xi32, #tpu.memory_space<hbm>>
      tpu.wait_dma2 semaphore(%run_scoped3A : memref<!tpu.dma_semaphore, #tpu.memory_space<semaphore_mem>>) src(%dma_wait3A_16 : memref<64xi32, #tpu.memory_space<hbm>>) dst(%arg8 : memref<64xi32, #tpu.memory_space<vmem>>)
      tpu.yield
    }) : () -> ()
    %dma_start3A = arith.constant 0 : i32
    %dma_start3A_3 = arith.constant 0 : i32
    %dma_start3A_4 = tpu.memref_slice %arg2[%dma_start3A, %dma_start3A_3] : memref<6144x512xf32, #tpu.memory_space<hbm>> -> memref<6144x512xf32, #tpu.memory_space<hbm>>
    tpu.enqueue_indirect_dma source(%dma_start3A_4 : memref<6144x512xf32, #tpu.memory_space<hbm>>) target(%arg9 : memref<64x512xf32, #tpu.memory_space<vmem>>) offsets(%arg7 : memref<64xi32, #tpu.memory_space<vmem>>) semaphore(%arg11 : memref<!tpu.dma_semaphore, #tpu.memory_space<semaphore_mem>>)
    %dma_start3A_5 = arith.constant 0 : i32
    %dma_start3A_6 = arith.constant 0 : i32
    %dma_start3A_7 = tpu.memref_slice %arg2[%dma_start3A_5, %dma_start3A_6] : memref<6144x512xf32, #tpu.memory_space<hbm>> -> memref<6144x512xf32, #tpu.memory_space<hbm>>
    tpu.enqueue_indirect_dma source(%dma_start3A_7 : memref<6144x512xf32, #tpu.memory_space<hbm>>) target(%arg10 : memref<64x512xf32, #tpu.memory_space<vmem>>) offsets(%arg8 : memref<64xi32, #tpu.memory_space<vmem>>) semaphore(%arg12 : memref<!tpu.dma_semaphore, #tpu.memory_space<semaphore_mem>>)
    %dma_wait3A = arith.constant 0 : i32
    %dma_wait3A_8 = arith.constant 0 : i32
    %dma_wait3A_9 = tpu.memref_slice %arg2[%dma_wait3A, %dma_wait3A_8] : memref<6144x512xf32, #tpu.memory_space<hbm>> -> memref<6144x512xf32, #tpu.memory_space<hbm>>
    tpu.wait_indirect_dma semaphore(%arg11 : memref<!tpu.dma_semaphore, #tpu.memory_space<semaphore_mem>>) src(%dma_wait3A_9 : memref<6144x512xf32, #tpu.memory_space<hbm>>) dst(%arg9 : memref<64x512xf32, #tpu.memory_space<vmem>>)
    %dma_wait3A_10 = arith.constant 0 : i32
    %dma_wait3A_11 = arith.constant 0 : i32
    %dma_wait3A_12 = tpu.memref_slice %arg2[%dma_wait3A_10, %dma_wait3A_11] : memref<6144x512xf32, #tpu.memory_space<hbm>> -> memref<6144x512xf32, #tpu.memory_space<hbm>>
    tpu.wait_indirect_dma semaphore(%arg12 : memref<!tpu.dma_semaphore, #tpu.memory_space<semaphore_mem>>) src(%dma_wait3A_12 : memref<6144x512xf32, #tpu.memory_space<hbm>>) dst(%arg10 : memref<64x512xf32, #tpu.memory_space<vmem>>)
    "tpu.region"() ({
      %run_scoped3A = tpu.sem_alloc : memref<!tpu.dma_semaphore, #tpu.memory_space<semaphore_mem>>
      %dma_start3A_13 = arith.constant 0 : i32
      %dma_start3A_14 = tpu.memref_slice %arg5[%mul3A_2, %dma_start3A_13] : memref<2048x512xf32, #tpu.memory_space<hbm>> -> memref<64x512xf32, #tpu.memory_space<hbm>>
      %dma_start3A_15 = arith.constant 0 : i32
      %dma_start3A_16 = tpu.memref_slice %arg5[%mul3A_2, %dma_start3A_15] : memref<2048x512xf32, #tpu.memory_space<hbm>> -> memref<64x512xf32, #tpu.memory_space<hbm>>
      tpu.enqueue_dma source(%arg9 : memref<64x512xf32, #tpu.memory_space<vmem>>) target(%dma_start3A_16 : memref<64x512xf32, #tpu.memory_space<hbm>>) target_semaphore(%run_scoped3A : memref<!tpu.dma_semaphore, #tpu.memory_space<semaphore_mem>>)
      %dma_wait3A_17 = arith.constant 0 : i32
      %dma_wait3A_18 = tpu.memref_slice %arg5[%mul3A_2, %dma_wait3A_17] : memref<2048x512xf32, #tpu.memory_space<hbm>> -> memref<64x512xf32, #tpu.memory_space<hbm>>
      %dma_wait3A_19 = arith.constant 0 : i32
      %dma_wait3A_20 = tpu.memref_slice %arg5[%mul3A_2, %dma_wait3A_19] : memref<2048x512xf32, #tpu.memory_space<hbm>> -> memref<64x512xf32, #tpu.memory_space<hbm>>
      tpu.wait_dma2 semaphore(%run_scoped3A : memref<!tpu.dma_semaphore, #tpu.memory_space<semaphore_mem>>) src(%arg9 : memref<64x512xf32, #tpu.memory_space<vmem>>) dst(%dma_wait3A_20 : memref<64x512xf32, #tpu.memory_space<hbm>>)
      tpu.yield
    }) : () -> ()
    "tpu.region"() ({
      %run_scoped3A = tpu.sem_alloc : memref<!tpu.dma_semaphore, #tpu.memory_space<semaphore_mem>>
      %dma_start3A_13 = arith.constant 0 : i32
      %dma_start3A_14 = tpu.memref_slice %arg6[%mul3A_2, %dma_start3A_13] : memref<2048x512xf32, #tpu.memory_space<hbm>> -> memref<64x512xf32, #tpu.memory_space<hbm>>
      %dma_start3A_15 = arith.constant 0 : i32
      %dma_start3A_16 = tpu.memref_slice %arg6[%mul3A_2, %dma_start3A_15] : memref<2048x512xf32, #tpu.memory_space<hbm>> -> memref<64x512xf32, #tpu.memory_space<hbm>>
      tpu.enqueue_dma source(%arg10 : memref<64x512xf32, #tpu.memory_space<vmem>>) target(%dma_start3A_16 : memref<64x512xf32, #tpu.memory_space<hbm>>) target_semaphore(%run_scoped3A : memref<!tpu.dma_semaphore, #tpu.memory_space<semaphore_mem>>)
      %dma_wait3A_17 = arith.constant 0 : i32
      %dma_wait3A_18 = tpu.memref_slice %arg6[%mul3A_2, %dma_wait3A_17] : memref<2048x512xf32, #tpu.memory_space<hbm>> -> memref<64x512xf32, #tpu.memory_space<hbm>>
      %dma_wait3A_19 = arith.constant 0 : i32
      %dma_wait3A_20 = tpu.memref_slice %arg6[%mul3A_2, %dma_wait3A_19] : memref<2048x512xf32, #tpu.memory_space<hbm>> -> memref<64x512xf32, #tpu.memory_space<hbm>>
      tpu.wait_dma2 semaphore(%run_scoped3A : memref<!tpu.dma_semaphore, #tpu.memory_space<semaphore_mem>>) src(%arg10 : memref<64x512xf32, #tpu.memory_space<vmem>>) dst(%dma_wait3A_20 : memref<64x512xf32, #tpu.memory_space<hbm>>)
      tpu.yield
    }) : () -> ()
    return
  }
}

#map = affine_map<(d0, d1) -> (0, 0)>
#map1 = affine_map<(d0, d1) -> (0)>
module attributes {stable_mosaic.version = 14 : i64} {
  func.func @k(%arg0: i32, %arg1: i32, %arg2: memref<2048x512xf32, #tpu.memory_space<hbm>>, %arg3: memref<2048xi32, #tpu.memory_space<hbm>>, %arg4: memref<2048xi32, #tpu.memory_space<hbm>>, %arg5: memref<6144x512xf32, #tpu.memory_space<hbm>>, %arg6: memref<64xi32, #tpu.memory_space<vmem>>, %arg7: memref<64xi32, #tpu.memory_space<vmem>>, %arg8: memref<64x512xf32, #tpu.memory_space<vmem>>, %arg9: memref<!tpu.dma_semaphore, #tpu.memory_space<semaphore_mem>>, %arg10: memref<!tpu.dma_semaphore, #tpu.memory_space<semaphore_mem>>) attributes {dimension_semantics = [#tpu.dimension_semantics<core_parallel>, #tpu.dimension_semantics<subcore_parallel>], iteration_bounds = array<i64: 2, 16>, scalar_prefetch = 0 : i64, scratch_operands = 5 : i64, tpu.core_type = #tpu.core_type<sc_vector_subcore>, window_params = [{transform_indices = #map}, {transform_indices = #map1}, {transform_indices = #map1}, {transform_indices = #map}]} {
    %mul3A = arith.constant 2 : i32
    %mul3A_0 = arith.muli %arg1, %mul3A : i32
    %add3A = arith.addi %mul3A_0, %arg0 : i32
    %mul3A_1 = arith.constant 64 : i32
    %mul3A_2 = arith.muli %add3A, %mul3A_1 : i32
    "tpu.region"() ({
      %run_scoped3A = tpu.sem_alloc : memref<!tpu.dma_semaphore, #tpu.memory_space<semaphore_mem>>
      %dma_start3A_13 = tpu.memref_slice %arg3[%mul3A_2] : memref<2048xi32, #tpu.memory_space<hbm>> -> memref<64xi32, #tpu.memory_space<hbm>>
      %dma_start3A_14 = tpu.memref_slice %arg3[%mul3A_2] : memref<2048xi32, #tpu.memory_space<hbm>> -> memref<64xi32, #tpu.memory_space<hbm>>
      tpu.enqueue_dma source(%dma_start3A_14 : memref<64xi32, #tpu.memory_space<hbm>>) target(%arg6 : memref<64xi32, #tpu.memory_space<vmem>>) target_semaphore(%run_scoped3A : memref<!tpu.dma_semaphore, #tpu.memory_space<semaphore_mem>>)
      %dma_wait3A_15 = tpu.memref_slice %arg3[%mul3A_2] : memref<2048xi32, #tpu.memory_space<hbm>> -> memref<64xi32, #tpu.memory_space<hbm>>
      %dma_wait3A_16 = tpu.memref_slice %arg3[%mul3A_2] : memref<2048xi32, #tpu.memory_space<hbm>> -> memref<64xi32, #tpu.memory_space<hbm>>
      tpu.wait_dma2 semaphore(%run_scoped3A : memref<!tpu.dma_semaphore, #tpu.memory_space<semaphore_mem>>) src(%dma_wait3A_16 : memref<64xi32, #tpu.memory_space<hbm>>) dst(%arg6 : memref<64xi32, #tpu.memory_space<vmem>>)
      tpu.yield
    }) : () -> ()
    "tpu.region"() ({
      %run_scoped3A = tpu.sem_alloc : memref<!tpu.dma_semaphore, #tpu.memory_space<semaphore_mem>>
      %dma_start3A_13 = tpu.memref_slice %arg4[%mul3A_2] : memref<2048xi32, #tpu.memory_space<hbm>> -> memref<64xi32, #tpu.memory_space<hbm>>
      %dma_start3A_14 = tpu.memref_slice %arg4[%mul3A_2] : memref<2048xi32, #tpu.memory_space<hbm>> -> memref<64xi32, #tpu.memory_space<hbm>>
      tpu.enqueue_dma source(%dma_start3A_14 : memref<64xi32, #tpu.memory_space<hbm>>) target(%arg7 : memref<64xi32, #tpu.memory_space<vmem>>) target_semaphore(%run_scoped3A : memref<!tpu.dma_semaphore, #tpu.memory_space<semaphore_mem>>)
      %dma_wait3A_15 = tpu.memref_slice %arg4[%mul3A_2] : memref<2048xi32, #tpu.memory_space<hbm>> -> memref<64xi32, #tpu.memory_space<hbm>>
      %dma_wait3A_16 = tpu.memref_slice %arg4[%mul3A_2] : memref<2048xi32, #tpu.memory_space<hbm>> -> memref<64xi32, #tpu.memory_space<hbm>>
      tpu.wait_dma2 semaphore(%run_scoped3A : memref<!tpu.dma_semaphore, #tpu.memory_space<semaphore_mem>>) src(%dma_wait3A_16 : memref<64xi32, #tpu.memory_space<hbm>>) dst(%arg7 : memref<64xi32, #tpu.memory_space<vmem>>)
      tpu.yield
    }) : () -> ()
    "tpu.region"() ({
      %run_scoped3A = tpu.sem_alloc : memref<!tpu.dma_semaphore, #tpu.memory_space<semaphore_mem>>
      %dma_start3A_13 = arith.constant 0 : i32
      %dma_start3A_14 = tpu.memref_slice %arg2[%mul3A_2, %dma_start3A_13] : memref<2048x512xf32, #tpu.memory_space<hbm>> -> memref<64x512xf32, #tpu.memory_space<hbm>>
      %dma_start3A_15 = arith.constant 0 : i32
      %dma_start3A_16 = tpu.memref_slice %arg2[%mul3A_2, %dma_start3A_15] : memref<2048x512xf32, #tpu.memory_space<hbm>> -> memref<64x512xf32, #tpu.memory_space<hbm>>
      tpu.enqueue_dma source(%dma_start3A_16 : memref<64x512xf32, #tpu.memory_space<hbm>>) target(%arg8 : memref<64x512xf32, #tpu.memory_space<vmem>>) target_semaphore(%run_scoped3A : memref<!tpu.dma_semaphore, #tpu.memory_space<semaphore_mem>>)
      %dma_wait3A_17 = arith.constant 0 : i32
      %dma_wait3A_18 = tpu.memref_slice %arg2[%mul3A_2, %dma_wait3A_17] : memref<2048x512xf32, #tpu.memory_space<hbm>> -> memref<64x512xf32, #tpu.memory_space<hbm>>
      %dma_wait3A_19 = arith.constant 0 : i32
      %dma_wait3A_20 = tpu.memref_slice %arg2[%mul3A_2, %dma_wait3A_19] : memref<2048x512xf32, #tpu.memory_space<hbm>> -> memref<64x512xf32, #tpu.memory_space<hbm>>
      tpu.wait_dma2 semaphore(%run_scoped3A : memref<!tpu.dma_semaphore, #tpu.memory_space<semaphore_mem>>) src(%dma_wait3A_20 : memref<64x512xf32, #tpu.memory_space<hbm>>) dst(%arg8 : memref<64x512xf32, #tpu.memory_space<vmem>>)
      tpu.yield
    }) : () -> ()
    %dma_start3A = arith.constant 0 : i32
    %dma_start3A_3 = arith.constant 0 : i32
    %dma_start3A_4 = tpu.memref_slice %arg5[%dma_start3A, %dma_start3A_3] : memref<6144x512xf32, #tpu.memory_space<hbm>> -> memref<6144x512xf32, #tpu.memory_space<hbm>>
    tpu.enqueue_indirect_dma source(%arg8 : memref<64x512xf32, #tpu.memory_space<vmem>>) target(%dma_start3A_4 : memref<6144x512xf32, #tpu.memory_space<hbm>>) offsets(%arg6 : memref<64xi32, #tpu.memory_space<vmem>>) semaphore(%arg9 : memref<!tpu.dma_semaphore, #tpu.memory_space<semaphore_mem>>)
    %dma_start3A_5 = arith.constant 0 : i32
    %dma_start3A_6 = arith.constant 0 : i32
    %dma_start3A_7 = tpu.memref_slice %arg5[%dma_start3A_5, %dma_start3A_6] : memref<6144x512xf32, #tpu.memory_space<hbm>> -> memref<6144x512xf32, #tpu.memory_space<hbm>>
    tpu.enqueue_indirect_dma source(%arg8 : memref<64x512xf32, #tpu.memory_space<vmem>>) target(%dma_start3A_7 : memref<6144x512xf32, #tpu.memory_space<hbm>>) offsets(%arg7 : memref<64xi32, #tpu.memory_space<vmem>>) semaphore(%arg10 : memref<!tpu.dma_semaphore, #tpu.memory_space<semaphore_mem>>)
    %dma_wait3A = arith.constant 0 : i32
    %dma_wait3A_8 = arith.constant 0 : i32
    %dma_wait3A_9 = tpu.memref_slice %arg5[%dma_wait3A, %dma_wait3A_8] : memref<6144x512xf32, #tpu.memory_space<hbm>> -> memref<6144x512xf32, #tpu.memory_space<hbm>>
    tpu.wait_indirect_dma semaphore(%arg9 : memref<!tpu.dma_semaphore, #tpu.memory_space<semaphore_mem>>) src(%arg8 : memref<64x512xf32, #tpu.memory_space<vmem>>) dst(%dma_wait3A_9 : memref<6144x512xf32, #tpu.memory_space<hbm>>)
    %dma_wait3A_10 = arith.constant 0 : i32
    %dma_wait3A_11 = arith.constant 0 : i32
    %dma_wait3A_12 = tpu.memref_slice %arg5[%dma_wait3A_10, %dma_wait3A_11] : memref<6144x512xf32, #tpu.memory_space<hbm>> -> memref<6144x512xf32, #tpu.memory_space<hbm>>
    tpu.wait_indirect_dma semaphore(%arg10 : memref<!tpu.dma_semaphore, #tpu.memory_space<semaphore_mem>>) src(%arg8 : memref<64x512xf32, #tpu.memory_space<vmem>>) dst(%dma_wait3A_12 : memref<6144x512xf32, #tpu.memory_space<hbm>>)
    return
  }
}

#map = affine_map<(d0, d1) -> (0, 0)>
#map1 = affine_map<(d0, d1) -> (0)>
module attributes {stable_mosaic.version = 14 : i64} {
  func.func @k(%arg0: i32, %arg1: i32, %arg2: memref<2048x512xf32, #tpu.memory_space<hbm>>, %arg3: memref<2048xi32, #tpu.memory_space<hbm>>, %arg4: memref<2048xi32, #tpu.memory_space<hbm>>, %arg5: memref<6144x512xf32, #tpu.memory_space<hbm>>, %arg6: memref<64xi32, #tpu.memory_space<vmem>>, %arg7: memref<64xi32, #tpu.memory_space<vmem>>, %arg8: memref<64x512xf32, #tpu.memory_space<vmem>>, %arg9: memref<!tpu.dma_semaphore, #tpu.memory_space<semaphore_mem>>, %arg10: memref<!tpu.dma_semaphore, #tpu.memory_space<semaphore_mem>>) attributes {dimension_semantics = [#tpu.dimension_semantics<core_parallel>, #tpu.dimension_semantics<subcore_parallel>], iteration_bounds = array<i64: 2, 16>, scalar_prefetch = 0 : i64, scratch_operands = 5 : i64, tpu.core_type = #tpu.core_type<sc_vector_subcore>, window_params = [{transform_indices = #map}, {transform_indices = #map1}, {transform_indices = #map1}, {transform_indices = #map}]} {
    %mul3A = arith.constant 2 : i32
    %mul3A_0 = arith.muli %arg1, %mul3A : i32
    %add3A = arith.addi %mul3A_0, %arg0 : i32
    %mul3A_1 = arith.constant 64 : i32
    %mul3A_2 = arith.muli %add3A, %mul3A_1 : i32
    "tpu.region"() ({
      %run_scoped3A = tpu.sem_alloc : memref<!tpu.dma_semaphore, #tpu.memory_space<semaphore_mem>>
      %dma_start3A_13 = tpu.memref_slice %arg3[%mul3A_2] : memref<2048xi32, #tpu.memory_space<hbm>> -> memref<64xi32, #tpu.memory_space<hbm>>
      %dma_start3A_14 = tpu.memref_slice %arg3[%mul3A_2] : memref<2048xi32, #tpu.memory_space<hbm>> -> memref<64xi32, #tpu.memory_space<hbm>>
      tpu.enqueue_dma source(%dma_start3A_14 : memref<64xi32, #tpu.memory_space<hbm>>) target(%arg6 : memref<64xi32, #tpu.memory_space<vmem>>) target_semaphore(%run_scoped3A : memref<!tpu.dma_semaphore, #tpu.memory_space<semaphore_mem>>)
      %dma_wait3A_15 = tpu.memref_slice %arg3[%mul3A_2] : memref<2048xi32, #tpu.memory_space<hbm>> -> memref<64xi32, #tpu.memory_space<hbm>>
      %dma_wait3A_16 = tpu.memref_slice %arg3[%mul3A_2] : memref<2048xi32, #tpu.memory_space<hbm>> -> memref<64xi32, #tpu.memory_space<hbm>>
      tpu.wait_dma2 semaphore(%run_scoped3A : memref<!tpu.dma_semaphore, #tpu.memory_space<semaphore_mem>>) src(%dma_wait3A_16 : memref<64xi32, #tpu.memory_space<hbm>>) dst(%arg6 : memref<64xi32, #tpu.memory_space<vmem>>)
      tpu.yield
    }) : () -> ()
    "tpu.region"() ({
      %run_scoped3A = tpu.sem_alloc : memref<!tpu.dma_semaphore, #tpu.memory_space<semaphore_mem>>
      %dma_start3A_13 = tpu.memref_slice %arg4[%mul3A_2] : memref<2048xi32, #tpu.memory_space<hbm>> -> memref<64xi32, #tpu.memory_space<hbm>>
      %dma_start3A_14 = tpu.memref_slice %arg4[%mul3A_2] : memref<2048xi32, #tpu.memory_space<hbm>> -> memref<64xi32, #tpu.memory_space<hbm>>
      tpu.enqueue_dma source(%dma_start3A_14 : memref<64xi32, #tpu.memory_space<hbm>>) target(%arg7 : memref<64xi32, #tpu.memory_space<vmem>>) target_semaphore(%run_scoped3A : memref<!tpu.dma_semaphore, #tpu.memory_space<semaphore_mem>>)
      %dma_wait3A_15 = tpu.memref_slice %arg4[%mul3A_2] : memref<2048xi32, #tpu.memory_space<hbm>> -> memref<64xi32, #tpu.memory_space<hbm>>
      %dma_wait3A_16 = tpu.memref_slice %arg4[%mul3A_2] : memref<2048xi32, #tpu.memory_space<hbm>> -> memref<64xi32, #tpu.memory_space<hbm>>
      tpu.wait_dma2 semaphore(%run_scoped3A : memref<!tpu.dma_semaphore, #tpu.memory_space<semaphore_mem>>) src(%dma_wait3A_16 : memref<64xi32, #tpu.memory_space<hbm>>) dst(%arg7 : memref<64xi32, #tpu.memory_space<vmem>>)
      tpu.yield
    }) : () -> ()
    "tpu.region"() ({
      %run_scoped3A = tpu.sem_alloc : memref<!tpu.dma_semaphore, #tpu.memory_space<semaphore_mem>>
      %dma_start3A_13 = arith.constant 0 : i32
      %dma_start3A_14 = tpu.memref_slice %arg2[%mul3A_2, %dma_start3A_13] : memref<2048x512xf32, #tpu.memory_space<hbm>> -> memref<64x512xf32, #tpu.memory_space<hbm>>
      %dma_start3A_15 = arith.constant 0 : i32
      %dma_start3A_16 = tpu.memref_slice %arg2[%mul3A_2, %dma_start3A_15] : memref<2048x512xf32, #tpu.memory_space<hbm>> -> memref<64x512xf32, #tpu.memory_space<hbm>>
      tpu.enqueue_dma source(%dma_start3A_16 : memref<64x512xf32, #tpu.memory_space<hbm>>) target(%arg8 : memref<64x512xf32, #tpu.memory_space<vmem>>) target_semaphore(%run_scoped3A : memref<!tpu.dma_semaphore, #tpu.memory_space<semaphore_mem>>)
      %dma_wait3A_17 = arith.constant 0 : i32
      %dma_wait3A_18 = tpu.memref_slice %arg2[%mul3A_2, %dma_wait3A_17] : memref<2048x512xf32, #tpu.memory_space<hbm>> -> memref<64x512xf32, #tpu.memory_space<hbm>>
      %dma_wait3A_19 = arith.constant 0 : i32
      %dma_wait3A_20 = tpu.memref_slice %arg2[%mul3A_2, %dma_wait3A_19] : memref<2048x512xf32, #tpu.memory_space<hbm>> -> memref<64x512xf32, #tpu.memory_space<hbm>>
      tpu.wait_dma2 semaphore(%run_scoped3A : memref<!tpu.dma_semaphore, #tpu.memory_space<semaphore_mem>>) src(%dma_wait3A_20 : memref<64x512xf32, #tpu.memory_space<hbm>>) dst(%arg8 : memref<64x512xf32, #tpu.memory_space<vmem>>)
      tpu.yield
    }) : () -> ()
    %dma_start3A = arith.constant 0 : i32
    %dma_start3A_3 = arith.constant 0 : i32
    %dma_start3A_4 = tpu.memref_slice %arg5[%dma_start3A, %dma_start3A_3] : memref<6144x512xf32, #tpu.memory_space<hbm>> -> memref<6144x512xf32, #tpu.memory_space<hbm>>
    tpu.enqueue_indirect_dma source(%arg8 : memref<64x512xf32, #tpu.memory_space<vmem>>) target(%dma_start3A_4 : memref<6144x512xf32, #tpu.memory_space<hbm>>) offsets(%arg6 : memref<64xi32, #tpu.memory_space<vmem>>) semaphore(%arg9 : memref<!tpu.dma_semaphore, #tpu.memory_space<semaphore_mem>>)
    %dma_start3A_5 = arith.constant 0 : i32
    %dma_start3A_6 = arith.constant 0 : i32
    %dma_start3A_7 = tpu.memref_slice %arg5[%dma_start3A_5, %dma_start3A_6] : memref<6144x512xf32, #tpu.memory_space<hbm>> -> memref<6144x512xf32, #tpu.memory_space<hbm>>
    tpu.enqueue_indirect_dma source(%arg8 : memref<64x512xf32, #tpu.memory_space<vmem>>) target(%dma_start3A_7 : memref<6144x512xf32, #tpu.memory_space<hbm>>) offsets(%arg7 : memref<64xi32, #tpu.memory_space<vmem>>) semaphore(%arg10 : memref<!tpu.dma_semaphore, #tpu.memory_space<semaphore_mem>>)
    %dma_wait3A = arith.constant 0 : i32
    %dma_wait3A_8 = arith.constant 0 : i32
    %dma_wait3A_9 = tpu.memref_slice %arg5[%dma_wait3A, %dma_wait3A_8] : memref<6144x512xf32, #tpu.memory_space<hbm>> -> memref<6144x512xf32, #tpu.memory_space<hbm>>
    tpu.wait_indirect_dma semaphore(%arg9 : memref<!tpu.dma_semaphore, #tpu.memory_space<semaphore_mem>>) src(%arg8 : memref<64x512xf32, #tpu.memory_space<vmem>>) dst(%dma_wait3A_9 : memref<6144x512xf32, #tpu.memory_space<hbm>>)
    %dma_wait3A_10 = arith.constant 0 : i32
    %dma_wait3A_11 = arith.constant 0 : i32
    %dma_wait3A_12 = tpu.memref_slice %arg5[%dma_wait3A_10, %dma_wait3A_11] : memref<6144x512xf32, #tpu.memory_space<hbm>> -> memref<6144x512xf32, #tpu.memory_space<hbm>>
    tpu.wait_indirect_dma semaphore(%arg10 : memref<!tpu.dma_semaphore, #tpu.memory_space<semaphore_mem>>) src(%arg8 : memref<64x512xf32, #tpu.memory_space<vmem>>) dst(%dma_wait3A_12 : memref<6144x512xf32, #tpu.memory_space<hbm>>)
    return
  }
}

module attributes {stable_mosaic.version = 14 : i64} {
  func.func @_a0_first_body(%arg0: memref<16xf32, #tpu.memory_space<smem>>, %arg1: memref<16xf32, #tpu.memory_space<smem>>, %arg2: memref<16xf32, #tpu.memory_space<smem>>, %arg3: memref<2048x1xi32, #tpu.memory_space<vmem>>, %arg4: memref<1x2048xf32, #tpu.memory_space<vmem>>, %arg5: memref<8x2048xf32, #tpu.memory_space<vmem>>, %arg6: memref<119x200xf32, #tpu.memory_space<vmem>>, %arg7: memref<200x512xf32, #tpu.memory_space<vmem>>, %arg8: memref<1x512xf32, #tpu.memory_space<vmem>>, %arg9: memref<512x512xbf16, #tpu.memory_space<vmem>>, %arg10: memref<1x512xf32, #tpu.memory_space<vmem>>, %arg11: memref<512x512xbf16, #tpu.memory_space<vmem>>, %arg12: memref<1x512xf32, #tpu.memory_space<vmem>>, %arg13: memref<512x512xbf16, #tpu.memory_space<vmem>>, %arg14: memref<1x512xf32, #tpu.memory_space<vmem>>, %arg15: memref<1x512xf32, #tpu.memory_space<vmem>>, %arg16: memref<1x512xf32, #tpu.memory_space<vmem>>, %arg17: memref<512x8xf32, #tpu.memory_space<vmem>>, %arg18: memref<1x8xf32, #tpu.memory_space<vmem>>, %arg19: memref<2048x512xf32, #tpu.memory_space<vmem>>, %arg20: memref<2048x1xi32, #tpu.memory_space<vmem>>, %arg21: memref<2048x1xi32, #tpu.memory_space<vmem>>, %arg22: memref<2048x1xf32, #tpu.memory_space<vmem>>, %arg23: memref<2048x1xf32, #tpu.memory_space<vmem>>, %arg24: memref<24x1xi32, #tpu.memory_space<vmem>>, %arg25: memref<24x1xi32, #tpu.memory_space<vmem>>, %arg26: memref<2048x8xf32, #tpu.memory_space<vmem>>) attributes {dimension_semantics = [], scalar_prefetch = 0 : i64, scratch_operands = 0 : i64, tpu.core_type = #tpu.core_type<tc>} {
    %get3A = arith.constant 0 : index
    %get3A_0 = arith.constant 0 : index
    %get3A_1 = vector.load %arg6[%get3A, %get3A_0] : memref<119x200xf32, #tpu.memory_space<vmem>>, vector<119x200xf32>
    %get3A_2 = arith.constant 0 : index
    %get3A_3 = arith.constant 0 : index
    %get3A_4 = vector.load %arg7[%get3A_2, %get3A_3] : memref<200x512xf32, #tpu.memory_space<vmem>>, vector<200x512xf32>
    %dot_general3A = arith.constant dense<0.000000e+00> : vector<119x512xf32>
    %dot_general3A_5 = tpu.matmul %get3A_1, %get3A_4, %dot_general3A {dimension_numbers = #tpu.dot_dimension_numbers<[1], [0], [0], [1], [0, 0, 1, 1], [], []>, transpose_lhs_hint = false} : vector<119x200xf32>, vector<200x512xf32>, vector<119x512xf32> -> vector<119x512xf32>
    %get3A_6 = arith.constant 0 : index
    %get3A_7 = arith.constant 0 : index
    %get3A_8 = vector.load %arg3[%get3A_6, %get3A_7] : memref<2048x1xi32, #tpu.memory_space<vmem>>, vector<2048x1xi32>
    %iota3A = tpu.iota {dimensions = array<i32: 1>} : vector<2048x119xi32>
    %eq3A = vector.broadcast %get3A_8 : vector<2048x1xi32> to vector<2048x119xi32>
    %eq3A_9 = arith.cmpi eq, %eq3A, %iota3A : vector<2048x119xi32>
    %convert_element_type3A = arith.extui %eq3A_9 : vector<2048x119xi1> to vector<2048x119xi32>
    %convert_element_type3A_10 = arith.sitofp %convert_element_type3A : vector<2048x119xi32> to vector<2048x119xf32>
    %dot_general3A_11 = arith.constant dense<0.000000e+00> : vector<2048x512xf32>
    %dot_general3A_12 = tpu.matmul %convert_element_type3A_10, %dot_general3A_5, %dot_general3A_11 {dimension_numbers = #tpu.dot_dimension_numbers<[1], [0], [0], [1], [0, 0, 1, 1], [], []>, transpose_lhs_hint = false} : vector<2048x119xf32>, vector<119x512xf32>, vector<2048x512xf32> -> vector<2048x512xf32>
    %get3A_13 = arith.constant 0 : index
    %get3A_14 = arith.constant 0 : index
    %get3A_15 = vector.load %arg8[%get3A_13, %get3A_14] : memref<1x512xf32, #tpu.memory_space<vmem>>, vector<1x512xf32>
    %add3A = vector.broadcast %get3A_15 : vector<1x512xf32> to vector<2048x512xf32>
    %add3A_16 = arith.addf %dot_general3A_12, %add3A : vector<2048x512xf32>
    %get3A_17 = arith.constant 0 : index
    %get3A_18 = arith.constant 0 : index
    %get3A_19 = vector.load %arg5[%get3A_17, %get3A_18] : memref<8x2048xf32, #tpu.memory_space<vmem>>, vector<8x2048xf32>
    %get3A_20 = arith.constant 0 : index
    %get3A_21 = arith.constant 0 : index
    %get3A_22 = vector.load %arg4[%get3A_20, %get3A_21] : memref<1x2048xf32, #tpu.memory_space<vmem>>, vector<1x2048xf32>
    %sub3A = vector.broadcast %get3A_22 : vector<1x2048xf32> to vector<8x2048xf32>
    %sub3A_23 = arith.subf %get3A_19, %sub3A : vector<8x2048xf32>
    %mul3A = arith.constant 1.000000e+01 : f32
    %mul3A_24 = vector.broadcast %mul3A : f32 to vector<8x2048xf32>
    %mul3A_25 = arith.mulf %sub3A_23, %mul3A_24 : vector<8x2048xf32>
    %broadcast_in_dim3A = arith.constant 0.000000e+00 : f32
    %broadcast_in_dim3A_26 = vector.broadcast %broadcast_in_dim3A : f32 to vector<8x2048xf32>
    %get3A_27 = arith.constant 0 : index
    %get3A_28 = memref.load %arg0[%get3A_27] : memref<16xf32, #tpu.memory_space<smem>>
    %mul3A_29 = vector.broadcast %get3A_28 : f32 to vector<8x2048xf32>
    %mul3A_30 = arith.mulf %mul3A_25, %mul3A_29 : vector<8x2048xf32>
    %get3A_31 = arith.constant 0 : index
    %get3A_32 = memref.load %arg1[%get3A_31] : memref<16xf32, #tpu.memory_space<smem>>
    %add3A_33 = vector.broadcast %get3A_32 : f32 to vector<8x2048xf32>
    %add3A_34 = arith.addf %mul3A_30, %add3A_33 : vector<8x2048xf32>
    %cos3A = math.cos %add3A_34 : vector<8x2048xf32>
    %get3A_35 = arith.constant 0 : index
    %get3A_36 = memref.load %arg2[%get3A_35] : memref<16xf32, #tpu.memory_space<smem>>
    %mul3A_37 = vector.broadcast %get3A_36 : f32 to vector<8x2048xf32>
    %mul3A_38 = arith.mulf %cos3A, %mul3A_37 : vector<8x2048xf32>
    %add3A_39 = arith.addf %broadcast_in_dim3A_26, %mul3A_38 : vector<8x2048xf32>
    %get3A_40 = arith.constant 1 : index
    %get3A_41 = memref.load %arg0[%get3A_40] : memref<16xf32, #tpu.memory_space<smem>>
    %mul3A_42 = vector.broadcast %get3A_41 : f32 to vector<8x2048xf32>
    %mul3A_43 = arith.mulf %mul3A_25, %mul3A_42 : vector<8x2048xf32>
    %get3A_44 = arith.constant 1 : index
    %get3A_45 = memref.load %arg1[%get3A_44] : memref<16xf32, #tpu.memory_space<smem>>
    %add3A_46 = vector.broadcast %get3A_45 : f32 to vector<8x2048xf32>
    %add3A_47 = arith.addf %mul3A_43, %add3A_46 : vector<8x2048xf32>
    %cos3A_48 = math.cos %add3A_47 : vector<8x2048xf32>
    %get3A_49 = arith.constant 1 : index
    %get3A_50 = memref.load %arg2[%get3A_49] : memref<16xf32, #tpu.memory_space<smem>>
    %mul3A_51 = vector.broadcast %get3A_50 : f32 to vector<8x2048xf32>
    %mul3A_52 = arith.mulf %cos3A_48, %mul3A_51 : vector<8x2048xf32>
    %add3A_53 = arith.addf %add3A_39, %mul3A_52 : vector<8x2048xf32>
    %get3A_54 = arith.constant 2 : index
    %get3A_55 = memref.load %arg0[%get3A_54] : memref<16xf32, #tpu.memory_space<smem>>
    %mul3A_56 = vector.broadcast %get3A_55 : f32 to vector<8x2048xf32>
    %mul3A_57 = arith.mulf %mul3A_25, %mul3A_56 : vector<8x2048xf32>
    %get3A_58 = arith.constant 2 : index
    %get3A_59 = memref.load %arg1[%get3A_58] : memref<16xf32, #tpu.memory_space<smem>>
    %add3A_60 = vector.broadcast %get3A_59 : f32 to vector<8x2048xf32>
    %add3A_61 = arith.addf %mul3A_57, %add3A_60 : vector<8x2048xf32>
    %cos3A_62 = math.cos %add3A_61 : vector<8x2048xf32>
    %get3A_63 = arith.constant 2 : index
    %get3A_64 = memref.load %arg2[%get3A_63] : memref<16xf32, #tpu.memory_space<smem>>
    %mul3A_65 = vector.broadcast %get3A_64 : f32 to vector<8x2048xf32>
    %mul3A_66 = arith.mulf %cos3A_62, %mul3A_65 : vector<8x2048xf32>
    %add3A_67 = arith.addf %add3A_53, %mul3A_66 : vector<8x2048xf32>
    %get3A_68 = arith.constant 3 : index
    %get3A_69 = memref.load %arg0[%get3A_68] : memref<16xf32, #tpu.memory_space<smem>>
    %mul3A_70 = vector.broadcast %get3A_69 : f32 to vector<8x2048xf32>
    %mul3A_71 = arith.mulf %mul3A_25, %mul3A_70 : vector<8x2048xf32>
    %get3A_72 = arith.constant 3 : index
    %get3A_73 = memref.load %arg1[%get3A_72] : memref<16xf32, #tpu.memory_space<smem>>
    %add3A_74 = vector.broadcast %get3A_73 : f32 to vector<8x2048xf32>
    %add3A_75 = arith.addf %mul3A_71, %add3A_74 : vector<8x2048xf32>
    %cos3A_76 = math.cos %add3A_75 : vector<8x2048xf32>
    %get3A_77 = arith.constant 3 : index
    %get3A_78 = memref.load %arg2[%get3A_77] : memref<16xf32, #tpu.memory_space<smem>>
    %mul3A_79 = vector.broadcast %get3A_78 : f32 to vector<8x2048xf32>
    %mul3A_80 = arith.mulf %cos3A_76, %mul3A_79 : vector<8x2048xf32>
    %add3A_81 = arith.addf %add3A_67, %mul3A_80 : vector<8x2048xf32>
    %get3A_82 = arith.constant 4 : index
    %get3A_83 = memref.load %arg0[%get3A_82] : memref<16xf32, #tpu.memory_space<smem>>
    %mul3A_84 = vector.broadcast %get3A_83 : f32 to vector<8x2048xf32>
    %mul3A_85 = arith.mulf %mul3A_25, %mul3A_84 : vector<8x2048xf32>
    %get3A_86 = arith.constant 4 : index
    %get3A_87 = memref.load %arg1[%get3A_86] : memref<16xf32, #tpu.memory_space<smem>>
    %add3A_88 = vector.broadcast %get3A_87 : f32 to vector<8x2048xf32>
    %add3A_89 = arith.addf %mul3A_85, %add3A_88 : vector<8x2048xf32>
    %cos3A_90 = math.cos %add3A_89 : vector<8x2048xf32>
    %get3A_91 = arith.constant 4 : index
    %get3A_92 = memref.load %arg2[%get3A_91] : memref<16xf32, #tpu.memory_space<smem>>
    %mul3A_93 = vector.broadcast %get3A_92 : f32 to vector<8x2048xf32>
    %mul3A_94 = arith.mulf %cos3A_90, %mul3A_93 : vector<8x2048xf32>
    %add3A_95 = arith.addf %add3A_81, %mul3A_94 : vector<8x2048xf32>
    %get3A_96 = arith.constant 5 : index
    %get3A_97 = memref.load %arg0[%get3A_96] : memref<16xf32, #tpu.memory_space<smem>>
    %mul3A_98 = vector.broadcast %get3A_97 : f32 to vector<8x2048xf32>
    %mul3A_99 = arith.mulf %mul3A_25, %mul3A_98 : vector<8x2048xf32>
    %get3A_100 = arith.constant 5 : index
    %get3A_101 = memref.load %arg1[%get3A_100] : memref<16xf32, #tpu.memory_space<smem>>
    %add3A_102 = vector.broadcast %get3A_101 : f32 to vector<8x2048xf32>
    %add3A_103 = arith.addf %mul3A_99, %add3A_102 : vector<8x2048xf32>
    %cos3A_104 = math.cos %add3A_103 : vector<8x2048xf32>
    %get3A_105 = arith.constant 5 : index
    %get3A_106 = memref.load %arg2[%get3A_105] : memref<16xf32, #tpu.memory_space<smem>>
    %mul3A_107 = vector.broadcast %get3A_106 : f32 to vector<8x2048xf32>
    %mul3A_108 = arith.mulf %cos3A_104, %mul3A_107 : vector<8x2048xf32>
    %add3A_109 = arith.addf %add3A_95, %mul3A_108 : vector<8x2048xf32>
    %get3A_110 = arith.constant 6 : index
    %get3A_111 = memref.load %arg0[%get3A_110] : memref<16xf32, #tpu.memory_space<smem>>
    %mul3A_112 = vector.broadcast %get3A_111 : f32 to vector<8x2048xf32>
    %mul3A_113 = arith.mulf %mul3A_25, %mul3A_112 : vector<8x2048xf32>
    %get3A_114 = arith.constant 6 : index
    %get3A_115 = memref.load %arg1[%get3A_114] : memref<16xf32, #tpu.memory_space<smem>>
    %add3A_116 = vector.broadcast %get3A_115 : f32 to vector<8x2048xf32>
    %add3A_117 = arith.addf %mul3A_113, %add3A_116 : vector<8x2048xf32>
    %cos3A_118 = math.cos %add3A_117 : vector<8x2048xf32>
    %get3A_119 = arith.constant 6 : index
    %get3A_120 = memref.load %arg2[%get3A_119] : memref<16xf32, #tpu.memory_space<smem>>
    %mul3A_121 = vector.broadcast %get3A_120 : f32 to vector<8x2048xf32>
    %mul3A_122 = arith.mulf %cos3A_118, %mul3A_121 : vector<8x2048xf32>
    %add3A_123 = arith.addf %add3A_109, %mul3A_122 : vector<8x2048xf32>
    %get3A_124 = arith.constant 7 : index
    %get3A_125 = memref.load %arg0[%get3A_124] : memref<16xf32, #tpu.memory_space<smem>>
    %mul3A_126 = vector.broadcast %get3A_125 : f32 to vector<8x2048xf32>
    %mul3A_127 = arith.mulf %mul3A_25, %mul3A_126 : vector<8x2048xf32>
    %get3A_128 = arith.constant 7 : index
    %get3A_129 = memref.load %arg1[%get3A_128] : memref<16xf32, #tpu.memory_space<smem>>
    %add3A_130 = vector.broadcast %get3A_129 : f32 to vector<8x2048xf32>
    %add3A_131 = arith.addf %mul3A_127, %add3A_130 : vector<8x2048xf32>
    %cos3A_132 = math.cos %add3A_131 : vector<8x2048xf32>
    %get3A_133 = arith.constant 7 : index
    %get3A_134 = memref.load %arg2[%get3A_133] : memref<16xf32, #tpu.memory_space<smem>>
    %mul3A_135 = vector.broadcast %get3A_134 : f32 to vector<8x2048xf32>
    %mul3A_136 = arith.mulf %cos3A_132, %mul3A_135 : vector<8x2048xf32>
    %add3A_137 = arith.addf %add3A_123, %mul3A_136 : vector<8x2048xf32>
    %get3A_138 = arith.constant 8 : index
    %get3A_139 = memref.load %arg0[%get3A_138] : memref<16xf32, #tpu.memory_space<smem>>
    %mul3A_140 = vector.broadcast %get3A_139 : f32 to vector<8x2048xf32>
    %mul3A_141 = arith.mulf %mul3A_25, %mul3A_140 : vector<8x2048xf32>
    %get3A_142 = arith.constant 8 : index
    %get3A_143 = memref.load %arg1[%get3A_142] : memref<16xf32, #tpu.memory_space<smem>>
    %add3A_144 = vector.broadcast %get3A_143 : f32 to vector<8x2048xf32>
    %add3A_145 = arith.addf %mul3A_141, %add3A_144 : vector<8x2048xf32>
    %cos3A_146 = math.cos %add3A_145 : vector<8x2048xf32>
    %get3A_147 = arith.constant 8 : index
    %get3A_148 = memref.load %arg2[%get3A_147] : memref<16xf32, #tpu.memory_space<smem>>
    %mul3A_149 = vector.broadcast %get3A_148 : f32 to vector<8x2048xf32>
    %mul3A_150 = arith.mulf %cos3A_146, %mul3A_149 : vector<8x2048xf32>
    %add3A_151 = arith.addf %add3A_137, %mul3A_150 : vector<8x2048xf32>
    %get3A_152 = arith.constant 9 : index
    %get3A_153 = memref.load %arg0[%get3A_152] : memref<16xf32, #tpu.memory_space<smem>>
    %mul3A_154 = vector.broadcast %get3A_153 : f32 to vector<8x2048xf32>
    %mul3A_155 = arith.mulf %mul3A_25, %mul3A_154 : vector<8x2048xf32>
    %get3A_156 = arith.constant 9 : index
    %get3A_157 = memref.load %arg1[%get3A_156] : memref<16xf32, #tpu.memory_space<smem>>
    %add3A_158 = vector.broadcast %get3A_157 : f32 to vector<8x2048xf32>
    %add3A_159 = arith.addf %mul3A_155, %add3A_158 : vector<8x2048xf32>
    %cos3A_160 = math.cos %add3A_159 : vector<8x2048xf32>
    %get3A_161 = arith.constant 9 : index
    %get3A_162 = memref.load %arg2[%get3A_161] : memref<16xf32, #tpu.memory_space<smem>>
    %mul3A_163 = vector.broadcast %get3A_162 : f32 to vector<8x2048xf32>
    %mul3A_164 = arith.mulf %cos3A_160, %mul3A_163 : vector<8x2048xf32>
    %add3A_165 = arith.addf %add3A_151, %mul3A_164 : vector<8x2048xf32>
    %get3A_166 = arith.constant 10 : index
    %get3A_167 = memref.load %arg0[%get3A_166] : memref<16xf32, #tpu.memory_space<smem>>
    %mul3A_168 = vector.broadcast %get3A_167 : f32 to vector<8x2048xf32>
    %mul3A_169 = arith.mulf %mul3A_25, %mul3A_168 : vector<8x2048xf32>
    %get3A_170 = arith.constant 10 : index
    %get3A_171 = memref.load %arg1[%get3A_170] : memref<16xf32, #tpu.memory_space<smem>>
    %add3A_172 = vector.broadcast %get3A_171 : f32 to vector<8x2048xf32>
    %add3A_173 = arith.addf %mul3A_169, %add3A_172 : vector<8x2048xf32>
    %cos3A_174 = math.cos %add3A_173 : vector<8x2048xf32>
    %get3A_175 = arith.constant 10 : index
    %get3A_176 = memref.load %arg2[%get3A_175] : memref<16xf32, #tpu.memory_space<smem>>
    %mul3A_177 = vector.broadcast %get3A_176 : f32 to vector<8x2048xf32>
    %mul3A_178 = arith.mulf %cos3A_174, %mul3A_177 : vector<8x2048xf32>
    %add3A_179 = arith.addf %add3A_165, %mul3A_178 : vector<8x2048xf32>
    %get3A_180 = arith.constant 11 : index
    %get3A_181 = memref.load %arg0[%get3A_180] : memref<16xf32, #tpu.memory_space<smem>>
    %mul3A_182 = vector.broadcast %get3A_181 : f32 to vector<8x2048xf32>
    %mul3A_183 = arith.mulf %mul3A_25, %mul3A_182 : vector<8x2048xf32>
    %get3A_184 = arith.constant 11 : index
    %get3A_185 = memref.load %arg1[%get3A_184] : memref<16xf32, #tpu.memory_space<smem>>
    %add3A_186 = vector.broadcast %get3A_185 : f32 to vector<8x2048xf32>
    %add3A_187 = arith.addf %mul3A_183, %add3A_186 : vector<8x2048xf32>
    %cos3A_188 = math.cos %add3A_187 : vector<8x2048xf32>
    %get3A_189 = arith.constant 11 : index
    %get3A_190 = memref.load %arg2[%get3A_189] : memref<16xf32, #tpu.memory_space<smem>>
    %mul3A_191 = vector.broadcast %get3A_190 : f32 to vector<8x2048xf32>
    %mul3A_192 = arith.mulf %cos3A_188, %mul3A_191 : vector<8x2048xf32>
    %add3A_193 = arith.addf %add3A_179, %mul3A_192 : vector<8x2048xf32>
    %get3A_194 = arith.constant 12 : index
    %get3A_195 = memref.load %arg0[%get3A_194] : memref<16xf32, #tpu.memory_space<smem>>
    %mul3A_196 = vector.broadcast %get3A_195 : f32 to vector<8x2048xf32>
    %mul3A_197 = arith.mulf %mul3A_25, %mul3A_196 : vector<8x2048xf32>
    %get3A_198 = arith.constant 12 : index
    %get3A_199 = memref.load %arg1[%get3A_198] : memref<16xf32, #tpu.memory_space<smem>>
    %add3A_200 = vector.broadcast %get3A_199 : f32 to vector<8x2048xf32>
    %add3A_201 = arith.addf %mul3A_197, %add3A_200 : vector<8x2048xf32>
    %cos3A_202 = math.cos %add3A_201 : vector<8x2048xf32>
    %get3A_203 = arith.constant 12 : index
    %get3A_204 = memref.load %arg2[%get3A_203] : memref<16xf32, #tpu.memory_space<smem>>
    %mul3A_205 = vector.broadcast %get3A_204 : f32 to vector<8x2048xf32>
    %mul3A_206 = arith.mulf %cos3A_202, %mul3A_205 : vector<8x2048xf32>
    %add3A_207 = arith.addf %add3A_193, %mul3A_206 : vector<8x2048xf32>
    %get3A_208 = arith.constant 13 : index
    %get3A_209 = memref.load %arg0[%get3A_208] : memref<16xf32, #tpu.memory_space<smem>>
    %mul3A_210 = vector.broadcast %get3A_209 : f32 to vector<8x2048xf32>
    %mul3A_211 = arith.mulf %mul3A_25, %mul3A_210 : vector<8x2048xf32>
    %get3A_212 = arith.constant 13 : index
    %get3A_213 = memref.load %arg1[%get3A_212] : memref<16xf32, #tpu.memory_space<smem>>
    %add3A_214 = vector.broadcast %get3A_213 : f32 to vector<8x2048xf32>
    %add3A_215 = arith.addf %mul3A_211, %add3A_214 : vector<8x2048xf32>
    %cos3A_216 = math.cos %add3A_215 : vector<8x2048xf32>
    %get3A_217 = arith.constant 13 : index
    %get3A_218 = memref.load %arg2[%get3A_217] : memref<16xf32, #tpu.memory_space<smem>>
    %mul3A_219 = vector.broadcast %get3A_218 : f32 to vector<8x2048xf32>
    %mul3A_220 = arith.mulf %cos3A_216, %mul3A_219 : vector<8x2048xf32>
    %add3A_221 = arith.addf %add3A_207, %mul3A_220 : vector<8x2048xf32>
    %get3A_222 = arith.constant 14 : index
    %get3A_223 = memref.load %arg0[%get3A_222] : memref<16xf32, #tpu.memory_space<smem>>
    %mul3A_224 = vector.broadcast %get3A_223 : f32 to vector<8x2048xf32>
    %mul3A_225 = arith.mulf %mul3A_25, %mul3A_224 : vector<8x2048xf32>
    %get3A_226 = arith.constant 14 : index
    %get3A_227 = memref.load %arg1[%get3A_226] : memref<16xf32, #tpu.memory_space<smem>>
    %add3A_228 = vector.broadcast %get3A_227 : f32 to vector<8x2048xf32>
    %add3A_229 = arith.addf %mul3A_225, %add3A_228 : vector<8x2048xf32>
    %cos3A_230 = math.cos %add3A_229 : vector<8x2048xf32>
    %get3A_231 = arith.constant 14 : index
    %get3A_232 = memref.load %arg2[%get3A_231] : memref<16xf32, #tpu.memory_space<smem>>
    %mul3A_233 = vector.broadcast %get3A_232 : f32 to vector<8x2048xf32>
    %mul3A_234 = arith.mulf %cos3A_230, %mul3A_233 : vector<8x2048xf32>
    %add3A_235 = arith.addf %add3A_221, %mul3A_234 : vector<8x2048xf32>
    %get3A_236 = arith.constant 15 : index
    %get3A_237 = memref.load %arg0[%get3A_236] : memref<16xf32, #tpu.memory_space<smem>>
    %mul3A_238 = vector.broadcast %get3A_237 : f32 to vector<8x2048xf32>
    %mul3A_239 = arith.mulf %mul3A_25, %mul3A_238 : vector<8x2048xf32>
    %get3A_240 = arith.constant 15 : index
    %get3A_241 = memref.load %arg1[%get3A_240] : memref<16xf32, #tpu.memory_space<smem>>
    %add3A_242 = vector.broadcast %get3A_241 : f32 to vector<8x2048xf32>
    %add3A_243 = arith.addf %mul3A_239, %add3A_242 : vector<8x2048xf32>
    %cos3A_244 = math.cos %add3A_243 : vector<8x2048xf32>
    %get3A_245 = arith.constant 15 : index
    %get3A_246 = memref.load %arg2[%get3A_245] : memref<16xf32, #tpu.memory_space<smem>>
    %mul3A_247 = vector.broadcast %get3A_246 : f32 to vector<8x2048xf32>
    %mul3A_248 = arith.mulf %cos3A_244, %mul3A_247 : vector<8x2048xf32>
    %add3A_249 = arith.addf %add3A_235, %mul3A_248 : vector<8x2048xf32>
    %transpose3A = tpu.transpose %add3A_249, [1, 0] : vector<8x2048xf32> -> vector<2048x8xf32>
    %swap3A = arith.constant 0 : index
    %swap3A_250 = arith.constant 0 : index
    %swap3A_251 = vector.load %arg26[%swap3A, %swap3A_250] : memref<2048x8xf32, #tpu.memory_space<vmem>>, vector<2048x8xf32>
    tpu.vector_store %arg26[%swap3A, %swap3A_250], %transpose3A {strides = array<i32>} : memref<2048x8xf32, #tpu.memory_space<vmem>>, vector<2048x8xf32>,
    %convert_element_type3A_252 = arith.truncf %add3A_16 : vector<2048x512xf32> to vector<2048x512xbf16>
    %get3A_253 = arith.constant 0 : index
    %get3A_254 = arith.constant 0 : index
    %get3A_255 = vector.load %arg9[%get3A_253, %get3A_254] : memref<512x512xbf16, #tpu.memory_space<vmem>>, vector<512x512xbf16>
    %dot_general3A_256 = arith.constant dense<0.000000e+00> : vector<2048x512xf32>
    %dot_general3A_257 = tpu.matmul %convert_element_type3A_252, %get3A_255, %dot_general3A_256 {dimension_numbers = #tpu.dot_dimension_numbers<[1], [0], [0], [1], [0, 0, 1, 1], [], []>, transpose_lhs_hint = false} : vector<2048x512xbf16>, vector<512x512xbf16>, vector<2048x512xf32> -> vector<2048x512xf32>
    %get3A_258 = arith.constant 0 : index
    %get3A_259 = arith.constant 0 : index
    %get3A_260 = vector.load %arg10[%get3A_258, %get3A_259] : memref<1x512xf32, #tpu.memory_space<vmem>>, vector<1x512xf32>
    %add3A_261 = vector.broadcast %get3A_260 : vector<1x512xf32> to vector<2048x512xf32>
    %add3A_262 = arith.addf %dot_general3A_257, %add3A_261 : vector<2048x512xf32>
    %get3A_263 = arith.constant 0 : index
    %get3A_264 = arith.constant 0 : index
    %get3A_265 = vector.load %arg11[%get3A_263, %get3A_264] : memref<512x512xbf16, #tpu.memory_space<vmem>>, vector<512x512xbf16>
    %dot_general3A_266 = arith.constant dense<0.000000e+00> : vector<2048x512xf32>
    %dot_general3A_267 = tpu.matmul %convert_element_type3A_252, %get3A_265, %dot_general3A_266 {dimension_numbers = #tpu.dot_dimension_numbers<[1], [0], [0], [1], [0, 0, 1, 1], [], []>, transpose_lhs_hint = false} : vector<2048x512xbf16>, vector<512x512xbf16>, vector<2048x512xf32> -> vector<2048x512xf32>
    %get3A_268 = arith.constant 0 : index
    %get3A_269 = arith.constant 0 : index
    %get3A_270 = vector.load %arg12[%get3A_268, %get3A_269] : memref<1x512xf32, #tpu.memory_space<vmem>>, vector<1x512xf32>
    %add3A_271 = vector.broadcast %get3A_270 : vector<1x512xf32> to vector<2048x512xf32>
    %add3A_272 = arith.addf %dot_general3A_267, %add3A_271 : vector<2048x512xf32>
    %reshape3A = vector.shape_cast %add3A_262 : vector<2048x512xf32> to vector<256x8x512xf32>
    %reshape3A_273 = vector.shape_cast %add3A_272 : vector<2048x512xf32> to vector<256x8x512xf32>
    %reshape3A_274 = vector.shape_cast %transpose3A : vector<2048x8xf32> to vector<256x8x8xf32>
    %mul3A_275 = arith.mulf %reshape3A, %reshape3A_273 : vector<256x8x512xf32>
    %reduce_sum3A = arith.constant dense<0.000000e+00> : vector<256x512xf32>
    %reduce_sum3A_276 = vector.multi_reduction <add>, %mul3A_275, %reduce_sum3A [1] : vector<256x8x512xf32> to vector<256x512xf32>
    %broadcast_in_dim3A_277 = vector.shape_cast %reduce_sum3A_276 : vector<256x512xf32> to vector<256x1x512xf32>
    %broadcast_in_dim3A_278 = vector.shape_cast %broadcast_in_dim3A_277 : vector<256x1x512xf32> to vector<256x1x512xf32>
    %broadcast_in_dim3A_279 = vector.broadcast %broadcast_in_dim3A_278 : vector<256x1x512xf32> to vector<256x8x512xf32>
    %slice3A = vector.extract_strided_slice %reshape3A_274 {offsets = [0, 0, 0], sizes = [256, 8, 1], strides = [1, 1, 1]} : vector<256x8x8xf32> to vector<256x8x1xf32>
    %slice3A_280 = vector.extract_strided_slice %reshape3A_273 {offsets = [0, 0, 0], sizes = [256, 1, 512], strides = [1, 1, 1]} : vector<256x8x512xf32> to vector<256x1x512xf32>
    %mul3A_281 = vector.broadcast %slice3A : vector<256x8x1xf32> to vector<256x8x512xf32>
    %mul3A_282 = vector.broadcast %slice3A_280 : vector<256x1x512xf32> to vector<256x8x512xf32>
    %mul3A_283 = arith.mulf %mul3A_281, %mul3A_282 : vector<256x8x512xf32>
    %add3A_284 = arith.addf %broadcast_in_dim3A_279, %mul3A_283 : vector<256x8x512xf32>
    %slice3A_285 = vector.extract_strided_slice %reshape3A_274 {offsets = [0, 0, 1], sizes = [256, 8, 1], strides = [1, 1, 1]} : vector<256x8x8xf32> to vector<256x8x1xf32>
    %slice3A_286 = vector.extract_strided_slice %reshape3A_273 {offsets = [0, 1, 0], sizes = [256, 1, 512], strides = [1, 1, 1]} : vector<256x8x512xf32> to vector<256x1x512xf32>
    %mul3A_287 = vector.broadcast %slice3A_285 : vector<256x8x1xf32> to vector<256x8x512xf32>
    %mul3A_288 = vector.broadcast %slice3A_286 : vector<256x1x512xf32> to vector<256x8x512xf32>
    %mul3A_289 = arith.mulf %mul3A_287, %mul3A_288 : vector<256x8x512xf32>
    %add3A_290 = arith.addf %add3A_284, %mul3A_289 : vector<256x8x512xf32>
    %slice3A_291 = vector.extract_strided_slice %reshape3A_274 {offsets = [0, 0, 2], sizes = [256, 8, 1], strides = [1, 1, 1]} : vector<256x8x8xf32> to vector<256x8x1xf32>
    %slice3A_292 = vector.extract_strided_slice %reshape3A_273 {offsets = [0, 2, 0], sizes = [256, 1, 512], strides = [1, 1, 1]} : vector<256x8x512xf32> to vector<256x1x512xf32>
    %mul3A_293 = vector.broadcast %slice3A_291 : vector<256x8x1xf32> to vector<256x8x512xf32>
    %mul3A_294 = vector.broadcast %slice3A_292 : vector<256x1x512xf32> to vector<256x8x512xf32>
    %mul3A_295 = arith.mulf %mul3A_293, %mul3A_294 : vector<256x8x512xf32>
    %add3A_296 = arith.addf %add3A_290, %mul3A_295 : vector<256x8x512xf32>
    %slice3A_297 = vector.extract_strided_slice %reshape3A_274 {offsets = [0, 0, 3], sizes = [256, 8, 1], strides = [1, 1, 1]} : vector<256x8x8xf32> to vector<256x8x1xf32>
    %slice3A_298 = vector.extract_strided_slice %reshape3A_273 {offsets = [0, 3, 0], sizes = [256, 1, 512], strides = [1, 1, 1]} : vector<256x8x512xf32> to vector<256x1x512xf32>
    %mul3A_299 = vector.broadcast %slice3A_297 : vector<256x8x1xf32> to vector<256x8x512xf32>
    %mul3A_300 = vector.broadcast %slice3A_298 : vector<256x1x512xf32> to vector<256x8x512xf32>
    %mul3A_301 = arith.mulf %mul3A_299, %mul3A_300 : vector<256x8x512xf32>
    %add3A_302 = arith.addf %add3A_296, %mul3A_301 : vector<256x8x512xf32>
    %slice3A_303 = vector.extract_strided_slice %reshape3A_274 {offsets = [0, 0, 4], sizes = [256, 8, 1], strides = [1, 1, 1]} : vector<256x8x8xf32> to vector<256x8x1xf32>
    %slice3A_304 = vector.extract_strided_slice %reshape3A_273 {offsets = [0, 4, 0], sizes = [256, 1, 512], strides = [1, 1, 1]} : vector<256x8x512xf32> to vector<256x1x512xf32>
    %mul3A_305 = vector.broadcast %slice3A_303 : vector<256x8x1xf32> to vector<256x8x512xf32>
    %mul3A_306 = vector.broadcast %slice3A_304 : vector<256x1x512xf32> to vector<256x8x512xf32>
    %mul3A_307 = arith.mulf %mul3A_305, %mul3A_306 : vector<256x8x512xf32>
    %add3A_308 = arith.addf %add3A_302, %mul3A_307 : vector<256x8x512xf32>
    %slice3A_309 = vector.extract_strided_slice %reshape3A_274 {offsets = [0, 0, 5], sizes = [256, 8, 1], strides = [1, 1, 1]} : vector<256x8x8xf32> to vector<256x8x1xf32>
    %slice3A_310 = vector.extract_strided_slice %reshape3A_273 {offsets = [0, 5, 0], sizes = [256, 1, 512], strides = [1, 1, 1]} : vector<256x8x512xf32> to vector<256x1x512xf32>
    %mul3A_311 = vector.broadcast %slice3A_309 : vector<256x8x1xf32> to vector<256x8x512xf32>
    %mul3A_312 = vector.broadcast %slice3A_310 : vector<256x1x512xf32> to vector<256x8x512xf32>
    %mul3A_313 = arith.mulf %mul3A_311, %mul3A_312 : vector<256x8x512xf32>
    %add3A_314 = arith.addf %add3A_308, %mul3A_313 : vector<256x8x512xf32>
    %slice3A_315 = vector.extract_strided_slice %reshape3A_274 {offsets = [0, 0, 6], sizes = [256, 8, 1], strides = [1, 1, 1]} : vector<256x8x8xf32> to vector<256x8x1xf32>
    %slice3A_316 = vector.extract_strided_slice %reshape3A_273 {offsets = [0, 6, 0], sizes = [256, 1, 512], strides = [1, 1, 1]} : vector<256x8x512xf32> to vector<256x1x512xf32>
    %mul3A_317 = vector.broadcast %slice3A_315 : vector<256x8x1xf32> to vector<256x8x512xf32>
    %mul3A_318 = vector.broadcast %slice3A_316 : vector<256x1x512xf32> to vector<256x8x512xf32>
    %mul3A_319 = arith.mulf %mul3A_317, %mul3A_318 : vector<256x8x512xf32>
    %add3A_320 = arith.addf %add3A_314, %mul3A_319 : vector<256x8x512xf32>
    %slice3A_321 = vector.extract_strided_slice %reshape3A_274 {offsets = [0, 0, 7], sizes = [256, 8, 1], strides = [1, 1, 1]} : vector<256x8x8xf32> to vector<256x8x1xf32>
    %slice3A_322 = vector.extract_strided_slice %reshape3A_273 {offsets = [0, 7, 0], sizes = [256, 1, 512], strides = [1, 1, 1]} : vector<256x8x512xf32> to vector<256x1x512xf32>
    %mul3A_323 = vector.broadcast %slice3A_321 : vector<256x8x1xf32> to vector<256x8x512xf32>
    %mul3A_324 = vector.broadcast %slice3A_322 : vector<256x1x512xf32> to vector<256x8x512xf32>
    %mul3A_325 = arith.mulf %mul3A_323, %mul3A_324 : vector<256x8x512xf32>
    %add3A_326 = arith.addf %add3A_320, %mul3A_325 : vector<256x8x512xf32>
    %reshape3A_327 = vector.shape_cast %add3A_326 : vector<256x8x512xf32> to vector<2048x512xf32>
    %convert_element_type3A_328 = arith.truncf %reshape3A_327 : vector<2048x512xf32> to vector<2048x512xbf16>
    %get3A_329 = arith.constant 0 : index
    %get3A_330 = arith.constant 0 : index
    %get3A_331 = vector.load %arg13[%get3A_329, %get3A_330] : memref<512x512xbf16, #tpu.memory_space<vmem>>, vector<512x512xbf16>
    %dot_general3A_332 = arith.constant dense<0.000000e+00> : vector<2048x512xf32>
    %dot_general3A_333 = tpu.matmul %convert_element_type3A_328, %get3A_331, %dot_general3A_332 {dimension_numbers = #tpu.dot_dimension_numbers<[1], [0], [0], [1], [0, 0, 1, 1], [], []>, transpose_lhs_hint = false} : vector<2048x512xbf16>, vector<512x512xbf16>, vector<2048x512xf32> -> vector<2048x512xf32>
    %get3A_334 = arith.constant 0 : index
    %get3A_335 = arith.constant 0 : index
    %get3A_336 = vector.load %arg14[%get3A_334, %get3A_335] : memref<1x512xf32, #tpu.memory_space<vmem>>, vector<1x512xf32>
    %add3A_337 = vector.broadcast %get3A_336 : vector<1x512xf32> to vector<2048x512xf32>
    %add3A_338 = arith.addf %dot_general3A_333, %add3A_337 : vector<2048x512xf32>
    %add3A_339 = arith.addf %add3A_16, %add3A_338 : vector<2048x512xf32>
    %get3A_340 = arith.constant 0 : index
    %get3A_341 = arith.constant 0 : index
    %get3A_342 = vector.load %arg15[%get3A_340, %get3A_341] : memref<1x512xf32, #tpu.memory_space<vmem>>, vector<1x512xf32>
    %get3A_343 = arith.constant 0 : index
    %get3A_344 = arith.constant 0 : index
    %get3A_345 = vector.load %arg16[%get3A_343, %get3A_344] : memref<1x512xf32, #tpu.memory_space<vmem>>, vector<1x512xf32>
    %reduce_sum3A_346 = arith.constant dense<0.000000e+00> : vector<2048xf32>
    %reduce_sum3A_347 = vector.multi_reduction <add>, %add3A_339, %reduce_sum3A_346 [1] : vector<2048x512xf32> to vector<2048xf32>
    %broadcast_in_dim3A_348 = vector.shape_cast %reduce_sum3A_347 : vector<2048xf32> to vector<2048x1xf32>
    %div3A = arith.constant 5.120000e+02 : f32
    %div3A_349 = vector.broadcast %div3A : f32 to vector<2048x1xf32>
    %div3A_350 = arith.divf %broadcast_in_dim3A_348, %div3A_349 : vector<2048x1xf32>
    %sub3A_351 = vector.broadcast %div3A_350 : vector<2048x1xf32> to vector<2048x512xf32>
    %sub3A_352 = arith.subf %add3A_339, %sub3A_351 : vector<2048x512xf32>
    %mul3A_353 = arith.mulf %sub3A_352, %sub3A_352 : vector<2048x512xf32>
    %reduce_sum3A_354 = arith.constant dense<0.000000e+00> : vector<2048xf32>
    %reduce_sum3A_355 = vector.multi_reduction <add>, %mul3A_353, %reduce_sum3A_354 [1] : vector<2048x512xf32> to vector<2048xf32>
    %broadcast_in_dim3A_356 = vector.shape_cast %reduce_sum3A_355 : vector<2048xf32> to vector<2048x1xf32>
    %div3A_357 = arith.constant 5.120000e+02 : f32
    %div3A_358 = vector.broadcast %div3A_357 : f32 to vector<2048x1xf32>
    %div3A_359 = arith.divf %broadcast_in_dim3A_356, %div3A_358 : vector<2048x1xf32>
    %add3A_360 = arith.constant 9.99999974E-6 : f32
    %add3A_361 = vector.broadcast %add3A_360 : f32 to vector<2048x1xf32>
    %add3A_362 = arith.addf %div3A_359, %add3A_361 : vector<2048x1xf32>
    %rsqrt3A = math.rsqrt %add3A_362 : vector<2048x1xf32>
    %mul3A_363 = vector.broadcast %rsqrt3A : vector<2048x1xf32> to vector<2048x512xf32>
    %mul3A_364 = arith.mulf %sub3A_352, %mul3A_363 : vector<2048x512xf32>
    %mul3A_365 = vector.broadcast %get3A_342 : vector<1x512xf32> to vector<2048x512xf32>
    %mul3A_366 = arith.mulf %mul3A_364, %mul3A_365 : vector<2048x512xf32>
    %add3A_367 = vector.broadcast %get3A_345 : vector<1x512xf32> to vector<2048x512xf32>
    %add3A_368 = arith.addf %mul3A_366, %add3A_367 : vector<2048x512xf32>
    %swap3A_369 = arith.constant 0 : index
    %swap3A_370 = arith.constant 0 : index
    %swap3A_371 = vector.load %arg19[%swap3A_369, %swap3A_370] : memref<2048x512xf32, #tpu.memory_space<vmem>>, vector<2048x512xf32>
    tpu.vector_store %arg19[%swap3A_369, %swap3A_370], %add3A_368 {strides = array<i32>} : memref<2048x512xf32, #tpu.memory_space<vmem>>, vector<2048x512xf32>,
    %get3A_372 = arith.constant 0 : index
    %get3A_373 = arith.constant 0 : index
    %get3A_374 = vector.load %arg17[%get3A_372, %get3A_373] : memref<512x8xf32, #tpu.memory_space<vmem>>, vector<512x8xf32>
    %dot_general3A_375 = arith.constant dense<0.000000e+00> : vector<2048x8xf32>
    %dot_general3A_376 = tpu.matmul %add3A_368, %get3A_374, %dot_general3A_375 {dimension_numbers = #tpu.dot_dimension_numbers<[1], [0], [0], [1], [0, 0, 1, 1], [], []>, transpose_lhs_hint = false} : vector<2048x512xf32>, vector<512x8xf32>, vector<2048x8xf32> -> vector<2048x8xf32>
    %get3A_377 = arith.constant 0 : index
    %get3A_378 = arith.constant 0 : index
    %get3A_379 = vector.load %arg18[%get3A_377, %get3A_378] : memref<1x8xf32, #tpu.memory_space<vmem>>, vector<1x8xf32>
    %add3A_380 = vector.broadcast %get3A_379 : vector<1x8xf32> to vector<2048x8xf32>
    %add3A_381 = arith.addf %dot_general3A_376, %add3A_380 : vector<2048x8xf32>
    %reduce_max3A = arith.constant dense<0xFF800000> : vector<2048xf32>
    %reduce_max3A_382 = vector.multi_reduction <maximumf>, %add3A_381, %reduce_max3A [1] : vector<2048x8xf32> to vector<2048xf32>
    %broadcast_in_dim3A_383 = vector.shape_cast %reduce_max3A_382 : vector<2048xf32> to vector<2048x1xf32>
    %sub3A_384 = vector.broadcast %broadcast_in_dim3A_383 : vector<2048x1xf32> to vector<2048x8xf32>
    %sub3A_385 = arith.subf %add3A_381, %sub3A_384 : vector<2048x8xf32>
    %exp3A = math.exp %sub3A_385 : vector<2048x8xf32>
    %reduce_sum3A_386 = arith.constant dense<0.000000e+00> : vector<2048xf32>
    %reduce_sum3A_387 = vector.multi_reduction <add>, %exp3A, %reduce_sum3A_386 [1] : vector<2048x8xf32> to vector<2048xf32>
    %broadcast_in_dim3A_388 = vector.shape_cast %reduce_sum3A_387 : vector<2048xf32> to vector<2048x1xf32>
    %div3A_389 = vector.broadcast %broadcast_in_dim3A_388 : vector<2048x1xf32> to vector<2048x8xf32>
    %div3A_390 = arith.divf %exp3A, %div3A_389 : vector<2048x8xf32>
    %iota3A_391 = tpu.iota {dimensions = array<i32: 1>} : vector<2048x8xi32>
    %reduce_max3A_392 = arith.constant dense<0xFF800000> : vector<2048xf32>
    %reduce_max3A_393 = vector.multi_reduction <maximumf>, %div3A_390, %reduce_max3A_392 [1] : vector<2048x8xf32> to vector<2048xf32>
    %broadcast_in_dim3A_394 = vector.shape_cast %reduce_max3A_393 : vector<2048xf32> to vector<2048x1xf32>
    %eq3A_395 = vector.broadcast %broadcast_in_dim3A_394 : vector<2048x1xf32> to vector<2048x8xf32>
    %eq3A_396 = arith.cmpf oeq, %div3A_390, %eq3A_395 : vector<2048x8xf32>
    %jit3A = arith.constant 8 : i32
    %broadcast_in_dim3A_397 = vector.broadcast %jit3A : i32 to vector<2048x8xi32>
    %select_n3A = arith.select %eq3A_396, %iota3A_391, %broadcast_in_dim3A_397 : vector<2048x8xi1>, vector<2048x8xi32>
    %reduce_min3A = arith.constant dense<2147483647> : vector<2048xi32>
    %reduce_min3A_398 = vector.multi_reduction <minsi>, %select_n3A, %reduce_min3A [1] : vector<2048x8xi32> to vector<2048xi32>
    %broadcast_in_dim3A_399 = vector.shape_cast %reduce_min3A_398 : vector<2048xi32> to vector<2048x1xi32>
    %eq3A_400 = vector.broadcast %broadcast_in_dim3A_399 : vector<2048x1xi32> to vector<2048x8xi32>
    %eq3A_401 = arith.cmpi eq, %iota3A_391, %eq3A_400 : vector<2048x8xi32>
    %jit3A_402 = arith.constant -1.000000e+00 : f32
    %broadcast_in_dim3A_403 = vector.broadcast %jit3A_402 : f32 to vector<2048x8xf32>
    %select_n3A_404 = arith.select %eq3A_401, %broadcast_in_dim3A_403, %div3A_390 : vector<2048x8xi1>, vector<2048x8xf32>
    %reduce_max3A_405 = arith.constant dense<0xFF800000> : vector<2048xf32>
    %reduce_max3A_406 = vector.multi_reduction <maximumf>, %select_n3A_404, %reduce_max3A_405 [1] : vector<2048x8xf32> to vector<2048xf32>
    %broadcast_in_dim3A_407 = vector.shape_cast %reduce_max3A_406 : vector<2048xf32> to vector<2048x1xf32>
    %eq3A_408 = vector.broadcast %broadcast_in_dim3A_407 : vector<2048x1xf32> to vector<2048x8xf32>
    %eq3A_409 = arith.cmpf oeq, %select_n3A_404, %eq3A_408 : vector<2048x8xf32>
    %jit3A_410 = arith.constant 8 : i32
    %broadcast_in_dim3A_411 = vector.broadcast %jit3A_410 : i32 to vector<2048x8xi32>
    %select_n3A_412 = arith.select %eq3A_409, %iota3A_391, %broadcast_in_dim3A_411 : vector<2048x8xi1>, vector<2048x8xi32>
    %reduce_min3A_413 = arith.constant dense<2147483647> : vector<2048xi32>
    %reduce_min3A_414 = vector.multi_reduction <minsi>, %select_n3A_412, %reduce_min3A_413 [1] : vector<2048x8xi32> to vector<2048xi32>
    %broadcast_in_dim3A_415 = vector.shape_cast %reduce_min3A_414 : vector<2048xi32> to vector<2048x1xi32>
    %eq3A_416 = vector.broadcast %broadcast_in_dim3A_415 : vector<2048x1xi32> to vector<2048x8xi32>
    %eq3A_417 = arith.cmpi eq, %iota3A_391, %eq3A_416 : vector<2048x8xi32>
    %swap3A_418 = arith.constant 0 : index
    %swap3A_419 = arith.constant 0 : index
    %swap3A_420 = vector.load %arg22[%swap3A_418, %swap3A_419] : memref<2048x1xf32, #tpu.memory_space<vmem>>, vector<2048x1xf32>
    tpu.vector_store %arg22[%swap3A_418, %swap3A_419], %broadcast_in_dim3A_394 {strides = array<i32>} : memref<2048x1xf32, #tpu.memory_space<vmem>>, vector<2048x1xf32>,
    %swap3A_421 = arith.constant 0 : index
    %swap3A_422 = arith.constant 0 : index
    %swap3A_423 = vector.load %arg23[%swap3A_421, %swap3A_422] : memref<2048x1xf32, #tpu.memory_space<vmem>>, vector<2048x1xf32>
    tpu.vector_store %arg23[%swap3A_421, %swap3A_422], %broadcast_in_dim3A_407 {strides = array<i32>} : memref<2048x1xf32, #tpu.memory_space<vmem>>, vector<2048x1xf32>,
    %jit3A_424 = arith.constant 1.000000e+00 : f32
    %jit3A_425 = arith.constant 0.000000e+00 : f32
    %broadcast_in_dim3A_426 = vector.broadcast %jit3A_424 : f32 to vector<2048x8xf32>
    %broadcast_in_dim3A_427 = vector.broadcast %jit3A_425 : f32 to vector<2048x8xf32>
    %select_n3A_428 = arith.select %eq3A_401, %broadcast_in_dim3A_426, %broadcast_in_dim3A_427 : vector<2048x8xi1>, vector<2048x8xf32>
    %jit3A_429 = arith.constant 1.000000e+00 : f32
    %jit3A_430 = arith.constant 0.000000e+00 : f32
    %broadcast_in_dim3A_431 = vector.broadcast %jit3A_429 : f32 to vector<2048x8xf32>
    %broadcast_in_dim3A_432 = vector.broadcast %jit3A_430 : f32 to vector<2048x8xf32>
    %select_n3A_433 = arith.select %eq3A_417, %broadcast_in_dim3A_431, %broadcast_in_dim3A_432 : vector<2048x8xi1>, vector<2048x8xf32>
    %concatenate3A = tpu.concatenate %select_n3A_428, %select_n3A_433 in 1 : vector<2048x8xf32>, vector<2048x8xf32> -> vector<2048x16xf32>
    %convert_element_type3A_434 = arith.truncf %concatenate3A : vector<2048x16xf32> to vector<2048x16xbf16>
    %iota3A_435 = tpu.iota {dimensions = array<i32: 0>} : vector<2048x2048xi32>
    %iota3A_436 = tpu.iota {dimensions = array<i32: 1>} : vector<2048x2048xi32>
    %ge3A = arith.cmpi sge, %iota3A_435, %iota3A_436 : vector<2048x2048xi32>
    %convert_element_type3A_437 = arith.extui %ge3A : vector<2048x2048xi1> to vector<2048x2048xi32>
    %convert_element_type3A_438 = arith.sitofp %convert_element_type3A_437 : vector<2048x2048xi32> to vector<2048x2048xf32>
    %convert_element_type3A_439 = arith.truncf %convert_element_type3A_438 : vector<2048x2048xf32> to vector<2048x2048xbf16>
    %dot_general3A_440 = arith.constant dense<0.000000e+00> : vector<2048x16xf32>
    %dot_general3A_441 = tpu.matmul %convert_element_type3A_439, %convert_element_type3A_434, %dot_general3A_440 {dimension_numbers = #tpu.dot_dimension_numbers<[1], [0], [0], [1], [0, 0, 1, 1], [], []>, transpose_lhs_hint = false} : vector<2048x2048xbf16>, vector<2048x16xbf16>, vector<2048x16xf32> -> vector<2048x16xf32>
    %slice3A_442 = vector.extract_strided_slice %dot_general3A_441 {offsets = [0, 0], sizes = [2048, 8], strides = [1, 1]} : vector<2048x16xf32> to vector<2048x8xf32>
    %slice3A_443 = vector.extract_strided_slice %dot_general3A_441 {offsets = [0, 8], sizes = [2048, 8], strides = [1, 1]} : vector<2048x16xf32> to vector<2048x8xf32>
    %slice3A_444 = vector.extract_strided_slice %slice3A_442 {offsets = [2047, 0], sizes = [1, 8], strides = [1, 1]} : vector<2048x8xf32> to vector<1x8xf32>
    %slice3A_445 = vector.extract_strided_slice %slice3A_443 {offsets = [2047, 0], sizes = [1, 8], strides = [1, 1]} : vector<2048x8xf32> to vector<1x8xf32>
    %add3A_446 = arith.addf %slice3A_444, %slice3A_445 : vector<1x8xf32>
    %convert_element_type3A_447 = arith.fptosi %add3A_446 : vector<1x8xf32> to vector<1x8xi32>
    %add3A_448 = arith.constant 255 : i32
    %add3A_449 = vector.broadcast %add3A_448 : i32 to vector<1x8xi32>
    %add3A_450 = arith.addi %convert_element_type3A_447, %add3A_449 : vector<1x8xi32>
    %shift_right_logical3A = arith.constant 8 : i32
    %shift_right_logical3A_451 = vector.broadcast %shift_right_logical3A : i32 to vector<1x8xi32>
    %shift_right_logical3A_452 = arith.shrui %add3A_450, %shift_right_logical3A_451 : vector<1x8xi32>
    %mul3A_453 = arith.constant 256 : i32
    %mul3A_454 = vector.broadcast %mul3A_453 : i32 to vector<1x8xi32>
    %mul3A_455 = arith.muli %shift_right_logical3A_452, %mul3A_454 : vector<1x8xi32>
    %convert_element_type3A_456 = arith.sitofp %mul3A_455 : vector<1x8xi32> to vector<1x8xf32>
    %iota3A_457 = tpu.iota {dimensions = array<i32: 0>} : vector<8x8xi32>
    %iota3A_458 = tpu.iota {dimensions = array<i32: 1>} : vector<8x8xi32>
    %lt3A = arith.cmpi slt, %iota3A_457, %iota3A_458 : vector<8x8xi32>
    %convert_element_type3A_459 = arith.extui %lt3A : vector<8x8xi1> to vector<8x8xi32>
    %convert_element_type3A_460 = arith.sitofp %convert_element_type3A_459 : vector<8x8xi32> to vector<8x8xf32>
    %le3A = arith.cmpi sle, %iota3A_457, %iota3A_458 : vector<8x8xi32>
    %convert_element_type3A_461 = arith.extui %le3A : vector<8x8xi1> to vector<8x8xi32>
    %convert_element_type3A_462 = arith.sitofp %convert_element_type3A_461 : vector<8x8xi32> to vector<8x8xf32>
    %dot_general3A_463 = arith.constant dense<0.000000e+00> : vector<1x8xf32>
    %dot_general3A_464 = tpu.matmul %convert_element_type3A_456, %convert_element_type3A_460, %dot_general3A_463 {dimension_numbers = #tpu.dot_dimension_numbers<[1], [0], [0], [1], [0, 0, 1, 1], [], []>, transpose_lhs_hint = false} : vector<1x8xf32>, vector<8x8xf32>, vector<1x8xf32> -> vector<1x8xf32>
    %sub3A_465 = arith.constant 1.000000e+00 : f32
    %sub3A_466 = vector.broadcast %sub3A_465 : f32 to vector<2048x8xf32>
    %sub3A_467 = arith.subf %slice3A_442, %sub3A_466 : vector<2048x8xf32>
    %add3A_468 = vector.broadcast %dot_general3A_464 : vector<1x8xf32> to vector<2048x8xf32>
    %add3A_469 = arith.addf %sub3A_467, %add3A_468 : vector<2048x8xf32>
    %mul3A_470 = arith.mulf %select_n3A_428, %add3A_469 : vector<2048x8xf32>
    %reduce_sum3A_471 = arith.constant dense<0.000000e+00> : vector<2048xf32>
    %reduce_sum3A_472 = vector.multi_reduction <add>, %mul3A_470, %reduce_sum3A_471 [1] : vector<2048x8xf32> to vector<2048xf32>
    %broadcast_in_dim3A_473 = vector.shape_cast %reduce_sum3A_472 : vector<2048xf32> to vector<2048x1xf32>
    %sub3A_474 = arith.constant 1.000000e+00 : f32
    %sub3A_475 = vector.broadcast %sub3A_474 : f32 to vector<2048x8xf32>
    %sub3A_476 = arith.subf %slice3A_443, %sub3A_475 : vector<2048x8xf32>
    %add3A_477 = vector.broadcast %dot_general3A_464 : vector<1x8xf32> to vector<2048x8xf32>
    %add3A_478 = arith.addf %sub3A_476, %add3A_477 : vector<2048x8xf32>
    %add3A_479 = vector.broadcast %slice3A_444 : vector<1x8xf32> to vector<2048x8xf32>
    %add3A_480 = arith.addf %add3A_478, %add3A_479 : vector<2048x8xf32>
    %mul3A_481 = arith.mulf %select_n3A_433, %add3A_480 : vector<2048x8xf32>
    %reduce_sum3A_482 = arith.constant dense<0.000000e+00> : vector<2048xf32>
    %reduce_sum3A_483 = vector.multi_reduction <add>, %mul3A_481, %reduce_sum3A_482 [1] : vector<2048x8xf32> to vector<2048xf32>
    %broadcast_in_dim3A_484 = vector.shape_cast %reduce_sum3A_483 : vector<2048xf32> to vector<2048x1xf32>
    %convert_element_type3A_485 = arith.fptosi %broadcast_in_dim3A_473 : vector<2048x1xf32> to vector<2048x1xi32>
    %swap3A_486 = arith.constant 0 : index
    %swap3A_487 = arith.constant 0 : index
    %swap3A_488 = vector.load %arg20[%swap3A_486, %swap3A_487] : memref<2048x1xi32, #tpu.memory_space<vmem>>, vector<2048x1xi32>
    tpu.vector_store %arg20[%swap3A_486, %swap3A_487], %convert_element_type3A_485 {strides = array<i32>} : memref<2048x1xi32, #tpu.memory_space<vmem>>, vector<2048x1xi32>,
    %convert_element_type3A_489 = arith.fptosi %broadcast_in_dim3A_484 : vector<2048x1xf32> to vector<2048x1xi32>
    %swap3A_490 = arith.constant 0 : index
    %swap3A_491 = arith.constant 0 : index
    %swap3A_492 = vector.load %arg21[%swap3A_490, %swap3A_491] : memref<2048x1xi32, #tpu.memory_space<vmem>>, vector<2048x1xi32>
    tpu.vector_store %arg21[%swap3A_490, %swap3A_491], %convert_element_type3A_489 {strides = array<i32>} : memref<2048x1xi32, #tpu.memory_space<vmem>>, vector<2048x1xi32>,
    %mul3A_493 = arith.constant 3.906250e-03 : f32
    %mul3A_494 = vector.broadcast %mul3A_493 : f32 to vector<1x8xf32>
    %mul3A_495 = arith.mulf %convert_element_type3A_456, %mul3A_494 : vector<1x8xf32>
    %dot_general3A_496 = arith.constant dense<0.000000e+00> : vector<1x8xf32>
    %dot_general3A_497 = tpu.matmul %mul3A_495, %convert_element_type3A_462, %dot_general3A_496 {dimension_numbers = #tpu.dot_dimension_numbers<[1], [0], [0], [1], [0, 0, 1, 1], [], []>, transpose_lhs_hint = false} : vector<1x8xf32>, vector<8x8xf32>, vector<1x8xf32> -> vector<1x8xf32>
    %iota3A_498 = tpu.iota {dimensions = array<i32: 0>} : vector<24x1xi32>
    %convert_element_type3A_499 = arith.sitofp %iota3A_498 : vector<24x1xi32> to vector<24x1xf32>
    %broadcast_in_dim3A_500 = vector.shape_cast %dot_general3A_497 : vector<1x8xf32> to vector<1x8xf32>
    %broadcast_in_dim3A_501 = vector.broadcast %broadcast_in_dim3A_500 : vector<1x8xf32> to vector<24x8xf32>
    %ge3A_502 = vector.broadcast %convert_element_type3A_499 : vector<24x1xf32> to vector<24x8xf32>
    %ge3A_503 = arith.cmpf oge, %ge3A_502, %broadcast_in_dim3A_501 : vector<24x8xf32>
    %convert_element_type3A_504 = arith.extui %ge3A_503 : vector<24x8xi1> to vector<24x8xi32>
    %convert_element_type3A_505 = arith.sitofp %convert_element_type3A_504 : vector<24x8xi32> to vector<24x8xf32>
    %reduce_sum3A_506 = arith.constant dense<0.000000e+00> : vector<24xf32>
    %reduce_sum3A_507 = vector.multi_reduction <add>, %convert_element_type3A_505, %reduce_sum3A_506 [1] : vector<24x8xf32> to vector<24xf32>
    %broadcast_in_dim3A_508 = vector.shape_cast %reduce_sum3A_507 : vector<24xf32> to vector<24x1xf32>
    %min3A = arith.constant 7.000000e+00 : f32
    %min3A_509 = vector.broadcast %min3A : f32 to vector<24x1xf32>
    %min3A_510 = arith.minimumf %broadcast_in_dim3A_508, %min3A_509 : vector<24x1xf32>
    %convert_element_type3A_511 = arith.fptosi %min3A_510 : vector<24x1xf32> to vector<24x1xi32>
    %iota3A_512 = tpu.iota {dimensions = array<i32: 1>} : vector<24x8xi32>
    %eq3A_513 = vector.broadcast %convert_element_type3A_511 : vector<24x1xi32> to vector<24x8xi32>
    %eq3A_514 = arith.cmpi eq, %iota3A_512, %eq3A_513 : vector<24x8xi32>
    %sub3A_515 = arith.subf %dot_general3A_497, %mul3A_495 : vector<1x8xf32>
    %broadcast_in_dim3A_516 = vector.shape_cast %sub3A_515 : vector<1x8xf32> to vector<1x8xf32>
    %broadcast_in_dim3A_517 = vector.broadcast %broadcast_in_dim3A_516 : vector<1x8xf32> to vector<24x8xf32>
    %jit3A_518 = arith.constant 0.000000e+00 : f32
    %broadcast_in_dim3A_519 = vector.broadcast %jit3A_518 : f32 to vector<24x8xf32>
    %select_n3A_520 = arith.select %eq3A_514, %broadcast_in_dim3A_517, %broadcast_in_dim3A_519 : vector<24x8xi1>, vector<24x8xf32>
    %reduce_sum3A_521 = arith.constant dense<0.000000e+00> : vector<24xf32>
    %reduce_sum3A_522 = vector.multi_reduction <add>, %select_n3A_520, %reduce_sum3A_521 [1] : vector<24x8xf32> to vector<24xf32>
    %broadcast_in_dim3A_523 = vector.shape_cast %reduce_sum3A_522 : vector<24xf32> to vector<24x1xf32>
    %broadcast_in_dim3A_524 = vector.shape_cast %add3A_446 : vector<1x8xf32> to vector<1x8xf32>
    %broadcast_in_dim3A_525 = vector.broadcast %broadcast_in_dim3A_524 : vector<1x8xf32> to vector<24x8xf32>
    %jit3A_526 = arith.constant 0.000000e+00 : f32
    %broadcast_in_dim3A_527 = vector.broadcast %jit3A_526 : f32 to vector<24x8xf32>
    %select_n3A_528 = arith.select %eq3A_514, %broadcast_in_dim3A_525, %broadcast_in_dim3A_527 : vector<24x8xi1>, vector<24x8xf32>
    %reduce_sum3A_529 = arith.constant dense<0.000000e+00> : vector<24xf32>
    %reduce_sum3A_530 = vector.multi_reduction <add>, %select_n3A_528, %reduce_sum3A_529 [1] : vector<24x8xf32> to vector<24xf32>
    %broadcast_in_dim3A_531 = vector.shape_cast %reduce_sum3A_530 : vector<24xf32> to vector<24x1xf32>
    %sub3A_532 = arith.subf %convert_element_type3A_499, %broadcast_in_dim3A_523 : vector<24x1xf32>
    %mul3A_533 = arith.constant 2.560000e+02 : f32
    %mul3A_534 = vector.broadcast %mul3A_533 : f32 to vector<24x1xf32>
    %mul3A_535 = arith.mulf %sub3A_532, %mul3A_534 : vector<24x1xf32>
    %sub3A_536 = arith.subf %broadcast_in_dim3A_531, %mul3A_535 : vector<24x1xf32>
    %jit3A_537 = arith.constant 0.000000e+00 : f32
    %jit3A_538 = arith.constant 2.560000e+02 : f32
    %max3A = vector.broadcast %jit3A_537 : f32 to vector<24x1xf32>
    %max3A_539 = arith.maximumf %max3A, %sub3A_536 : vector<24x1xf32>
    %min3A_540 = vector.broadcast %jit3A_538 : f32 to vector<24x1xf32>
    %min3A_541 = arith.minimumf %min3A_540, %max3A_539 : vector<24x1xf32>
    %ge3A_542 = arith.constant 8.000000e+00 : f32
    %ge3A_543 = vector.broadcast %ge3A_542 : f32 to vector<24x1xf32>
    %ge3A_544 = arith.cmpf oge, %broadcast_in_dim3A_508, %ge3A_543 : vector<24x1xf32>
    %jit3A_545 = arith.constant 0.000000e+00 : f32
    %broadcast_in_dim3A_546 = vector.broadcast %jit3A_545 : f32 to vector<24x1xf32>
    %select_n3A_547 = arith.select %ge3A_544, %broadcast_in_dim3A_546, %min3A_541 : vector<24x1xi1>, vector<24x1xf32>
    %swap3A_548 = arith.constant 0 : index
    %swap3A_549 = arith.constant 0 : index
    %swap3A_550 = vector.load %arg24[%swap3A_548, %swap3A_549] : memref<24x1xi32, #tpu.memory_space<vmem>>, vector<24x1xi32>
    tpu.vector_store %arg24[%swap3A_548, %swap3A_549], %convert_element_type3A_511 {strides = array<i32>} : memref<24x1xi32, #tpu.memory_space<vmem>>, vector<24x1xi32>,
    %convert_element_type3A_551 = arith.fptosi %select_n3A_547 : vector<24x1xf32> to vector<24x1xi32>
    %swap3A_552 = arith.constant 0 : index
    %swap3A_553 = arith.constant 0 : index
    %swap3A_554 = vector.load %arg25[%swap3A_552, %swap3A_553] : memref<24x1xi32, #tpu.memory_space<vmem>>, vector<24x1xi32>
    tpu.vector_store %arg25[%swap3A_552, %swap3A_553], %convert_element_type3A_551 {strides = array<i32>} : memref<24x1xi32, #tpu.memory_space<vmem>>, vector<24x1xi32>,
    return
  }
}

module attributes {stable_mosaic.version = 14 : i64} {
  func.func @_expert_body(%arg0: i32, %arg1: memref<24x1xi32, #tpu.memory_space<smem>>, %arg2: memref<24x1xi32, #tpu.memory_space<smem>>, %arg3: memref<256x512xf32, #tpu.memory_space<vmem>>, %arg4: memref<1x512x1024xbf16, #tpu.memory_space<vmem>>, %arg5: memref<1x1x1024xf32, #tpu.memory_space<vmem>>, %arg6: memref<1x1024x512xbf16, #tpu.memory_space<vmem>>, %arg7: memref<1x1x512xf32, #tpu.memory_space<vmem>>, %arg8: memref<256x512xf32, #tpu.memory_space<vmem>>) attributes {dimension_semantics = [#tpu.dimension_semantics<arbitrary>], iteration_bounds = array<i64: 24>, scalar_prefetch = 2 : i64, scratch_operands = 0 : i64, tpu.core_type = #tpu.core_type<tc>, window_params = [{transform_indices = @transform_0, window_bounds = array<i64: 256, 512>}, {transform_indices = @transform_1, window_bounds = array<i64: 1, 512, 1024>}, {transform_indices = @transform_2, window_bounds = array<i64: 1, 1, 1024>}, {transform_indices = @transform_3, window_bounds = array<i64: 1, 1024, 512>}, {transform_indices = @transform_4, window_bounds = array<i64: 1, 1, 512>}, {transform_indices = @transform_5, window_bounds = array<i64: 256, 512>}]} {
    %get3A = arith.index_cast %arg0 : i32 to index
    %get3A_0 = arith.constant 0 : index
    %get3A_1 = memref.load %arg2[%get3A, %get3A_0] : memref<24x1xi32, #tpu.memory_space<smem>>
    %gt3A = arith.constant 0 : i32
    %gt3A_2 = arith.cmpi sgt, %get3A_1, %gt3A : i32
    %convert_element_type3A = arith.extui %gt3A_2 : i1 to i32
    %cond3A = arith.constant 0 : i32
    %cond3A_3 = arith.cmpi ne, %convert_element_type3A, %cond3A : i32
    scf.if %cond3A_3 {
      %get3A_4 = arith.constant 0 : index
      %get3A_5 = arith.constant 0 : index
      %get3A_6 = vector.load %arg3[%get3A_4, %get3A_5] : memref<256x512xf32, #tpu.memory_space<vmem>>, vector<256x512xf32>
      %convert_element_type3A_7 = arith.truncf %get3A_6 : vector<256x512xf32> to vector<256x512xbf16>
      %get3A_8 = arith.constant 0 : index
      %get3A_9 = arith.constant 0 : index
      %get3A_10 = arith.constant 0 : index
      %get3A_11 = vector.load %arg4[%get3A_8, %get3A_9, %get3A_10] : memref<1x512x1024xbf16, #tpu.memory_space<vmem>>, vector<1x512x1024xbf16>
      %get3A_12 = vector.shape_cast %get3A_11 : vector<1x512x1024xbf16> to vector<512x1024xbf16>
      %dot_general3A = arith.constant dense<0.000000e+00> : vector<256x1024xf32>
      %dot_general3A_13 = tpu.matmul %convert_element_type3A_7, %get3A_12, %dot_general3A {dimension_numbers = #tpu.dot_dimension_numbers<[1], [0], [0], [1], [0, 0, 1, 1], [], []>, transpose_lhs_hint = false} : vector<256x512xbf16>, vector<512x1024xbf16>, vector<256x1024xf32> -> vector<256x1024xf32>
      %get3A_14 = arith.constant 0 : index
      %get3A_15 = arith.constant 0 : index
      %get3A_16 = arith.constant 0 : index
      %get3A_17 = vector.load %arg5[%get3A_14, %get3A_15, %get3A_16] : memref<1x1x1024xf32, #tpu.memory_space<vmem>>, vector<1x1x1024xf32>
      %get3A_18 = vector.shape_cast %get3A_17 : vector<1x1x1024xf32> to vector<1x1024xf32>
      %add3A = vector.broadcast %get3A_18 : vector<1x1024xf32> to vector<256x1024xf32>
      %add3A_19 = arith.addf %dot_general3A_13, %add3A : vector<256x1024xf32>
      %max3A = arith.constant 0.000000e+00 : f32
      %max3A_20 = vector.broadcast %max3A : f32 to vector<256x1024xf32>
      %max3A_21 = arith.maximumf %add3A_19, %max3A_20 : vector<256x1024xf32>
      %convert_element_type3A_22 = arith.truncf %max3A_21 : vector<256x1024xf32> to vector<256x1024xbf16>
      %get3A_23 = arith.constant 0 : index
      %get3A_24 = arith.constant 0 : index
      %get3A_25 = arith.constant 0 : index
      %get3A_26 = vector.load %arg6[%get3A_23, %get3A_24, %get3A_25] : memref<1x1024x512xbf16, #tpu.memory_space<vmem>>, vector<1x1024x512xbf16>
      %get3A_27 = vector.shape_cast %get3A_26 : vector<1x1024x512xbf16> to vector<1024x512xbf16>
      %dot_general3A_28 = arith.constant dense<0.000000e+00> : vector<256x512xf32>
      %dot_general3A_29 = tpu.matmul %convert_element_type3A_22, %get3A_27, %dot_general3A_28 {dimension_numbers = #tpu.dot_dimension_numbers<[1], [0], [0], [1], [0, 0, 1, 1], [], []>, transpose_lhs_hint = false} : vector<256x1024xbf16>, vector<1024x512xbf16>, vector<256x512xf32> -> vector<256x512xf32>
      %get3A_30 = arith.constant 0 : index
      %get3A_31 = arith.constant 0 : index
      %get3A_32 = arith.constant 0 : index
      %get3A_33 = vector.load %arg7[%get3A_30, %get3A_31, %get3A_32] : memref<1x1x512xf32, #tpu.memory_space<vmem>>, vector<1x1x512xf32>
      %get3A_34 = vector.shape_cast %get3A_33 : vector<1x1x512xf32> to vector<1x512xf32>
      %add3A_35 = vector.broadcast %get3A_34 : vector<1x512xf32> to vector<256x512xf32>
      %add3A_36 = arith.addf %dot_general3A_29, %add3A_35 : vector<256x512xf32>
      %swap3A = arith.constant 0 : index
      %swap3A_37 = arith.constant 0 : index
      %swap3A_38 = vector.load %arg8[%swap3A, %swap3A_37] : memref<256x512xf32, #tpu.memory_space<vmem>>, vector<256x512xf32>
      tpu.vector_store %arg8[%swap3A, %swap3A_37], %add3A_36 {strides = array<i32>} : memref<256x512xf32, #tpu.memory_space<vmem>>, vector<256x512xf32>,
    } else {
    }
    return
  }
  func.func @transform_0(%arg0: i32, %arg1: memref<24x1xi32, #tpu.memory_space<smem>>, %arg2: memref<24x1xi32, #tpu.memory_space<smem>>) -> (i32, i32) {
    %c0_i32 = arith.constant 0 : i32
    %c0_i32_0 = arith.constant 0 : i32
    return %arg0, %c0_i32 : i32, i32
  }
  func.func @transform_1(%arg0: i32, %arg1: memref<24x1xi32, #tpu.memory_space<smem>>, %arg2: memref<24x1xi32, #tpu.memory_space<smem>>) -> (i32, i32, i32) {
    %get3A = arith.index_cast %arg0 : i32 to index
    %get3A_0 = arith.constant 0 : index
    %get3A_1 = memref.load %arg1[%get3A, %get3A_0] : memref<24x1xi32, #tpu.memory_space<smem>>
    %c0_i32 = arith.constant 0 : i32
    %c0_i32_2 = arith.constant 0 : i32
    %c0_i32_3 = arith.constant 0 : i32
    return %get3A_1, %c0_i32, %c0_i32_2 : i32, i32, i32
  }
  func.func @transform_2(%arg0: i32, %arg1: memref<24x1xi32, #tpu.memory_space<smem>>, %arg2: memref<24x1xi32, #tpu.memory_space<smem>>) -> (i32, i32, i32) {
    %get3A = arith.index_cast %arg0 : i32 to index
    %get3A_0 = arith.constant 0 : index
    %get3A_1 = memref.load %arg1[%get3A, %get3A_0] : memref<24x1xi32, #tpu.memory_space<smem>>
    %c0_i32 = arith.constant 0 : i32
    %c0_i32_2 = arith.constant 0 : i32
    %c0_i32_3 = arith.constant 0 : i32
    return %get3A_1, %c0_i32, %c0_i32_2 : i32, i32, i32
  }
  func.func @transform_3(%arg0: i32, %arg1: memref<24x1xi32, #tpu.memory_space<smem>>, %arg2: memref<24x1xi32, #tpu.memory_space<smem>>) -> (i32, i32, i32) {
    %get3A = arith.index_cast %arg0 : i32 to index
    %get3A_0 = arith.constant 0 : index
    %get3A_1 = memref.load %arg1[%get3A, %get3A_0] : memref<24x1xi32, #tpu.memory_space<smem>>
    %c0_i32 = arith.constant 0 : i32
    %c0_i32_2 = arith.constant 0 : i32
    %c0_i32_3 = arith.constant 0 : i32
    return %get3A_1, %c0_i32, %c0_i32_2 : i32, i32, i32
  }
  func.func @transform_4(%arg0: i32, %arg1: memref<24x1xi32, #tpu.memory_space<smem>>, %arg2: memref<24x1xi32, #tpu.memory_space<smem>>) -> (i32, i32, i32) {
    %get3A = arith.index_cast %arg0 : i32 to index
    %get3A_0 = arith.constant 0 : index
    %get3A_1 = memref.load %arg1[%get3A, %get3A_0] : memref<24x1xi32, #tpu.memory_space<smem>>
    %c0_i32 = arith.constant 0 : i32
    %c0_i32_2 = arith.constant 0 : i32
    %c0_i32_3 = arith.constant 0 : i32
    return %get3A_1, %c0_i32, %c0_i32_2 : i32, i32, i32
  }
  func.func @transform_5(%arg0: i32, %arg1: memref<24x1xi32, #tpu.memory_space<smem>>, %arg2: memref<24x1xi32, #tpu.memory_space<smem>>) -> (i32, i32) {
    %c0_i32 = arith.constant 0 : i32
    %c0_i32_0 = arith.constant 0 : i32
    return %arg0, %c0_i32 : i32, i32
  }
}

module attributes {stable_mosaic.version = 14 : i64} {
  func.func @_a0_next_body(%arg0: memref<2048x512xf32, #tpu.memory_space<vmem>>, %arg1: memref<2048x512xf32, #tpu.memory_space<vmem>>, %arg2: memref<2048x512xf32, #tpu.memory_space<vmem>>, %arg3: memref<2048x1xf32, #tpu.memory_space<vmem>>, %arg4: memref<2048x1xf32, #tpu.memory_space<vmem>>, %arg5: memref<1x512xf32, #tpu.memory_space<vmem>>, %arg6: memref<1x512xf32, #tpu.memory_space<vmem>>, %arg7: memref<2048x8xf32, #tpu.memory_space<vmem>>, %arg8: memref<512x512xbf16, #tpu.memory_space<vmem>>, %arg9: memref<1x512xf32, #tpu.memory_space<vmem>>, %arg10: memref<512x512xbf16, #tpu.memory_space<vmem>>, %arg11: memref<1x512xf32, #tpu.memory_space<vmem>>, %arg12: memref<512x512xbf16, #tpu.memory_space<vmem>>, %arg13: memref<1x512xf32, #tpu.memory_space<vmem>>, %arg14: memref<1x512xf32, #tpu.memory_space<vmem>>, %arg15: memref<1x512xf32, #tpu.memory_space<vmem>>, %arg16: memref<512x8xf32, #tpu.memory_space<vmem>>, %arg17: memref<1x8xf32, #tpu.memory_space<vmem>>, %arg18: memref<2048x512xf32, #tpu.memory_space<vmem>>, %arg19: memref<2048x1xi32, #tpu.memory_space<vmem>>, %arg20: memref<2048x1xi32, #tpu.memory_space<vmem>>, %arg21: memref<2048x1xf32, #tpu.memory_space<vmem>>, %arg22: memref<2048x1xf32, #tpu.memory_space<vmem>>, %arg23: memref<24x1xi32, #tpu.memory_space<vmem>>, %arg24: memref<24x1xi32, #tpu.memory_space<vmem>>) attributes {dimension_semantics = [], scalar_prefetch = 0 : i64, scratch_operands = 0 : i64, tpu.core_type = #tpu.core_type<tc>} {
    %get3A = arith.constant 0 : index
    %get3A_0 = arith.constant 0 : index
    %get3A_1 = vector.load %arg3[%get3A, %get3A_0] : memref<2048x1xf32, #tpu.memory_space<vmem>>, vector<2048x1xf32>
    %get3A_2 = arith.constant 0 : index
    %get3A_3 = arith.constant 0 : index
    %get3A_4 = vector.load %arg1[%get3A_2, %get3A_3] : memref<2048x512xf32, #tpu.memory_space<vmem>>, vector<2048x512xf32>
    %mul3A = vector.broadcast %get3A_1 : vector<2048x1xf32> to vector<2048x512xf32>
    %mul3A_5 = arith.mulf %mul3A, %get3A_4 : vector<2048x512xf32>
    %get3A_6 = arith.constant 0 : index
    %get3A_7 = arith.constant 0 : index
    %get3A_8 = vector.load %arg4[%get3A_6, %get3A_7] : memref<2048x1xf32, #tpu.memory_space<vmem>>, vector<2048x1xf32>
    %get3A_9 = arith.constant 0 : index
    %get3A_10 = arith.constant 0 : index
    %get3A_11 = vector.load %arg2[%get3A_9, %get3A_10] : memref<2048x512xf32, #tpu.memory_space<vmem>>, vector<2048x512xf32>
    %mul3A_12 = vector.broadcast %get3A_8 : vector<2048x1xf32> to vector<2048x512xf32>
    %mul3A_13 = arith.mulf %mul3A_12, %get3A_11 : vector<2048x512xf32>
    %add3A = arith.addf %mul3A_5, %mul3A_13 : vector<2048x512xf32>
    %get3A_14 = arith.constant 0 : index
    %get3A_15 = arith.constant 0 : index
    %get3A_16 = vector.load %arg0[%get3A_14, %get3A_15] : memref<2048x512xf32, #tpu.memory_space<vmem>>, vector<2048x512xf32>
    %add3A_17 = arith.addf %get3A_16, %add3A : vector<2048x512xf32>
    %get3A_18 = arith.constant 0 : index
    %get3A_19 = arith.constant 0 : index
    %get3A_20 = vector.load %arg5[%get3A_18, %get3A_19] : memref<1x512xf32, #tpu.memory_space<vmem>>, vector<1x512xf32>
    %get3A_21 = arith.constant 0 : index
    %get3A_22 = arith.constant 0 : index
    %get3A_23 = vector.load %arg6[%get3A_21, %get3A_22] : memref<1x512xf32, #tpu.memory_space<vmem>>, vector<1x512xf32>
    %reduce_sum3A = arith.constant dense<0.000000e+00> : vector<2048xf32>
    %reduce_sum3A_24 = vector.multi_reduction <add>, %add3A_17, %reduce_sum3A [1] : vector<2048x512xf32> to vector<2048xf32>
    %broadcast_in_dim3A = vector.shape_cast %reduce_sum3A_24 : vector<2048xf32> to vector<2048x1xf32>
    %div3A = arith.constant 5.120000e+02 : f32
    %div3A_25 = vector.broadcast %div3A : f32 to vector<2048x1xf32>
    %div3A_26 = arith.divf %broadcast_in_dim3A, %div3A_25 : vector<2048x1xf32>
    %sub3A = vector.broadcast %div3A_26 : vector<2048x1xf32> to vector<2048x512xf32>
    %sub3A_27 = arith.subf %add3A_17, %sub3A : vector<2048x512xf32>
    %mul3A_28 = arith.mulf %sub3A_27, %sub3A_27 : vector<2048x512xf32>
    %reduce_sum3A_29 = arith.constant dense<0.000000e+00> : vector<2048xf32>
    %reduce_sum3A_30 = vector.multi_reduction <add>, %mul3A_28, %reduce_sum3A_29 [1] : vector<2048x512xf32> to vector<2048xf32>
    %broadcast_in_dim3A_31 = vector.shape_cast %reduce_sum3A_30 : vector<2048xf32> to vector<2048x1xf32>
    %div3A_32 = arith.constant 5.120000e+02 : f32
    %div3A_33 = vector.broadcast %div3A_32 : f32 to vector<2048x1xf32>
    %div3A_34 = arith.divf %broadcast_in_dim3A_31, %div3A_33 : vector<2048x1xf32>
    %add3A_35 = arith.constant 9.99999974E-6 : f32
    %add3A_36 = vector.broadcast %add3A_35 : f32 to vector<2048x1xf32>
    %add3A_37 = arith.addf %div3A_34, %add3A_36 : vector<2048x1xf32>
    %rsqrt3A = math.rsqrt %add3A_37 : vector<2048x1xf32>
    %mul3A_38 = vector.broadcast %rsqrt3A : vector<2048x1xf32> to vector<2048x512xf32>
    %mul3A_39 = arith.mulf %sub3A_27, %mul3A_38 : vector<2048x512xf32>
    %mul3A_40 = vector.broadcast %get3A_20 : vector<1x512xf32> to vector<2048x512xf32>
    %mul3A_41 = arith.mulf %mul3A_39, %mul3A_40 : vector<2048x512xf32>
    %add3A_42 = vector.broadcast %get3A_23 : vector<1x512xf32> to vector<2048x512xf32>
    %add3A_43 = arith.addf %mul3A_41, %add3A_42 : vector<2048x512xf32>
    %get3A_44 = arith.constant 0 : index
    %get3A_45 = arith.constant 0 : index
    %get3A_46 = vector.load %arg7[%get3A_44, %get3A_45] : memref<2048x8xf32, #tpu.memory_space<vmem>>, vector<2048x8xf32>
    %convert_element_type3A = arith.truncf %add3A_43 : vector<2048x512xf32> to vector<2048x512xbf16>
    %get3A_47 = arith.constant 0 : index
    %get3A_48 = arith.constant 0 : index
    %get3A_49 = vector.load %arg8[%get3A_47, %get3A_48] : memref<512x512xbf16, #tpu.memory_space<vmem>>, vector<512x512xbf16>
    %dot_general3A = arith.constant dense<0.000000e+00> : vector<2048x512xf32>
    %dot_general3A_50 = tpu.matmul %convert_element_type3A, %get3A_49, %dot_general3A {dimension_numbers = #tpu.dot_dimension_numbers<[1], [0], [0], [1], [0, 0, 1, 1], [], []>, transpose_lhs_hint = false} : vector<2048x512xbf16>, vector<512x512xbf16>, vector<2048x512xf32> -> vector<2048x512xf32>
    %get3A_51 = arith.constant 0 : index
    %get3A_52 = arith.constant 0 : index
    %get3A_53 = vector.load %arg9[%get3A_51, %get3A_52] : memref<1x512xf32, #tpu.memory_space<vmem>>, vector<1x512xf32>
    %add3A_54 = vector.broadcast %get3A_53 : vector<1x512xf32> to vector<2048x512xf32>
    %add3A_55 = arith.addf %dot_general3A_50, %add3A_54 : vector<2048x512xf32>
    %get3A_56 = arith.constant 0 : index
    %get3A_57 = arith.constant 0 : index
    %get3A_58 = vector.load %arg10[%get3A_56, %get3A_57] : memref<512x512xbf16, #tpu.memory_space<vmem>>, vector<512x512xbf16>
    %dot_general3A_59 = arith.constant dense<0.000000e+00> : vector<2048x512xf32>
    %dot_general3A_60 = tpu.matmul %convert_element_type3A, %get3A_58, %dot_general3A_59 {dimension_numbers = #tpu.dot_dimension_numbers<[1], [0], [0], [1], [0, 0, 1, 1], [], []>, transpose_lhs_hint = false} : vector<2048x512xbf16>, vector<512x512xbf16>, vector<2048x512xf32> -> vector<2048x512xf32>
    %get3A_61 = arith.constant 0 : index
    %get3A_62 = arith.constant 0 : index
    %get3A_63 = vector.load %arg11[%get3A_61, %get3A_62] : memref<1x512xf32, #tpu.memory_space<vmem>>, vector<1x512xf32>
    %add3A_64 = vector.broadcast %get3A_63 : vector<1x512xf32> to vector<2048x512xf32>
    %add3A_65 = arith.addf %dot_general3A_60, %add3A_64 : vector<2048x512xf32>
    %reshape3A = vector.shape_cast %add3A_55 : vector<2048x512xf32> to vector<256x8x512xf32>
    %reshape3A_66 = vector.shape_cast %add3A_65 : vector<2048x512xf32> to vector<256x8x512xf32>
    %reshape3A_67 = vector.shape_cast %get3A_46 : vector<2048x8xf32> to vector<256x8x8xf32>
    %mul3A_68 = arith.mulf %reshape3A, %reshape3A_66 : vector<256x8x512xf32>
    %reduce_sum3A_69 = arith.constant dense<0.000000e+00> : vector<256x512xf32>
    %reduce_sum3A_70 = vector.multi_reduction <add>, %mul3A_68, %reduce_sum3A_69 [1] : vector<256x8x512xf32> to vector<256x512xf32>
    %broadcast_in_dim3A_71 = vector.shape_cast %reduce_sum3A_70 : vector<256x512xf32> to vector<256x1x512xf32>
    %broadcast_in_dim3A_72 = vector.shape_cast %broadcast_in_dim3A_71 : vector<256x1x512xf32> to vector<256x1x512xf32>
    %broadcast_in_dim3A_73 = vector.broadcast %broadcast_in_dim3A_72 : vector<256x1x512xf32> to vector<256x8x512xf32>
    %slice3A = vector.extract_strided_slice %reshape3A_67 {offsets = [0, 0, 0], sizes = [256, 8, 1], strides = [1, 1, 1]} : vector<256x8x8xf32> to vector<256x8x1xf32>
    %slice3A_74 = vector.extract_strided_slice %reshape3A_66 {offsets = [0, 0, 0], sizes = [256, 1, 512], strides = [1, 1, 1]} : vector<256x8x512xf32> to vector<256x1x512xf32>
    %mul3A_75 = vector.broadcast %slice3A : vector<256x8x1xf32> to vector<256x8x512xf32>
    %mul3A_76 = vector.broadcast %slice3A_74 : vector<256x1x512xf32> to vector<256x8x512xf32>
    %mul3A_77 = arith.mulf %mul3A_75, %mul3A_76 : vector<256x8x512xf32>
    %add3A_78 = arith.addf %broadcast_in_dim3A_73, %mul3A_77 : vector<256x8x512xf32>
    %slice3A_79 = vector.extract_strided_slice %reshape3A_67 {offsets = [0, 0, 1], sizes = [256, 8, 1], strides = [1, 1, 1]} : vector<256x8x8xf32> to vector<256x8x1xf32>
    %slice3A_80 = vector.extract_strided_slice %reshape3A_66 {offsets = [0, 1, 0], sizes = [256, 1, 512], strides = [1, 1, 1]} : vector<256x8x512xf32> to vector<256x1x512xf32>
    %mul3A_81 = vector.broadcast %slice3A_79 : vector<256x8x1xf32> to vector<256x8x512xf32>
    %mul3A_82 = vector.broadcast %slice3A_80 : vector<256x1x512xf32> to vector<256x8x512xf32>
    %mul3A_83 = arith.mulf %mul3A_81, %mul3A_82 : vector<256x8x512xf32>
    %add3A_84 = arith.addf %add3A_78, %mul3A_83 : vector<256x8x512xf32>
    %slice3A_85 = vector.extract_strided_slice %reshape3A_67 {offsets = [0, 0, 2], sizes = [256, 8, 1], strides = [1, 1, 1]} : vector<256x8x8xf32> to vector<256x8x1xf32>
    %slice3A_86 = vector.extract_strided_slice %reshape3A_66 {offsets = [0, 2, 0], sizes = [256, 1, 512], strides = [1, 1, 1]} : vector<256x8x512xf32> to vector<256x1x512xf32>
    %mul3A_87 = vector.broadcast %slice3A_85 : vector<256x8x1xf32> to vector<256x8x512xf32>
    %mul3A_88 = vector.broadcast %slice3A_86 : vector<256x1x512xf32> to vector<256x8x512xf32>
    %mul3A_89 = arith.mulf %mul3A_87, %mul3A_88 : vector<256x8x512xf32>
    %add3A_90 = arith.addf %add3A_84, %mul3A_89 : vector<256x8x512xf32>
    %slice3A_91 = vector.extract_strided_slice %reshape3A_67 {offsets = [0, 0, 3], sizes = [256, 8, 1], strides = [1, 1, 1]} : vector<256x8x8xf32> to vector<256x8x1xf32>
    %slice3A_92 = vector.extract_strided_slice %reshape3A_66 {offsets = [0, 3, 0], sizes = [256, 1, 512], strides = [1, 1, 1]} : vector<256x8x512xf32> to vector<256x1x512xf32>
    %mul3A_93 = vector.broadcast %slice3A_91 : vector<256x8x1xf32> to vector<256x8x512xf32>
    %mul3A_94 = vector.broadcast %slice3A_92 : vector<256x1x512xf32> to vector<256x8x512xf32>
    %mul3A_95 = arith.mulf %mul3A_93, %mul3A_94 : vector<256x8x512xf32>
    %add3A_96 = arith.addf %add3A_90, %mul3A_95 : vector<256x8x512xf32>
    %slice3A_97 = vector.extract_strided_slice %reshape3A_67 {offsets = [0, 0, 4], sizes = [256, 8, 1], strides = [1, 1, 1]} : vector<256x8x8xf32> to vector<256x8x1xf32>
    %slice3A_98 = vector.extract_strided_slice %reshape3A_66 {offsets = [0, 4, 0], sizes = [256, 1, 512], strides = [1, 1, 1]} : vector<256x8x512xf32> to vector<256x1x512xf32>
    %mul3A_99 = vector.broadcast %slice3A_97 : vector<256x8x1xf32> to vector<256x8x512xf32>
    %mul3A_100 = vector.broadcast %slice3A_98 : vector<256x1x512xf32> to vector<256x8x512xf32>
    %mul3A_101 = arith.mulf %mul3A_99, %mul3A_100 : vector<256x8x512xf32>
    %add3A_102 = arith.addf %add3A_96, %mul3A_101 : vector<256x8x512xf32>
    %slice3A_103 = vector.extract_strided_slice %reshape3A_67 {offsets = [0, 0, 5], sizes = [256, 8, 1], strides = [1, 1, 1]} : vector<256x8x8xf32> to vector<256x8x1xf32>
    %slice3A_104 = vector.extract_strided_slice %reshape3A_66 {offsets = [0, 5, 0], sizes = [256, 1, 512], strides = [1, 1, 1]} : vector<256x8x512xf32> to vector<256x1x512xf32>
    %mul3A_105 = vector.broadcast %slice3A_103 : vector<256x8x1xf32> to vector<256x8x512xf32>
    %mul3A_106 = vector.broadcast %slice3A_104 : vector<256x1x512xf32> to vector<256x8x512xf32>
    %mul3A_107 = arith.mulf %mul3A_105, %mul3A_106 : vector<256x8x512xf32>
    %add3A_108 = arith.addf %add3A_102, %mul3A_107 : vector<256x8x512xf32>
    %slice3A_109 = vector.extract_strided_slice %reshape3A_67 {offsets = [0, 0, 6], sizes = [256, 8, 1], strides = [1, 1, 1]} : vector<256x8x8xf32> to vector<256x8x1xf32>
    %slice3A_110 = vector.extract_strided_slice %reshape3A_66 {offsets = [0, 6, 0], sizes = [256, 1, 512], strides = [1, 1, 1]} : vector<256x8x512xf32> to vector<256x1x512xf32>
    %mul3A_111 = vector.broadcast %slice3A_109 : vector<256x8x1xf32> to vector<256x8x512xf32>
    %mul3A_112 = vector.broadcast %slice3A_110 : vector<256x1x512xf32> to vector<256x8x512xf32>
    %mul3A_113 = arith.mulf %mul3A_111, %mul3A_112 : vector<256x8x512xf32>
    %add3A_114 = arith.addf %add3A_108, %mul3A_113 : vector<256x8x512xf32>
    %slice3A_115 = vector.extract_strided_slice %reshape3A_67 {offsets = [0, 0, 7], sizes = [256, 8, 1], strides = [1, 1, 1]} : vector<256x8x8xf32> to vector<256x8x1xf32>
    %slice3A_116 = vector.extract_strided_slice %reshape3A_66 {offsets = [0, 7, 0], sizes = [256, 1, 512], strides = [1, 1, 1]} : vector<256x8x512xf32> to vector<256x1x512xf32>
    %mul3A_117 = vector.broadcast %slice3A_115 : vector<256x8x1xf32> to vector<256x8x512xf32>
    %mul3A_118 = vector.broadcast %slice3A_116 : vector<256x1x512xf32> to vector<256x8x512xf32>
    %mul3A_119 = arith.mulf %mul3A_117, %mul3A_118 : vector<256x8x512xf32>
    %add3A_120 = arith.addf %add3A_114, %mul3A_119 : vector<256x8x512xf32>
    %reshape3A_121 = vector.shape_cast %add3A_120 : vector<256x8x512xf32> to vector<2048x512xf32>
    %convert_element_type3A_122 = arith.truncf %reshape3A_121 : vector<2048x512xf32> to vector<2048x512xbf16>
    %get3A_123 = arith.constant 0 : index
    %get3A_124 = arith.constant 0 : index
    %get3A_125 = vector.load %arg12[%get3A_123, %get3A_124] : memref<512x512xbf16, #tpu.memory_space<vmem>>, vector<512x512xbf16>
    %dot_general3A_126 = arith.constant dense<0.000000e+00> : vector<2048x512xf32>
    %dot_general3A_127 = tpu.matmul %convert_element_type3A_122, %get3A_125, %dot_general3A_126 {dimension_numbers = #tpu.dot_dimension_numbers<[1], [0], [0], [1], [0, 0, 1, 1], [], []>, transpose_lhs_hint = false} : vector<2048x512xbf16>, vector<512x512xbf16>, vector<2048x512xf32> -> vector<2048x512xf32>
    %get3A_128 = arith.constant 0 : index
    %get3A_129 = arith.constant 0 : index
    %get3A_130 = vector.load %arg13[%get3A_128, %get3A_129] : memref<1x512xf32, #tpu.memory_space<vmem>>, vector<1x512xf32>
    %add3A_131 = vector.broadcast %get3A_130 : vector<1x512xf32> to vector<2048x512xf32>
    %add3A_132 = arith.addf %dot_general3A_127, %add3A_131 : vector<2048x512xf32>
    %add3A_133 = arith.addf %add3A_43, %add3A_132 : vector<2048x512xf32>
    %get3A_134 = arith.constant 0 : index
    %get3A_135 = arith.constant 0 : index
    %get3A_136 = vector.load %arg14[%get3A_134, %get3A_135] : memref<1x512xf32, #tpu.memory_space<vmem>>, vector<1x512xf32>
    %get3A_137 = arith.constant 0 : index
    %get3A_138 = arith.constant 0 : index
    %get3A_139 = vector.load %arg15[%get3A_137, %get3A_138] : memref<1x512xf32, #tpu.memory_space<vmem>>, vector<1x512xf32>
    %reduce_sum3A_140 = arith.constant dense<0.000000e+00> : vector<2048xf32>
    %reduce_sum3A_141 = vector.multi_reduction <add>, %add3A_133, %reduce_sum3A_140 [1] : vector<2048x512xf32> to vector<2048xf32>
    %broadcast_in_dim3A_142 = vector.shape_cast %reduce_sum3A_141 : vector<2048xf32> to vector<2048x1xf32>
    %div3A_143 = arith.constant 5.120000e+02 : f32
    %div3A_144 = vector.broadcast %div3A_143 : f32 to vector<2048x1xf32>
    %div3A_145 = arith.divf %broadcast_in_dim3A_142, %div3A_144 : vector<2048x1xf32>
    %sub3A_146 = vector.broadcast %div3A_145 : vector<2048x1xf32> to vector<2048x512xf32>
    %sub3A_147 = arith.subf %add3A_133, %sub3A_146 : vector<2048x512xf32>
    %mul3A_148 = arith.mulf %sub3A_147, %sub3A_147 : vector<2048x512xf32>
    %reduce_sum3A_149 = arith.constant dense<0.000000e+00> : vector<2048xf32>
    %reduce_sum3A_150 = vector.multi_reduction <add>, %mul3A_148, %reduce_sum3A_149 [1] : vector<2048x512xf32> to vector<2048xf32>
    %broadcast_in_dim3A_151 = vector.shape_cast %reduce_sum3A_150 : vector<2048xf32> to vector<2048x1xf32>
    %div3A_152 = arith.constant 5.120000e+02 : f32
    %div3A_153 = vector.broadcast %div3A_152 : f32 to vector<2048x1xf32>
    %div3A_154 = arith.divf %broadcast_in_dim3A_151, %div3A_153 : vector<2048x1xf32>
    %add3A_155 = arith.constant 9.99999974E-6 : f32
    %add3A_156 = vector.broadcast %add3A_155 : f32 to vector<2048x1xf32>
    %add3A_157 = arith.addf %div3A_154, %add3A_156 : vector<2048x1xf32>
    %rsqrt3A_158 = math.rsqrt %add3A_157 : vector<2048x1xf32>
    %mul3A_159 = vector.broadcast %rsqrt3A_158 : vector<2048x1xf32> to vector<2048x512xf32>
    %mul3A_160 = arith.mulf %sub3A_147, %mul3A_159 : vector<2048x512xf32>
    %mul3A_161 = vector.broadcast %get3A_136 : vector<1x512xf32> to vector<2048x512xf32>
    %mul3A_162 = arith.mulf %mul3A_160, %mul3A_161 : vector<2048x512xf32>
    %add3A_163 = vector.broadcast %get3A_139 : vector<1x512xf32> to vector<2048x512xf32>
    %add3A_164 = arith.addf %mul3A_162, %add3A_163 : vector<2048x512xf32>
    %swap3A = arith.constant 0 : index
    %swap3A_165 = arith.constant 0 : index
    %swap3A_166 = vector.load %arg18[%swap3A, %swap3A_165] : memref<2048x512xf32, #tpu.memory_space<vmem>>, vector<2048x512xf32>
    tpu.vector_store %arg18[%swap3A, %swap3A_165], %add3A_164 {strides = array<i32>} : memref<2048x512xf32, #tpu.memory_space<vmem>>, vector<2048x512xf32>,
    %get3A_167 = arith.constant 0 : index
    %get3A_168 = arith.constant 0 : index
    %get3A_169 = vector.load %arg16[%get3A_167, %get3A_168] : memref<512x8xf32, #tpu.memory_space<vmem>>, vector<512x8xf32>
    %dot_general3A_170 = arith.constant dense<0.000000e+00> : vector<2048x8xf32>
    %dot_general3A_171 = tpu.matmul %add3A_164, %get3A_169, %dot_general3A_170 {dimension_numbers = #tpu.dot_dimension_numbers<[1], [0], [0], [1], [0, 0, 1, 1], [], []>, transpose_lhs_hint = false} : vector<2048x512xf32>, vector<512x8xf32>, vector<2048x8xf32> -> vector<2048x8xf32>
    %get3A_172 = arith.constant 0 : index
    %get3A_173 = arith.constant 0 : index
    %get3A_174 = vector.load %arg17[%get3A_172, %get3A_173] : memref<1x8xf32, #tpu.memory_space<vmem>>, vector<1x8xf32>
    %add3A_175 = vector.broadcast %get3A_174 : vector<1x8xf32> to vector<2048x8xf32>
    %add3A_176 = arith.addf %dot_general3A_171, %add3A_175 : vector<2048x8xf32>
    %reduce_max3A = arith.constant dense<0xFF800000> : vector<2048xf32>
    %reduce_max3A_177 = vector.multi_reduction <maximumf>, %add3A_176, %reduce_max3A [1] : vector<2048x8xf32> to vector<2048xf32>
    %broadcast_in_dim3A_178 = vector.shape_cast %reduce_max3A_177 : vector<2048xf32> to vector<2048x1xf32>
    %sub3A_179 = vector.broadcast %broadcast_in_dim3A_178 : vector<2048x1xf32> to vector<2048x8xf32>
    %sub3A_180 = arith.subf %add3A_176, %sub3A_179 : vector<2048x8xf32>
    %exp3A = math.exp %sub3A_180 : vector<2048x8xf32>
    %reduce_sum3A_181 = arith.constant dense<0.000000e+00> : vector<2048xf32>
    %reduce_sum3A_182 = vector.multi_reduction <add>, %exp3A, %reduce_sum3A_181 [1] : vector<2048x8xf32> to vector<2048xf32>
    %broadcast_in_dim3A_183 = vector.shape_cast %reduce_sum3A_182 : vector<2048xf32> to vector<2048x1xf32>
    %div3A_184 = vector.broadcast %broadcast_in_dim3A_183 : vector<2048x1xf32> to vector<2048x8xf32>
    %div3A_185 = arith.divf %exp3A, %div3A_184 : vector<2048x8xf32>
    %iota3A = tpu.iota {dimensions = array<i32: 1>} : vector<2048x8xi32>
    %reduce_max3A_186 = arith.constant dense<0xFF800000> : vector<2048xf32>
    %reduce_max3A_187 = vector.multi_reduction <maximumf>, %div3A_185, %reduce_max3A_186 [1] : vector<2048x8xf32> to vector<2048xf32>
    %broadcast_in_dim3A_188 = vector.shape_cast %reduce_max3A_187 : vector<2048xf32> to vector<2048x1xf32>
    %eq3A = vector.broadcast %broadcast_in_dim3A_188 : vector<2048x1xf32> to vector<2048x8xf32>
    %eq3A_189 = arith.cmpf oeq, %div3A_185, %eq3A : vector<2048x8xf32>
    %jit3A = arith.constant 8 : i32
    %broadcast_in_dim3A_190 = vector.broadcast %jit3A : i32 to vector<2048x8xi32>
    %select_n3A = arith.select %eq3A_189, %iota3A, %broadcast_in_dim3A_190 : vector<2048x8xi1>, vector<2048x8xi32>
    %reduce_min3A = arith.constant dense<2147483647> : vector<2048xi32>
    %reduce_min3A_191 = vector.multi_reduction <minsi>, %select_n3A, %reduce_min3A [1] : vector<2048x8xi32> to vector<2048xi32>
    %broadcast_in_dim3A_192 = vector.shape_cast %reduce_min3A_191 : vector<2048xi32> to vector<2048x1xi32>
    %eq3A_193 = vector.broadcast %broadcast_in_dim3A_192 : vector<2048x1xi32> to vector<2048x8xi32>
    %eq3A_194 = arith.cmpi eq, %iota3A, %eq3A_193 : vector<2048x8xi32>
    %jit3A_195 = arith.constant -1.000000e+00 : f32
    %broadcast_in_dim3A_196 = vector.broadcast %jit3A_195 : f32 to vector<2048x8xf32>
    %select_n3A_197 = arith.select %eq3A_194, %broadcast_in_dim3A_196, %div3A_185 : vector<2048x8xi1>, vector<2048x8xf32>
    %reduce_max3A_198 = arith.constant dense<0xFF800000> : vector<2048xf32>
    %reduce_max3A_199 = vector.multi_reduction <maximumf>, %select_n3A_197, %reduce_max3A_198 [1] : vector<2048x8xf32> to vector<2048xf32>
    %broadcast_in_dim3A_200 = vector.shape_cast %reduce_max3A_199 : vector<2048xf32> to vector<2048x1xf32>
    %eq3A_201 = vector.broadcast %broadcast_in_dim3A_200 : vector<2048x1xf32> to vector<2048x8xf32>
    %eq3A_202 = arith.cmpf oeq, %select_n3A_197, %eq3A_201 : vector<2048x8xf32>
    %jit3A_203 = arith.constant 8 : i32
    %broadcast_in_dim3A_204 = vector.broadcast %jit3A_203 : i32 to vector<2048x8xi32>
    %select_n3A_205 = arith.select %eq3A_202, %iota3A, %broadcast_in_dim3A_204 : vector<2048x8xi1>, vector<2048x8xi32>
    %reduce_min3A_206 = arith.constant dense<2147483647> : vector<2048xi32>
    %reduce_min3A_207 = vector.multi_reduction <minsi>, %select_n3A_205, %reduce_min3A_206 [1] : vector<2048x8xi32> to vector<2048xi32>
    %broadcast_in_dim3A_208 = vector.shape_cast %reduce_min3A_207 : vector<2048xi32> to vector<2048x1xi32>
    %eq3A_209 = vector.broadcast %broadcast_in_dim3A_208 : vector<2048x1xi32> to vector<2048x8xi32>
    %eq3A_210 = arith.cmpi eq, %iota3A, %eq3A_209 : vector<2048x8xi32>
    %swap3A_211 = arith.constant 0 : index
    %swap3A_212 = arith.constant 0 : index
    %swap3A_213 = vector.load %arg21[%swap3A_211, %swap3A_212] : memref<2048x1xf32, #tpu.memory_space<vmem>>, vector<2048x1xf32>
    tpu.vector_store %arg21[%swap3A_211, %swap3A_212], %broadcast_in_dim3A_188 {strides = array<i32>} : memref<2048x1xf32, #tpu.memory_space<vmem>>, vector<2048x1xf32>,
    %swap3A_214 = arith.constant 0 : index
    %swap3A_215 = arith.constant 0 : index
    %swap3A_216 = vector.load %arg22[%swap3A_214, %swap3A_215] : memref<2048x1xf32, #tpu.memory_space<vmem>>, vector<2048x1xf32>
    tpu.vector_store %arg22[%swap3A_214, %swap3A_215], %broadcast_in_dim3A_200 {strides = array<i32>} : memref<2048x1xf32, #tpu.memory_space<vmem>>, vector<2048x1xf32>,
    %jit3A_217 = arith.constant 1.000000e+00 : f32
    %jit3A_218 = arith.constant 0.000000e+00 : f32
    %broadcast_in_dim3A_219 = vector.broadcast %jit3A_217 : f32 to vector<2048x8xf32>
    %broadcast_in_dim3A_220 = vector.broadcast %jit3A_218 : f32 to vector<2048x8xf32>
    %select_n3A_221 = arith.select %eq3A_194, %broadcast_in_dim3A_219, %broadcast_in_dim3A_220 : vector<2048x8xi1>, vector<2048x8xf32>
    %jit3A_222 = arith.constant 1.000000e+00 : f32
    %jit3A_223 = arith.constant 0.000000e+00 : f32
    %broadcast_in_dim3A_224 = vector.broadcast %jit3A_222 : f32 to vector<2048x8xf32>
    %broadcast_in_dim3A_225 = vector.broadcast %jit3A_223 : f32 to vector<2048x8xf32>
    %select_n3A_226 = arith.select %eq3A_210, %broadcast_in_dim3A_224, %broadcast_in_dim3A_225 : vector<2048x8xi1>, vector<2048x8xf32>
    %concatenate3A = tpu.concatenate %select_n3A_221, %select_n3A_226 in 1 : vector<2048x8xf32>, vector<2048x8xf32> -> vector<2048x16xf32>
    %convert_element_type3A_227 = arith.truncf %concatenate3A : vector<2048x16xf32> to vector<2048x16xbf16>
    %iota3A_228 = tpu.iota {dimensions = array<i32: 0>} : vector<2048x2048xi32>
    %iota3A_229 = tpu.iota {dimensions = array<i32: 1>} : vector<2048x2048xi32>
    %ge3A = arith.cmpi sge, %iota3A_228, %iota3A_229 : vector<2048x2048xi32>
    %convert_element_type3A_230 = arith.extui %ge3A : vector<2048x2048xi1> to vector<2048x2048xi32>
    %convert_element_type3A_231 = arith.sitofp %convert_element_type3A_230 : vector<2048x2048xi32> to vector<2048x2048xf32>
    %convert_element_type3A_232 = arith.truncf %convert_element_type3A_231 : vector<2048x2048xf32> to vector<2048x2048xbf16>
    %dot_general3A_233 = arith.constant dense<0.000000e+00> : vector<2048x16xf32>
    %dot_general3A_234 = tpu.matmul %convert_element_type3A_232, %convert_element_type3A_227, %dot_general3A_233 {dimension_numbers = #tpu.dot_dimension_numbers<[1], [0], [0], [1], [0, 0, 1, 1], [], []>, transpose_lhs_hint = false} : vector<2048x2048xbf16>, vector<2048x16xbf16>, vector<2048x16xf32> -> vector<2048x16xf32>
    %slice3A_235 = vector.extract_strided_slice %dot_general3A_234 {offsets = [0, 0], sizes = [2048, 8], strides = [1, 1]} : vector<2048x16xf32> to vector<2048x8xf32>
    %slice3A_236 = vector.extract_strided_slice %dot_general3A_234 {offsets = [0, 8], sizes = [2048, 8], strides = [1, 1]} : vector<2048x16xf32> to vector<2048x8xf32>
    %slice3A_237 = vector.extract_strided_slice %slice3A_235 {offsets = [2047, 0], sizes = [1, 8], strides = [1, 1]} : vector<2048x8xf32> to vector<1x8xf32>
    %slice3A_238 = vector.extract_strided_slice %slice3A_236 {offsets = [2047, 0], sizes = [1, 8], strides = [1, 1]} : vector<2048x8xf32> to vector<1x8xf32>
    %add3A_239 = arith.addf %slice3A_237, %slice3A_238 : vector<1x8xf32>
    %convert_element_type3A_240 = arith.fptosi %add3A_239 : vector<1x8xf32> to vector<1x8xi32>
    %add3A_241 = arith.constant 255 : i32
    %add3A_242 = vector.broadcast %add3A_241 : i32 to vector<1x8xi32>
    %add3A_243 = arith.addi %convert_element_type3A_240, %add3A_242 : vector<1x8xi32>
    %shift_right_logical3A = arith.constant 8 : i32
    %shift_right_logical3A_244 = vector.broadcast %shift_right_logical3A : i32 to vector<1x8xi32>
    %shift_right_logical3A_245 = arith.shrui %add3A_243, %shift_right_logical3A_244 : vector<1x8xi32>
    %mul3A_246 = arith.constant 256 : i32
    %mul3A_247 = vector.broadcast %mul3A_246 : i32 to vector<1x8xi32>
    %mul3A_248 = arith.muli %shift_right_logical3A_245, %mul3A_247 : vector<1x8xi32>
    %convert_element_type3A_249 = arith.sitofp %mul3A_248 : vector<1x8xi32> to vector<1x8xf32>
    %iota3A_250 = tpu.iota {dimensions = array<i32: 0>} : vector<8x8xi32>
    %iota3A_251 = tpu.iota {dimensions = array<i32: 1>} : vector<8x8xi32>
    %lt3A = arith.cmpi slt, %iota3A_250, %iota3A_251 : vector<8x8xi32>
    %convert_element_type3A_252 = arith.extui %lt3A : vector<8x8xi1> to vector<8x8xi32>
    %convert_element_type3A_253 = arith.sitofp %convert_element_type3A_252 : vector<8x8xi32> to vector<8x8xf32>
    %le3A = arith.cmpi sle, %iota3A_250, %iota3A_251 : vector<8x8xi32>
    %convert_element_type3A_254 = arith.extui %le3A : vector<8x8xi1> to vector<8x8xi32>
    %convert_element_type3A_255 = arith.sitofp %convert_element_type3A_254 : vector<8x8xi32> to vector<8x8xf32>
    %dot_general3A_256 = arith.constant dense<0.000000e+00> : vector<1x8xf32>
    %dot_general3A_257 = tpu.matmul %convert_element_type3A_249, %convert_element_type3A_253, %dot_general3A_256 {dimension_numbers = #tpu.dot_dimension_numbers<[1], [0], [0], [1], [0, 0, 1, 1], [], []>, transpose_lhs_hint = false} : vector<1x8xf32>, vector<8x8xf32>, vector<1x8xf32> -> vector<1x8xf32>
    %sub3A_258 = arith.constant 1.000000e+00 : f32
    %sub3A_259 = vector.broadcast %sub3A_258 : f32 to vector<2048x8xf32>
    %sub3A_260 = arith.subf %slice3A_235, %sub3A_259 : vector<2048x8xf32>
    %add3A_261 = vector.broadcast %dot_general3A_257 : vector<1x8xf32> to vector<2048x8xf32>
    %add3A_262 = arith.addf %sub3A_260, %add3A_261 : vector<2048x8xf32>
    %mul3A_263 = arith.mulf %select_n3A_221, %add3A_262 : vector<2048x8xf32>
    %reduce_sum3A_264 = arith.constant dense<0.000000e+00> : vector<2048xf32>
    %reduce_sum3A_265 = vector.multi_reduction <add>, %mul3A_263, %reduce_sum3A_264 [1] : vector<2048x8xf32> to vector<2048xf32>
    %broadcast_in_dim3A_266 = vector.shape_cast %reduce_sum3A_265 : vector<2048xf32> to vector<2048x1xf32>
    %sub3A_267 = arith.constant 1.000000e+00 : f32
    %sub3A_268 = vector.broadcast %sub3A_267 : f32 to vector<2048x8xf32>
    %sub3A_269 = arith.subf %slice3A_236, %sub3A_268 : vector<2048x8xf32>
    %add3A_270 = vector.broadcast %dot_general3A_257 : vector<1x8xf32> to vector<2048x8xf32>
    %add3A_271 = arith.addf %sub3A_269, %add3A_270 : vector<2048x8xf32>
    %add3A_272 = vector.broadcast %slice3A_237 : vector<1x8xf32> to vector<2048x8xf32>
    %add3A_273 = arith.addf %add3A_271, %add3A_272 : vector<2048x8xf32>
    %mul3A_274 = arith.mulf %select_n3A_226, %add3A_273 : vector<2048x8xf32>
    %reduce_sum3A_275 = arith.constant dense<0.000000e+00> : vector<2048xf32>
    %reduce_sum3A_276 = vector.multi_reduction <add>, %mul3A_274, %reduce_sum3A_275 [1] : vector<2048x8xf32> to vector<2048xf32>
    %broadcast_in_dim3A_277 = vector.shape_cast %reduce_sum3A_276 : vector<2048xf32> to vector<2048x1xf32>
    %convert_element_type3A_278 = arith.fptosi %broadcast_in_dim3A_266 : vector<2048x1xf32> to vector<2048x1xi32>
    %swap3A_279 = arith.constant 0 : index
    %swap3A_280 = arith.constant 0 : index
    %swap3A_281 = vector.load %arg19[%swap3A_279, %swap3A_280] : memref<2048x1xi32, #tpu.memory_space<vmem>>, vector<2048x1xi32>
    tpu.vector_store %arg19[%swap3A_279, %swap3A_280], %convert_element_type3A_278 {strides = array<i32>} : memref<2048x1xi32, #tpu.memory_space<vmem>>, vector<2048x1xi32>,
    %convert_element_type3A_282 = arith.fptosi %broadcast_in_dim3A_277 : vector<2048x1xf32> to vector<2048x1xi32>
    %swap3A_283 = arith.constant 0 : index
    %swap3A_284 = arith.constant 0 : index
    %swap3A_285 = vector.load %arg20[%swap3A_283, %swap3A_284] : memref<2048x1xi32, #tpu.memory_space<vmem>>, vector<2048x1xi32>
    tpu.vector_store %arg20[%swap3A_283, %swap3A_284], %convert_element_type3A_282 {strides = array<i32>} : memref<2048x1xi32, #tpu.memory_space<vmem>>, vector<2048x1xi32>,
    %mul3A_286 = arith.constant 3.906250e-03 : f32
    %mul3A_287 = vector.broadcast %mul3A_286 : f32 to vector<1x8xf32>
    %mul3A_288 = arith.mulf %convert_element_type3A_249, %mul3A_287 : vector<1x8xf32>
    %dot_general3A_289 = arith.constant dense<0.000000e+00> : vector<1x8xf32>
    %dot_general3A_290 = tpu.matmul %mul3A_288, %convert_element_type3A_255, %dot_general3A_289 {dimension_numbers = #tpu.dot_dimension_numbers<[1], [0], [0], [1], [0, 0, 1, 1], [], []>, transpose_lhs_hint = false} : vector<1x8xf32>, vector<8x8xf32>, vector<1x8xf32> -> vector<1x8xf32>
    %iota3A_291 = tpu.iota {dimensions = array<i32: 0>} : vector<24x1xi32>
    %convert_element_type3A_292 = arith.sitofp %iota3A_291 : vector<24x1xi32> to vector<24x1xf32>
    %broadcast_in_dim3A_293 = vector.shape_cast %dot_general3A_290 : vector<1x8xf32> to vector<1x8xf32>
    %broadcast_in_dim3A_294 = vector.broadcast %broadcast_in_dim3A_293 : vector<1x8xf32> to vector<24x8xf32>
    %ge3A_295 = vector.broadcast %convert_element_type3A_292 : vector<24x1xf32> to vector<24x8xf32>
    %ge3A_296 = arith.cmpf oge, %ge3A_295, %broadcast_in_dim3A_294 : vector<24x8xf32>
    %convert_element_type3A_297 = arith.extui %ge3A_296 : vector<24x8xi1> to vector<24x8xi32>
    %convert_element_type3A_298 = arith.sitofp %convert_element_type3A_297 : vector<24x8xi32> to vector<24x8xf32>
    %reduce_sum3A_299 = arith.constant dense<0.000000e+00> : vector<24xf32>
    %reduce_sum3A_300 = vector.multi_reduction <add>, %convert_element_type3A_298, %reduce_sum3A_299 [1] : vector<24x8xf32> to vector<24xf32>
    %broadcast_in_dim3A_301 = vector.shape_cast %reduce_sum3A_300 : vector<24xf32> to vector<24x1xf32>
    %min3A = arith.constant 7.000000e+00 : f32
    %min3A_302 = vector.broadcast %min3A : f32 to vector<24x1xf32>
    %min3A_303 = arith.minimumf %broadcast_in_dim3A_301, %min3A_302 : vector<24x1xf32>
    %convert_element_type3A_304 = arith.fptosi %min3A_303 : vector<24x1xf32> to vector<24x1xi32>
    %iota3A_305 = tpu.iota {dimensions = array<i32: 1>} : vector<24x8xi32>
    %eq3A_306 = vector.broadcast %convert_element_type3A_304 : vector<24x1xi32> to vector<24x8xi32>
    %eq3A_307 = arith.cmpi eq, %iota3A_305, %eq3A_306 : vector<24x8xi32>
    %sub3A_308 = arith.subf %dot_general3A_290, %mul3A_288 : vector<1x8xf32>
    %broadcast_in_dim3A_309 = vector.shape_cast %sub3A_308 : vector<1x8xf32> to vector<1x8xf32>
    %broadcast_in_dim3A_310 = vector.broadcast %broadcast_in_dim3A_309 : vector<1x8xf32> to vector<24x8xf32>
    %jit3A_311 = arith.constant 0.000000e+00 : f32
    %broadcast_in_dim3A_312 = vector.broadcast %jit3A_311 : f32 to vector<24x8xf32>
    %select_n3A_313 = arith.select %eq3A_307, %broadcast_in_dim3A_310, %broadcast_in_dim3A_312 : vector<24x8xi1>, vector<24x8xf32>
    %reduce_sum3A_314 = arith.constant dense<0.000000e+00> : vector<24xf32>
    %reduce_sum3A_315 = vector.multi_reduction <add>, %select_n3A_313, %reduce_sum3A_314 [1] : vector<24x8xf32> to vector<24xf32>
    %broadcast_in_dim3A_316 = vector.shape_cast %reduce_sum3A_315 : vector<24xf32> to vector<24x1xf32>
    %broadcast_in_dim3A_317 = vector.shape_cast %add3A_239 : vector<1x8xf32> to vector<1x8xf32>
    %broadcast_in_dim3A_318 = vector.broadcast %broadcast_in_dim3A_317 : vector<1x8xf32> to vector<24x8xf32>
    %jit3A_319 = arith.constant 0.000000e+00 : f32
    %broadcast_in_dim3A_320 = vector.broadcast %jit3A_319 : f32 to vector<24x8xf32>
    %select_n3A_321 = arith.select %eq3A_307, %broadcast_in_dim3A_318, %broadcast_in_dim3A_320 : vector<24x8xi1>, vector<24x8xf32>
    %reduce_sum3A_322 = arith.constant dense<0.000000e+00> : vector<24xf32>
    %reduce_sum3A_323 = vector.multi_reduction <add>, %select_n3A_321, %reduce_sum3A_322 [1] : vector<24x8xf32> to vector<24xf32>
    %broadcast_in_dim3A_324 = vector.shape_cast %reduce_sum3A_323 : vector<24xf32> to vector<24x1xf32>
    %sub3A_325 = arith.subf %convert_element_type3A_292, %broadcast_in_dim3A_316 : vector<24x1xf32>
    %mul3A_326 = arith.constant 2.560000e+02 : f32
    %mul3A_327 = vector.broadcast %mul3A_326 : f32 to vector<24x1xf32>
    %mul3A_328 = arith.mulf %sub3A_325, %mul3A_327 : vector<24x1xf32>
    %sub3A_329 = arith.subf %broadcast_in_dim3A_324, %mul3A_328 : vector<24x1xf32>
    %jit3A_330 = arith.constant 0.000000e+00 : f32
    %jit3A_331 = arith.constant 2.560000e+02 : f32
    %max3A = vector.broadcast %jit3A_330 : f32 to vector<24x1xf32>
    %max3A_332 = arith.maximumf %max3A, %sub3A_329 : vector<24x1xf32>
    %min3A_333 = vector.broadcast %jit3A_331 : f32 to vector<24x1xf32>
    %min3A_334 = arith.minimumf %min3A_333, %max3A_332 : vector<24x1xf32>
    %ge3A_335 = arith.constant 8.000000e+00 : f32
    %ge3A_336 = vector.broadcast %ge3A_335 : f32 to vector<24x1xf32>
    %ge3A_337 = arith.cmpf oge, %broadcast_in_dim3A_301, %ge3A_336 : vector<24x1xf32>
    %jit3A_338 = arith.constant 0.000000e+00 : f32
    %broadcast_in_dim3A_339 = vector.broadcast %jit3A_338 : f32 to vector<24x1xf32>
    %select_n3A_340 = arith.select %ge3A_337, %broadcast_in_dim3A_339, %min3A_334 : vector<24x1xi1>, vector<24x1xf32>
    %swap3A_341 = arith.constant 0 : index
    %swap3A_342 = arith.constant 0 : index
    %swap3A_343 = vector.load %arg23[%swap3A_341, %swap3A_342] : memref<24x1xi32, #tpu.memory_space<vmem>>, vector<24x1xi32>
    tpu.vector_store %arg23[%swap3A_341, %swap3A_342], %convert_element_type3A_304 {strides = array<i32>} : memref<24x1xi32, #tpu.memory_space<vmem>>, vector<24x1xi32>,
    %convert_element_type3A_344 = arith.fptosi %select_n3A_340 : vector<24x1xf32> to vector<24x1xi32>
    %swap3A_345 = arith.constant 0 : index
    %swap3A_346 = arith.constant 0 : index
    %swap3A_347 = vector.load %arg24[%swap3A_345, %swap3A_346] : memref<24x1xi32, #tpu.memory_space<vmem>>, vector<24x1xi32>
    tpu.vector_store %arg24[%swap3A_345, %swap3A_346], %convert_element_type3A_344 {strides = array<i32>} : memref<24x1xi32, #tpu.memory_space<vmem>>, vector<24x1xi32>,
    return
  }
}

module attributes {stable_mosaic.version = 14 : i64} {
  func.func @_final_body(%arg0: memref<2048x512xf32, #tpu.memory_space<vmem>>, %arg1: memref<2048x512xf32, #tpu.memory_space<vmem>>, %arg2: memref<2048x512xf32, #tpu.memory_space<vmem>>, %arg3: memref<2048x1xf32, #tpu.memory_space<vmem>>, %arg4: memref<2048x1xf32, #tpu.memory_space<vmem>>, %arg5: memref<1x512xf32, #tpu.memory_space<vmem>>, %arg6: memref<1x512xf32, #tpu.memory_space<vmem>>, %arg7: memref<2048x512xf32, #tpu.memory_space<vmem>>) attributes {dimension_semantics = [], scalar_prefetch = 0 : i64, scratch_operands = 0 : i64, tpu.core_type = #tpu.core_type<tc>} {
    %get3A = arith.constant 0 : index
    %get3A_0 = arith.constant 0 : index
    %get3A_1 = vector.load %arg3[%get3A, %get3A_0] : memref<2048x1xf32, #tpu.memory_space<vmem>>, vector<2048x1xf32>
    %get3A_2 = arith.constant 0 : index
    %get3A_3 = arith.constant 0 : index
    %get3A_4 = vector.load %arg1[%get3A_2, %get3A_3] : memref<2048x512xf32, #tpu.memory_space<vmem>>, vector<2048x512xf32>
    %mul3A = vector.broadcast %get3A_1 : vector<2048x1xf32> to vector<2048x512xf32>
    %mul3A_5 = arith.mulf %mul3A, %get3A_4 : vector<2048x512xf32>
    %get3A_6 = arith.constant 0 : index
    %get3A_7 = arith.constant 0 : index
    %get3A_8 = vector.load %arg4[%get3A_6, %get3A_7] : memref<2048x1xf32, #tpu.memory_space<vmem>>, vector<2048x1xf32>
    %get3A_9 = arith.constant 0 : index
    %get3A_10 = arith.constant 0 : index
    %get3A_11 = vector.load %arg2[%get3A_9, %get3A_10] : memref<2048x512xf32, #tpu.memory_space<vmem>>, vector<2048x512xf32>
    %mul3A_12 = vector.broadcast %get3A_8 : vector<2048x1xf32> to vector<2048x512xf32>
    %mul3A_13 = arith.mulf %mul3A_12, %get3A_11 : vector<2048x512xf32>
    %add3A = arith.addf %mul3A_5, %mul3A_13 : vector<2048x512xf32>
    %get3A_14 = arith.constant 0 : index
    %get3A_15 = arith.constant 0 : index
    %get3A_16 = vector.load %arg0[%get3A_14, %get3A_15] : memref<2048x512xf32, #tpu.memory_space<vmem>>, vector<2048x512xf32>
    %add3A_17 = arith.addf %get3A_16, %add3A : vector<2048x512xf32>
    %get3A_18 = arith.constant 0 : index
    %get3A_19 = arith.constant 0 : index
    %get3A_20 = vector.load %arg5[%get3A_18, %get3A_19] : memref<1x512xf32, #tpu.memory_space<vmem>>, vector<1x512xf32>
    %get3A_21 = arith.constant 0 : index
    %get3A_22 = arith.constant 0 : index
    %get3A_23 = vector.load %arg6[%get3A_21, %get3A_22] : memref<1x512xf32, #tpu.memory_space<vmem>>, vector<1x512xf32>
    %reduce_sum3A = arith.constant dense<0.000000e+00> : vector<2048xf32>
    %reduce_sum3A_24 = vector.multi_reduction <add>, %add3A_17, %reduce_sum3A [1] : vector<2048x512xf32> to vector<2048xf32>
    %broadcast_in_dim3A = vector.shape_cast %reduce_sum3A_24 : vector<2048xf32> to vector<2048x1xf32>
    %div3A = arith.constant 5.120000e+02 : f32
    %div3A_25 = vector.broadcast %div3A : f32 to vector<2048x1xf32>
    %div3A_26 = arith.divf %broadcast_in_dim3A, %div3A_25 : vector<2048x1xf32>
    %sub3A = vector.broadcast %div3A_26 : vector<2048x1xf32> to vector<2048x512xf32>
    %sub3A_27 = arith.subf %add3A_17, %sub3A : vector<2048x512xf32>
    %mul3A_28 = arith.mulf %sub3A_27, %sub3A_27 : vector<2048x512xf32>
    %reduce_sum3A_29 = arith.constant dense<0.000000e+00> : vector<2048xf32>
    %reduce_sum3A_30 = vector.multi_reduction <add>, %mul3A_28, %reduce_sum3A_29 [1] : vector<2048x512xf32> to vector<2048xf32>
    %broadcast_in_dim3A_31 = vector.shape_cast %reduce_sum3A_30 : vector<2048xf32> to vector<2048x1xf32>
    %div3A_32 = arith.constant 5.120000e+02 : f32
    %div3A_33 = vector.broadcast %div3A_32 : f32 to vector<2048x1xf32>
    %div3A_34 = arith.divf %broadcast_in_dim3A_31, %div3A_33 : vector<2048x1xf32>
    %add3A_35 = arith.constant 9.99999974E-6 : f32
    %add3A_36 = vector.broadcast %add3A_35 : f32 to vector<2048x1xf32>
    %add3A_37 = arith.addf %div3A_34, %add3A_36 : vector<2048x1xf32>
    %rsqrt3A = math.rsqrt %add3A_37 : vector<2048x1xf32>
    %mul3A_38 = vector.broadcast %rsqrt3A : vector<2048x1xf32> to vector<2048x512xf32>
    %mul3A_39 = arith.mulf %sub3A_27, %mul3A_38 : vector<2048x512xf32>
    %mul3A_40 = vector.broadcast %get3A_20 : vector<1x512xf32> to vector<2048x512xf32>
    %mul3A_41 = arith.mulf %mul3A_39, %mul3A_40 : vector<2048x512xf32>
    %add3A_42 = vector.broadcast %get3A_23 : vector<1x512xf32> to vector<2048x512xf32>
    %add3A_43 = arith.addf %mul3A_41, %add3A_42 : vector<2048x512xf32>
    %swap3A = arith.constant 0 : index
    %swap3A_44 = arith.constant 0 : index
    %swap3A_45 = vector.load %arg7[%swap3A, %swap3A_44] : memref<2048x512xf32, #tpu.memory_space<vmem>>, vector<2048x512xf32>
    tpu.vector_store %arg7[%swap3A, %swap3A_44], %add3A_43 {strides = array<i32>} : memref<2048x512xf32, #tpu.memory_space<vmem>>, vector<2048x512xf32>,
    return
  }
}

</mosaic_0001>

<sc_bundles>
// kernel: kernel.11.cloned.1.call-start
scs
__scs_entry_jumppad:
0x0: {  	(pc) =	sbr.rel $0x88, $3  }
0x1: {  	(tag) =	ssettag $0x0;
	lr =	simm.s32 $0x1  }
0x2: {  	[smem:$0x3F89] =	sst lr;
	_ =	strace $0xD0000000  }
0x3: {  	_ = 	snop  }
0x4: {  	_ = 	snop  }
0x5: {  	_ = 	snop  }
0x6: {  	_ = 	snop  }
0x7: {  	_ = 	snop  }
__scs_overlays_trampoline_lowered:
0x8: {  	[smem:$0x3F98] =	sst s0  }
0x9: {  	[smem:$0x3F99] =	sst s1  }
0xa: {  	[smem:$0x3F9A] =	sst s2  }
0xb: {  	[smem:$0x3F9B] =	sst s3  }
0xc: {  	[smem:$0x3F9C] =	sst s4  }
0xd: {  	[smem:$0x3F9D] =	sst s5  }
0xe: {  	[smem:$0x3F9E] =	sst s6  }
0xf: {  	[smem:$0x3F9F] =	sst s7  }
0x10: {  	[smem:$0x3FA0] =	sst s8  }
0x11: {  	[smem:$0x3FA1] =	sst s9;
	s0 =	simm.s32 @!p0 $0x0  }
0x12: {  	s1 =	sld [smem:$0x3F87];
	s0 =	simm.s32 @p0 $0x1  }
0x13: {  	[smem:$0x3FA2] =	sst s0;
	s0 =	simm.s32 @!p1 $0x0  }
0x14: {  	s2 =	sld [smem:$0x3F86];
	s0 =	simm.s32 @p1 $0x1  }
0x15: {  	[smem:$0x3FA3] =	sst s0;
	s0 =	simm.s32 @!p2 $0x0  }
0x16: {  	s3 =	sld [smem:$0x3FDB];
	s0 =	simm.s32 @p2 $0x1  }
0x17: {  	s4 =	simm.s32 $0x1BF5;
	[smem:$0x3FA5] =	sst s0  }
0x18: {  	s0 =	sld [smem:$0x3F88];
	_ =	swait.ge [sflag:s4], $0x0  }
0x19: {  	s7 =	sld [smem:$0x3F89]  }
0x1a: {  	s8 =	sadd.s32 $0xFFFFE003, lr  }
0x1b: {  	s9 =	sadd.s32 $0xFFFFFEF7, lr;
	s5 =	simm.s32 $0xFFFFFFFF;
	p2 =	slt.u32 s8, $0xFFFFF086  }
0x1c: {  	p1 =	slt.u32 s9, $0xF7A;
	s5 =	simm.s32 @!p2 $0x0  }
0x1d: {  	s5 =	simm.s32 @p1 $0x1;
	p0 =	seq.s32 s7, s2  }
0x1e: {  	s7 =	smul.u32 @!p0 $0xF7A, s2;
	p2 =	seq.s32 @!p0 s5, $0x0  }
0x1f: {  	s9 =	smul.u32 $0xF7A, s1;
	s8 =	simm.s32 @!p0 $0x1BF5;
	p2 =	por !p2, p0  }
0x20: {  	[sflag:s8] =	ssyncset.s32 @!p0 $0xFFFFF086;
	s6 =	sadd.s32 @!p0 s3, s7;
	s7 =	simm.s32 @!p0 $0x108  }
0x21: {  	s3 =	sadd.s32 s3, s9;
	s6 =	sadd.s32 @!p0 $0x88, s6;
	s7 =	simm.s32 @p2 $0x1082  }
0x22: {  	[simem:s7], [sflag:s8] =	dma.local @!p0 [hbm:s6], $0xF7A  }
0x23: {  	s9 =	sor.u32 $0xD0000000, s2;
	s6 =	simm.s32 $0x108;
	_ =	swait.ge @!p0 [sflag:s8], $0x0  }
0x24: {  	s3 =	sadd.s32 $0x88, s3;
	s6 =	simm.s32 @!p1 $0x1082;
	[sflag:s4] =	ssyncset.s32 $0xFFFFF086  }
0x25: {  	[simem:s6], [sflag:s4] =	dma.local [hbm:s3], $0xF7A  }
0x26: {  	[smem:$0x3F89] =	sst s1;
	(tag) =	ssettag s2;
	_ =	strace s9  }
0x27: {  	s1 =	sld [smem:$0x3F99]  }
0x28: {  	s2 =	sld [smem:$0x3F9A]  }
0x29: {  	s4 =	sld [smem:$0x3F9C]  }
0x2a: {  	p0 =	seq.s32 s5, $0x0;
	s5 =	sld [smem:$0x3F9D]  }
0x2b: {  	s6 =	sld [smem:$0x3F9E]  }
0x2c: {  	s7 =	sld [smem:$0x3F9F]  }
0x2d: {  	s3 =	simm.s32 $0x108;
	s8 =	sld [smem:$0x3FA0]  }
0x2e: {  	s3 =	simm.s32 @!p0 $0x1082;
	s9 =	sld [smem:$0x3FA1]  }
0x2f: {  	lr =	sadd.s32 s0, s3;
	s0 =	sld [smem:$0x3F98]  }
0x30: {  	s3 =	sld [smem:$0x3F9B]  }
0x31: {  	[smem:$0x3FA4] =	sst s10  }
0x32: {  	s10 =	sld [smem:$0x3FA2];
	_ =	sdelay $0x3  }
0x33: {  	p0 =	seq.s32 s10, $0x1;
	s10 =	sld [smem:$0x3FA4];
	_ =	sdelay $0x3  }
0x34: {  	[smem:$0x3FA4] =	sst s10  }
0x35: {  	s10 =	sld [smem:$0x3FA3];
	_ =	sdelay $0x3  }
0x36: {  	p1 =	seq.s32 s10, $0x1;
	s10 =	sld [smem:$0x3FA4];
	_ =	sdelay $0x3  }
0x37: {  	[smem:$0x3FA4] =	sst s10  }
0x38: {  	s10 =	sld [smem:$0x3FA5]  }
0x39: {  	_ = 	snop;
	(pc) =	sbr.ind lr, $3  }
0x3a: {  	_ = 	snop  }
0x3b: {  	_ = 	snop  }
0x3c: {  	p2 =	seq.s32 s10, $0x1;
	s10 =	sld [smem:$0x3FA4]  }
0x3d: {  	_ =	shalt  }
0x3e: {  	_ =	shalt  }
0x3f: {  	_ =	shalt  }
0x40: {  	_ =	shalt  }
0x41: {  	_ =	shalt  }
0x42: {  	_ =	shalt  }
0x43: {  	_ =	shalt  }
0x44: {  	_ =	shalt  }
0x45: {  	_ =	shalt  }
0x46: {  	_ =	shalt  }
0x47: {  	_ =	shalt  }
0x48: {  	_ =	shalt  }
0x49: {  	_ =	shalt  }
0x4a: {  	_ =	shalt  }
0x4b: {  	_ =	shalt  }
0x4c: {  	_ =	shalt  }
0x4d: {  	_ =	shalt  }
0x4e: {  	_ =	shalt  }
0x4f: {  	_ =	shalt  }
0x50: {  	_ =	shalt  }
0x51: {  	_ =	shalt  }
0x52: {  	_ =	shalt  }
0x53: {  	_ =	shalt  }
0x54: {  	_ =	shalt  }
0x55: {  	_ =	shalt  }
0x56: {  	_ =	shalt  }
0x57: {  	_ =	shalt  }
0x58: {  	_ =	shalt  }
0x59: {  	_ =	shalt  }
0x5a: {  	_ =	shalt  }
0x5b: {  	_ =	shalt  }
0x5c: {  	_ =	shalt  }
0x5d: {  	_ =	shalt  }
0x5e: {  	_ =	shalt  }
0x5f: {  	_ =	shalt  }
0x60: {  	_ =	shalt  }
0x61: {  	_ =	shalt  }
0x62: {  	_ =	shalt  }
0x63: {  	_ =	shalt  }
0x64: {  	_ =	shalt  }
0x65: {  	_ =	shalt  }
0x66: {  	_ =	shalt  }
0x67: {  	_ =	shalt  }
0x68: {  	_ =	shalt  }
0x69: {  	_ =	shalt  }
0x6a: {  	_ =	shalt  }
0x6b: {  	_ =	shalt  }
0x6c: {  	_ =	shalt  }
0x6d: {  	_ =	shalt  }
0x6e: {  	_ =	shalt  }
0x6f: {  	_ =	shalt  }
0x70: {  	_ =	shalt  }
0x71: {  	_ =	shalt  }
0x72: {  	_ =	shalt  }
0x73: {  	_ =	shalt  }
0x74: {  	_ =	shalt  }
0x75: {  	_ =	shalt  }
0x76: {  	_ =	shalt  }
0x77: {  	_ =	shalt  }
0x78: {  	_ =	shalt  }
0x79: {  	_ =	shalt  }
0x7a: {  	_ =	shalt  }
0x7b: {  	_ =	shalt  }
0x7c: {  	_ =	shalt  }
0x7d: {  	_ =	shalt  }
0x7e: {  	_ =	shalt  }
0x7f: {  	_ =	shalt  }
0x80: {  	_ =	shalt  }
0x81: {  	_ =	shalt  }
0x82: {  	_ =	shalt  }
0x83: {  	_ =	shalt  }
0x84: {  	_ =	shalt  }
0x85: {  	_ =	shalt  }
0x86: {  	_ =	shalt  }
0x87: {  	_ =	shalt  }
.Lfunc_end0:
.L_simem_size_0:
called_computation_lowered:
.L_overlay_start_0:
0x88: {  	s2 =	sld [smem:$0x3FD9]  }
0x89: {  	s3 =	sld [smem:$0x3FFE];
	_ =	sdelay $0x1  }
0x8a: {  	s1 =	srdreg.scid  }
0x8b: {  	s0 =	sand.u32 $0x1, s1  }
0x8c: {  	s17 =	sshll.u32 s0, $0xA;
	s2 =	sadd.s32 s3, s2  }
0x8d: {  	s2 =	sadd.s32 s2, s17  }
0x8e: {  	[smem:$0x3FB0] =	sst s2  }
0x8f: {  	_ = 	snop  }
0x90: {  	s2 =	sld [smem:$0x3FD0];
	(tm) =	ssettm $0x1  }
0x91: {  	s18 =	sld [smem:$0x3FFB];
	_ =	sdelay $0x3  }
0x92: {  	_ =	strace s18  }
0x93: {  	s3 =	sld [smem:$0x3FFC];
	_ =	sdelay $0x3  }
0x94: {  	_ =	strace s3  }
0x95: {  	s3 =	sld [smem:$0x3FFD];
	_ =	sdelay $0x3  }
0x96: {  	_ =	strace s3  }
0x97: {  	_ =	strace $0x8FFFFFFF  }
0x98: {  	s19 =	sld [smem:$0x3FDB];
	_ =	sdelay $0x1  }
0x99: {  	s4 =	simm.s32 $_scs_section_size  }
0x9a: {  	s5 =	simm.s32 $_size__tile_overlayer_lowered;
	s6 =	simm.s32 $_tile_overlayer_lowered  }
0x9b: {  	s22 =	simm.s32 $0x1BFF;
	s21 =	sshll.u32 s6, $0x1;
	s3 =	sadd.s32 s4, s19  }
0x9c: {  	s7 =	simm.s32 $0x0;
	s20 =	sshll.u32 s5, $0x1;
	s5 =	sadd.s32 s21, s3  }
0x9d: {  	[timem:s7], [sflag:s22] =	dma.local [hbm:s5], s20  }
0x9e: {  	_ =	swait.ge [sflag:s22], s20  }
0x9f: {  	s4 =	ssub.s32 $0x0, s20;
	[sflag:s22] =	ssyncset.done $0x0  }
0xa0: {  	[sflag:s22] =	ssyncadd.s32 s4;
	_ =	sdelay $0x1  }
0xa1: {  	s23 =	simm.s32 $0x1B8B  }
0xa2: {  	_ =	swait.ge [sflag:s23], $0x1  }
0xa3: {  	[sflag:s23] =	ssyncset.done $0x0  }
0xa4: {  	s25 =	simm.s32 $0x1B8E;
	s24 =	sld [smem:$0x3FFE];
	[sflag:s23] =	ssyncadd.s32 $0xFFFFFFFF  }
0xa5: {  	s26 =	simm.s32 $execute0_lowered;
	[smem:$0x3FD2] =	sst s25  }
0xa6: {  	s5 =	sshll.u32 s26, $0x1;
	_ =	strace $0x80000046;
	[dreg:$0x1] =	wrdreg $0xFFFFFFFF  }
0xa7: {  	s28 =	simm.s32 $_size_execute0_lowered;
	s3 =	sadd.s32 s3, s5;
	[dreg:$0x0] =	wrdreg $0x0  }
0xa8: {  	s5 =	sshll.u32 s28, $0x1;
	[dreg:$0x2] =	wrdreg s3  }
0xa9: {  	[dreg:$0x3] =	wrdreg s5  }
0xaa: {  	[dreg:$0x4] =	wrdreg $0xC0  }
0xab: {  	_ =	task [dreg:s7], $0x5FFFF  }
0xac: {  	[dreg:$0x1] =	wrdreg $0xFFFFFFFF  }
0xad: {  	[dreg:$0x0] =	wrdreg $0x60  }
0xae: {  	[dreg:$0x2] =	wrdreg s2  }
0xaf: {  	[dreg:$0x3] =	wrdreg s24  }
0xb0: {  	[dreg:$0x4] =	wrdreg $0x9  }
0xb1: {  	_ =	task.clear_ibuf [dreg:s7], $0x5FFFF;
	_ =	strace $0x90000046  }
0xb2: {  	s29 =	simm.s32 $0x9;
	_ =	strace $0x80000048  }
0xb3: {  	_ =	swait.ge [sflag:s29], $0x1  }
0xb4: {  	[sflag:s29] =	ssyncadd.s32 $0xFFFFFFFF  }
0xb5: {  	_ =	strace $0x90000048  }
0xb6: {  	_ =	sfence  }
0xb7: {  	s30 =	sld [smem:$0x0];
	_ =	sdelay $0x2  }
0xb8: {  	s31 =	sshll.u32 s1, $0xD;
	s1 =	sshrl.u32 s1, $0x2  }
0xb9: {  	s3 =	sand.u32 $0x4000, s31;
	s1 =	sadd.s32 s1, s30  }
0xba: {  	s0 =	sor.u32 s3, s0;
	s1 =	sshll.u32 s1, $0x11  }
0xbb: {  	s0 =	sor.u32 s1, s0  }
0xbc: {  	s0 =	sadd.s32 $0x8F2B, s0  }
0xbd: {  	[sflag:s0] =	ssyncadd.remote.s32 $0x1  }
0xbe: {  	_ =	sfence.sel $0xFFFF  }
0xbf: {  	[dreg:$0x0] =	wrdreg $0xFFFFFFFF;
	(pc) =	sbr.abs _section_cstart, $3  }
0xc0: {  	[dreg:$0x1] =	wrdreg $0xFFFFFFFF  }
0xc1: {  	_ =	task.clear_ibuf [dreg:s7], $0x2FFFF;
	_ =	strace $0x9FFFFFFF  }
0xc2: {  	(tm) =	ssettm $0x7FFFFFFF  }
0xc3: {  	_ =	shalt  }
tec
execute0_lowered:
.L_overlay_start_1:
0x0: {  	(tag) =	ssettag $0x1  }
0x1: {  	s6 =	rddreg [dreg:$0x0]  }
0x2: {  	s7 =	rddreg [dreg:$0x1];
	s2 =	srdreg.scid  }
0x3: {  	s0 =	rddreg [dreg:$0x2];
	s1 =	stileid.u32  }
0x4: {  	s11 =	simm.s32 $0x100;
	s12 =	simm.s32 $0x900;
	s13 =	simm.s32 $0x1100  }
0x5: {  	s14 =	simm.s32 $0x1900;
	s15 =	simm.s32 $0x2100;
	s16 =	simm.s32 $0x2900  }
0x6: {  	s17 =	simm.s32 $0x3100;
	s18 =	simm.s32 $0x3900;
	s19 =	simm.s32 $0x4100  }
0x7: {  	s20 =	simm.s32 $0x4900;
	s21 =	simm.s32 $0x5100;
	s22 =	simm.s32 $0x5900  }
0x8: {  	s23 =	simm.s32 $0x6100;
	s24 =	simm.s32 $0x6900;
	s25 =	simm.s32 $0x7100  }
0x9: {  	s26 =	simm.s32 $0x7900;
	s28 =	simm.s32 $0x1;
	s29 =	simm.s32 $0x2  }
0xa: {  	s3 =	sand.u32 $0x1, s2;
	s2 =	simm.s32 $0x0;
	s4 =	sshll.u32 s1, $0x7  }
0xb: {  	s5 =	sshll.u32 s3, $0x6;
	[smem:$0x7FF] =	sst s2;
	s8 =	ssub.s32 $0x2, s3  }
0xc: {  	s3 =	sadd.s32 $0x16600, s7;
	s5 =	sor.u32 s5, s4;
	_ =	strace $0x80000047  }
0xd: {  	s31 =	sshrl.u32 s8, $0x1;
	s4 =	sshrl.u32 s5, $0x3;
	s10 =	sshll.u32 s5, $0x6  }
0xe: {  	v2 =	vlaneseq.u32;
	s8 =	ssub.s32 s8, s31;
	s9 =	sadd.s32 s4, s7;
	s6 =	sadd.s32 s6, s10  }
0xf: {  	vm0 =	vmmov $0xffff;
	v1 =	vshrl.u32 v2, $0x3;
	s7 =	sadd.s32 $0x16700, s7;
	s8 =	smax.u32 s8, $0x1;
	s10 =	simm.s32 $0x80  }
0x10: {  	v0 =	vand.u32 $0x7, v2;
	v2 =	vor.u32 $0x8, v2;
	v1 =	vmul.u32 $0x8, v1;
	s4 =	sadd.s32 $0x16200, s9;
	s5 =	sadd.s32 $0x16400, s9;
	s9 =	simm.s32 $0x3  }
.LBB2_1:
0x11: {  	[tilespmem:s2], [sflag:$0x3] =	stream.linear.gather [hbm4b:s4+s2], $0x40, $0x38;
	[tilespmem:$0x8100] =	vst v63  }
0x12: {  	_ =	swait.ge [sflag:s9], $0x40  }
0x13: {  	[sflag:s9] =	ssyncset.done $0x0  }
0x14: {  	[sflag:s9] =	ssyncadd.s32 $0xFFFFFFC0  }
0x15: {  	[tilespmem:s10], [sflag:$0x3] =	stream.linear.gather [hbm4b:s5+s2], $0x40, $0x38;
	[tilespmem:$0x8100] =	vst v63  }
0x16: {  	_ =	swait.ge [sflag:s9], $0x40  }
0x17: {  	[sflag:s9] =	ssyncset.done $0x0  }
0x18: {  	[sflag:s9] =	ssyncadd.s32 $0xFFFFFFC0  }
0x19: {  	[tilespmem:s11], [sflag:$0x3] =	stream.linear.gather [hbm4b:s6+s2], $0x8000, $0x38;
	[tilespmem:$0x8100] =	vst v63  }
0x1a: {  	_ =	swait.ge [sflag:s9], $0x8000  }
0x1b: {  	[sflag:s9] =	ssyncset.done $0x0  }
0x1c: {  	[sflag:s9] =	ssyncadd.s32 $0xFFFF8000  }
0x1d: {  	v3 =	vld [tilespmem:$0x0];
	_ =	sdelay $0x4  }
0x1e: {  	v4 =	vshll.u32 v3, $0x2  }
0x1f: {  	v3 =	vand.u32 $0x7, v3;
	v4 =	vand.u32 $0xFFFFFFE0, v4  }
0x20: {  	v3 =	vor.u32 v3, v4  }
0x21: {  	v4 =	vperm.xlane v3, v0;
	_ =	sdelay $0x1  }
0x22: {  	v4 =	vadd.s32 v1, v4;
	_ =	sdelay $0x1  }
0x23: {  	v3 =	vperm.xlane v3, v2;
	_ =	sdelay $0x1  }
0x24: {  	v3 =	vadd.s32 v1, v3  }
0x25: {  	[hbm4b:s3+s2] =	stream.indirect_vreg.scatter [tilespmem:s11], [sflag:$0x1], $0x80, v4, vm0, $0xb8;
	[tilespmem:$0x8100] =	vst v63  }
0x26: {  	_ = 	snop  }
0x27: {  	[hbm4b:s7+s2] =	stream.indirect_vreg.scatter [tilespmem:s12], [sflag:$0x1], $0x80, v4, vm0, $0xb8;
	[tilespmem:$0x8100] =	vst v63  }
0x28: {  	_ = 	snop  }
0x29: {  	[hbm4b:s3+s2] =	stream.indirect_vreg.scatter [tilespmem:s13], [sflag:$0x1], $0x80, v3, vm0, $0xb8;
	[tilespmem:$0x8100] =	vst v63  }
0x2a: {  	_ = 	snop  }
0x2b: {  	[hbm4b:s7+s2] =	stream.indirect_vreg.scatter [tilespmem:s14], [sflag:$0x1], $0x80, v3, vm0, $0xb8;
	[tilespmem:$0x8100] =	vst v63  }
0x2c: {  	v3 =	vld [tilespmem:$0x10];
	_ =	sdelay $0x4  }
0x2d: {  	v57 =	vshll.u32 v3, $0x2  }
0x2e: {  	v3 =	vand.u32 $0x7, v3;
	v4 =	vand.u32 $0xFFFFFFE0, v57  }
0x2f: {  	v3 =	vor.u32 v3, v4  }
0x30: {  	v4 =	vperm.xlane v3, v0;
	_ =	sdelay $0x1  }
0x31: {  	v4 =	vadd.s32 v1, v4;
	_ =	sdelay $0x1  }
0x32: {  	v3 =	vperm.xlane v3, v2;
	_ =	sdelay $0x1  }
0x33: {  	v3 =	vadd.s32 v1, v3  }
0x34: {  	[hbm4b:s3+s2] =	stream.indirect_vreg.scatter [tilespmem:s15], [sflag:$0x1], $0x80, v4, vm0, $0xb8;
	[tilespmem:$0x8100] =	vst v63  }
0x35: {  	_ = 	snop  }
0x36: {  	[hbm4b:s7+s2] =	stream.indirect_vreg.scatter [tilespmem:s16], [sflag:$0x1], $0x80, v4, vm0, $0xb8;
	[tilespmem:$0x8100] =	vst v63  }
0x37: {  	_ = 	snop  }
0x38: {  	[hbm4b:s3+s2] =	stream.indirect_vreg.scatter [tilespmem:s17], [sflag:$0x1], $0x80, v3, vm0, $0xb8;
	[tilespmem:$0x8100] =	vst v63  }
0x39: {  	_ = 	snop  }
0x3a: {  	[hbm4b:s7+s2] =	stream.indirect_vreg.scatter [tilespmem:s18], [sflag:$0x1], $0x80, v3, vm0, $0xb8;
	[tilespmem:$0x8100] =	vst v63  }
0x3b: {  	v3 =	vld [tilespmem:$0x20];
	_ =	sdelay $0x4  }
0x3c: {  	v58 =	vshll.u32 v3, $0x2  }
0x3d: {  	v3 =	vand.u32 $0x7, v3;
	v4 =	vand.u32 $0xFFFFFFE0, v58  }
0x3e: {  	v3 =	vor.u32 v3, v4  }
0x3f: {  	v4 =	vperm.xlane v3, v0;
	_ =	sdelay $0x1  }
0x40: {  	v4 =	vadd.s32 v1, v4;
	_ =	sdelay $0x1  }
0x41: {  	v3 =	vperm.xlane v3, v2;
	_ =	sdelay $0x1  }
0x42: {  	v3 =	vadd.s32 v1, v3  }
0x43: {  	[hbm4b:s3+s2] =	stream.indirect_vreg.scatter [tilespmem:s19], [sflag:$0x1], $0x80, v4, vm0, $0xb8;
	[tilespmem:$0x8100] =	vst v63  }
0x44: {  	_ = 	snop  }
0x45: {  	[hbm4b:s7+s2] =	stream.indirect_vreg.scatter [tilespmem:s20], [sflag:$0x1], $0x80, v4, vm0, $0xb8;
	[tilespmem:$0x8100] =	vst v63  }
0x46: {  	_ = 	snop  }
0x47: {  	[hbm4b:s3+s2] =	stream.indirect_vreg.scatter [tilespmem:s21], [sflag:$0x1], $0x80, v3, vm0, $0xb8;
	[tilespmem:$0x8100] =	vst v63  }
0x48: {  	_ = 	snop  }
0x49: {  	[hbm4b:s7+s2] =	stream.indirect_vreg.scatter [tilespmem:s22], [sflag:$0x1], $0x80, v3, vm0, $0xb8;
	[tilespmem:$0x8100] =	vst v63  }
0x4a: {  	v3 =	vld [tilespmem:$0x30];
	_ =	sdelay $0x4  }
0x4b: {  	v59 =	vshll.u32 v3, $0x2  }
0x4c: {  	v3 =	vand.u32 $0x7, v3;
	v4 =	vand.u32 $0xFFFFFFE0, v59  }
0x4d: {  	v3 =	vor.u32 v3, v4  }
0x4e: {  	v4 =	vperm.xlane v3, v0;
	_ =	sdelay $0x1  }
0x4f: {  	v4 =	vadd.s32 v1, v4;
	_ =	sdelay $0x1  }
0x50: {  	v3 =	vperm.xlane v3, v2;
	_ =	sdelay $0x1  }
0x51: {  	v3 =	vadd.s32 v1, v3  }
0x52: {  	[hbm4b:s3+s2] =	stream.indirect_vreg.scatter [tilespmem:s23], [sflag:$0x1], $0x80, v4, vm0, $0xb8;
	[tilespmem:$0x8100] =	vst v63  }
0x53: {  	_ = 	snop  }
0x54: {  	[hbm4b:s7+s2] =	stream.indirect_vreg.scatter [tilespmem:s24], [sflag:$0x1], $0x80, v4, vm0, $0xb8;
	[tilespmem:$0x8100] =	vst v63  }
0x55: {  	_ = 	snop  }
0x56: {  	[hbm4b:s3+s2] =	stream.indirect_vreg.scatter [tilespmem:s25], [sflag:$0x1], $0x80, v3, vm0, $0xb8;
	[tilespmem:$0x8100] =	vst v63  }
0x57: {  	_ = 	snop  }
0x58: {  	[hbm4b:s7+s2] =	stream.indirect_vreg.scatter [tilespmem:s26], [sflag:$0x1], $0x80, v3, vm0, $0xb8;
	[tilespmem:$0x8100] =	vst v63  }
0x59: {  	v3 =	vld [tilespmem:$0x80];
	_ =	sdelay $0x4  }
0x5a: {  	v60 =	vshll.u32 v3, $0x2  }
0x5b: {  	v3 =	vand.u32 $0x7, v3;
	v4 =	vand.u32 $0xFFFFFFE0, v60  }
0x5c: {  	v3 =	vor.u32 v3, v4  }
0x5d: {  	v4 =	vperm.xlane v3, v0;
	_ =	sdelay $0x1  }
0x5e: {  	v4 =	vadd.s32 v1, v4;
	_ =	sdelay $0x1  }
0x5f: {  	v3 =	vperm.xlane v3, v2;
	_ =	sdelay $0x1  }
0x60: {  	v3 =	vadd.s32 v1, v3  }
0x61: {  	[hbm4b:s3+s2] =	stream.indirect_vreg.scatter [tilespmem:s11], [sflag:$0x2], $0x80, v4, vm0, $0xb8;
	[tilespmem:$0x8100] =	vst v63  }
0x62: {  	_ = 	snop  }
0x63: {  	[hbm4b:s7+s2] =	stream.indirect_vreg.scatter [tilespmem:s12], [sflag:$0x2], $0x80, v4, vm0, $0xb8;
	[tilespmem:$0x8100] =	vst v63  }
0x64: {  	_ = 	snop  }
0x65: {  	[hbm4b:s3+s2] =	stream.indirect_vreg.scatter [tilespmem:s13], [sflag:$0x2], $0x80, v3, vm0, $0xb8;
	[tilespmem:$0x8100] =	vst v63  }
0x66: {  	_ = 	snop  }
0x67: {  	[hbm4b:s7+s2] =	stream.indirect_vreg.scatter [tilespmem:s14], [sflag:$0x2], $0x80, v3, vm0, $0xb8;
	[tilespmem:$0x8100] =	vst v63  }
0x68: {  	v3 =	vld [tilespmem:$0x90];
	_ =	sdelay $0x4  }
0x69: {  	v61 =	vshll.u32 v3, $0x2  }
0x6a: {  	v3 =	vand.u32 $0x7, v3;
	v4 =	vand.u32 $0xFFFFFFE0, v61  }
0x6b: {  	v3 =	vor.u32 v3, v4  }
0x6c: {  	v4 =	vperm.xlane v3, v0;
	_ =	sdelay $0x1  }
0x6d: {  	v4 =	vadd.s32 v1, v4;
	_ =	sdelay $0x1  }
0x6e: {  	v3 =	vperm.xlane v3, v2;
	_ =	sdelay $0x1  }
0x6f: {  	v3 =	vadd.s32 v1, v3  }
0x70: {  	[hbm4b:s3+s2] =	stream.indirect_vreg.scatter [tilespmem:s15], [sflag:$0x2], $0x80, v4, vm0, $0xb8;
	[tilespmem:$0x8100] =	vst v63  }
0x71: {  	_ = 	snop  }
0x72: {  	[hbm4b:s7+s2] =	stream.indirect_vreg.scatter [tilespmem:s16], [sflag:$0x2], $0x80, v4, vm0, $0xb8;
	[tilespmem:$0x8100] =	vst v63  }
0x73: {  	_ = 	snop  }
0x74: {  	[hbm4b:s3+s2] =	stream.indirect_vreg.scatter [tilespmem:s17], [sflag:$0x2], $0x80, v3, vm0, $0xb8;
	[tilespmem:$0x8100] =	vst v63  }
0x75: {  	_ = 	snop  }
0x76: {  	[hbm4b:s7+s2] =	stream.indirect_vreg.scatter [tilespmem:s18], [sflag:$0x2], $0x80, v3, vm0, $0xb8;
	[tilespmem:$0x8100] =	vst v63  }
0x77: {  	v3 =	vld [tilespmem:$0xA0];
	_ =	sdelay $0x4  }
0x78: {  	v62 =	vshll.u32 v3, $0x2  }
0x79: {  	v3 =	vand.u32 $0x7, v3;
	v4 =	vand.u32 $0xFFFFFFE0, v62  }
0x7a: {  	v3 =	vor.u32 v3, v4  }
0x7b: {  	v4 =	vperm.xlane v3, v0;
	_ =	sdelay $0x1  }
0x7c: {  	v4 =	vadd.s32 v1, v4;
	_ =	sdelay $0x1  }
0x7d: {  	v3 =	vperm.xlane v3, v2;
	_ =	sdelay $0x1  }
0x7e: {  	v3 =	vadd.s32 v1, v3  }
0x7f: {  	[hbm4b:s3+s2] =	stream.indirect_vreg.scatter [tilespmem:s19], [sflag:$0x2], $0x80, v4, vm0, $0xb8;
	[tilespmem:$0x8100] =	vst v63  }
0x80: {  	_ = 	snop  }
0x81: {  	[hbm4b:s7+s2] =	stream.indirect_vreg.scatter [tilespmem:s20], [sflag:$0x2], $0x80, v4, vm0, $0xb8;
	[tilespmem:$0x8100] =	vst v63  }
0x82: {  	_ = 	snop  }
0x83: {  	[hbm4b:s3+s2] =	stream.indirect_vreg.scatter [tilespmem:s21], [sflag:$0x2], $0x80, v3, vm0, $0xb8;
	[tilespmem:$0x8100] =	vst v63  }
0x84: {  	_ = 	snop  }
0x85: {  	[hbm4b:s7+s2] =	stream.indirect_vreg.scatter [tilespmem:s22], [sflag:$0x2], $0x80, v3, vm0, $0xb8;
	[tilespmem:$0x8100] =	vst v63  }
0x86: {  	v3 =	vld [tilespmem:$0xB0];
	_ =	sdelay $0x4  }
0x87: {  	v63 =	vshll.u32 v3, $0x2  }
0x88: {  	v3 =	vand.u32 $0x7, v3;
	v4 =	vand.u32 $0xFFFFFFE0, v63  }
0x89: {  	v3 =	vor.u32 v3, v4  }
0x8a: {  	v4 =	vperm.xlane v3, v0;
	_ =	sdelay $0x1  }
0x8b: {  	v4 =	vadd.s32 v1, v4;
	_ =	sdelay $0x1  }
0x8c: {  	v3 =	vperm.xlane v3, v2;
	_ =	sdelay $0x1  }
0x8d: {  	v3 =	vadd.s32 v1, v3  }
0x8e: {  	[hbm4b:s3+s2] =	stream.indirect_vreg.scatter [tilespmem:s23], [sflag:$0x2], $0x80, v4, vm0, $0xb8;
	[tilespmem:$0x8100] =	vst v63  }
0x8f: {  	_ = 	snop  }
0x90: {  	[hbm4b:s7+s2] =	stream.indirect_vreg.scatter [tilespmem:s24], [sflag:$0x2], $0x80, v4, vm0, $0xb8;
	[tilespmem:$0x8100] =	vst v63  }
0x91: {  	_ = 	snop  }
0x92: {  	[hbm4b:s3+s2] =	stream.indirect_vreg.scatter [tilespmem:s25], [sflag:$0x2], $0x80, v3, vm0, $0xb8;
	[tilespmem:$0x8100] =	vst v63  }
0x93: {  	_ = 	snop  }
0x94: {  	[hbm4b:s7+s2] =	stream.indirect_vreg.scatter [tilespmem:s26], [sflag:$0x2], $0x80, v3, vm0, $0xb8;
	[tilespmem:$0x8100] =	vst v63  }
0x95: {  	p0 =	sne.s32 s8, $0x1;
	_ =	swait.ge [sflag:s28], $0x8000  }
.Ltmp0:
0x96: {  	[sflag:s28] =	ssyncset.done $0x0;
	(pc) =	sbr.rel @p0 .LBB2_1-.Ltmp0, $4  }
0x97: {  	[sflag:s28] =	ssyncadd.s32 $0xFFFF8000  }
0x98: {  	_ =	swait.ge [sflag:s29], $0x8000  }
0x99: {  	[sflag:s29] =	ssyncset.done $0x0  }
0x9a: {  	s8 =	sadd.s32 $0xFFFFFFFF, s8;
	[sflag:s29] =	ssyncadd.s32 $0xFFFF8000  }
0x9b: {  	_ =	sfence.sel $0x180000  }
0x9c: {  	[bflag:$0x0] =	sbarrier.arrive $0xFFFF  }
0x9d: {  	p0 =	sne.s32 s1, $0x0;
	_ =	strace $0x90000047  }
0x9e: {  	s0 =	sadd.s32 @!p0 $0x100000, s0;
	[bflag:$0x2] =	sbarrier.arrive $0xFFFF  }
0x9f: {  	[sflag:s0] =	ssyncadd.tile.s32 @!p0 $0x1;
	_ =	shalt  }
.Lfunc_end2:
_tile_overlayer_lowered:
.L_overlay_start_2:
0xa0: {  	(tag) =	ssettag $0x2  }
0xa1: {  	s0 =	rddreg [dreg:$0x0];
	s2 =	stileid.u32  }
0xa2: {  	s1 =	rddreg [dreg:$0x1];
	p0 =	sne.s32 s2, $0x0  }
0xa3: {  	s3 =	rddreg [dreg:$0x2];
	[bflag:$0x3] =	sbarrier.arrive $0xFFFF;
	s2 =	simm.s32 @!p0 $0x1C03  }
0xa4: {  	[timem:s3], [sflag:s2] =	dma.local @!p0 [hbm:s0], s1  }
0xa5: {  	s0 =	simm.s32 @!p0 $0x3  }
0xa6: {  	_ =	swait.ge @!p0 [sflag:s0], s1  }
0xa7: {  	s1 =	ssub.s32 @!p0 $0x0, s1;
	[sflag:s0] =	ssyncset.done @!p0 $0x0  }
0xa8: {  	[sflag:s0] =	ssyncadd.s32 @!p0 s1  }
0xa9: {  	[bflag:$0x3] =	sbarrier.arrive $0xFFFF  }
0xaa: {  	_ =	shalt  }

// kernel: kernel.14.cloned.1.call-start
scs
__scs_entry_jumppad:
0x0: {  	(pc) =	sbr.rel $0x88, $3  }
0x1: {  	(tag) =	ssettag $0x0;
	lr =	simm.s32 $0x1  }
0x2: {  	[smem:$0x3F89] =	sst lr;
	_ =	strace $0xD0000000  }
0x3: {  	_ = 	snop  }
0x4: {  	_ = 	snop  }
0x5: {  	_ = 	snop  }
0x6: {  	_ = 	snop  }
0x7: {  	_ = 	snop  }
__scs_overlays_trampoline_lowered:
0x8: {  	[smem:$0x3F98] =	sst s0  }
0x9: {  	[smem:$0x3F99] =	sst s1  }
0xa: {  	[smem:$0x3F9A] =	sst s2  }
0xb: {  	[smem:$0x3F9B] =	sst s3  }
0xc: {  	[smem:$0x3F9C] =	sst s4  }
0xd: {  	[smem:$0x3F9D] =	sst s5  }
0xe: {  	[smem:$0x3F9E] =	sst s6  }
0xf: {  	[smem:$0x3F9F] =	sst s7  }
0x10: {  	[smem:$0x3FA0] =	sst s8  }
0x11: {  	[smem:$0x3FA1] =	sst s9;
	s0 =	simm.s32 @!p0 $0x0  }
0x12: {  	s1 =	sld [smem:$0x3F87];
	s0 =	simm.s32 @p0 $0x1  }
0x13: {  	[smem:$0x3FA2] =	sst s0;
	s0 =	simm.s32 @!p1 $0x0  }
0x14: {  	s2 =	sld [smem:$0x3F86];
	s0 =	simm.s32 @p1 $0x1  }
0x15: {  	[smem:$0x3FA3] =	sst s0;
	s0 =	simm.s32 @!p2 $0x0  }
0x16: {  	s3 =	sld [smem:$0x3FDB];
	s0 =	simm.s32 @p2 $0x1  }
0x17: {  	s4 =	simm.s32 $0x1BF5;
	[smem:$0x3FA5] =	sst s0  }
0x18: {  	s0 =	sld [smem:$0x3F88];
	_ =	swait.ge [sflag:s4], $0x0  }
0x19: {  	s7 =	sld [smem:$0x3F89]  }
0x1a: {  	s8 =	sadd.s32 $0xFFFFE003, lr  }
0x1b: {  	s9 =	sadd.s32 $0xFFFFFEF7, lr;
	s5 =	simm.s32 $0xFFFFFFFF;
	p2 =	slt.u32 s8, $0xFFFFF086  }
0x1c: {  	p1 =	slt.u32 s9, $0xF7A;
	s5 =	simm.s32 @!p2 $0x0  }
0x1d: {  	s5 =	simm.s32 @p1 $0x1;
	p0 =	seq.s32 s7, s2  }
0x1e: {  	s7 =	smul.u32 @!p0 $0xF7A, s2;
	p2 =	seq.s32 @!p0 s5, $0x0  }
0x1f: {  	s9 =	smul.u32 $0xF7A, s1;
	s8 =	simm.s32 @!p0 $0x1BF5;
	p2 =	por !p2, p0  }
0x20: {  	[sflag:s8] =	ssyncset.s32 @!p0 $0xFFFFF086;
	s6 =	sadd.s32 @!p0 s3, s7;
	s7 =	simm.s32 @!p0 $0x108  }
0x21: {  	s3 =	sadd.s32 s3, s9;
	s6 =	sadd.s32 @!p0 $0x88, s6;
	s7 =	simm.s32 @p2 $0x1082  }
0x22: {  	[simem:s7], [sflag:s8] =	dma.local @!p0 [hbm:s6], $0xF7A  }
0x23: {  	s9 =	sor.u32 $0xD0000000, s2;
	s6 =	simm.s32 $0x108;
	_ =	swait.ge @!p0 [sflag:s8], $0x0  }
0x24: {  	s3 =	sadd.s32 $0x88, s3;
	s6 =	simm.s32 @!p1 $0x1082;
	[sflag:s4] =	ssyncset.s32 $0xFFFFF086  }
0x25: {  	[simem:s6], [sflag:s4] =	dma.local [hbm:s3], $0xF7A  }
0x26: {  	[smem:$0x3F89] =	sst s1;
	(tag) =	ssettag s2;
	_ =	strace s9  }
0x27: {  	s1 =	sld [smem:$0x3F99]  }
0x28: {  	s2 =	sld [smem:$0x3F9A]  }
0x29: {  	s4 =	sld [smem:$0x3F9C]  }
0x2a: {  	p0 =	seq.s32 s5, $0x0;
	s5 =	sld [smem:$0x3F9D]  }
0x2b: {  	s6 =	sld [smem:$0x3F9E]  }
0x2c: {  	s7 =	sld [smem:$0x3F9F]  }
0x2d: {  	s3 =	simm.s32 $0x108;
	s8 =	sld [smem:$0x3FA0]  }
0x2e: {  	s3 =	simm.s32 @!p0 $0x1082;
	s9 =	sld [smem:$0x3FA1]  }
0x2f: {  	lr =	sadd.s32 s0, s3;
	s0 =	sld [smem:$0x3F98]  }
0x30: {  	s3 =	sld [smem:$0x3F9B]  }
0x31: {  	[smem:$0x3FA4] =	sst s10  }
0x32: {  	s10 =	sld [smem:$0x3FA2];
	_ =	sdelay $0x3  }
0x33: {  	p0 =	seq.s32 s10, $0x1;
	s10 =	sld [smem:$0x3FA4];
	_ =	sdelay $0x3  }
0x34: {  	[smem:$0x3FA4] =	sst s10  }
0x35: {  	s10 =	sld [smem:$0x3FA3];
	_ =	sdelay $0x3  }
0x36: {  	p1 =	seq.s32 s10, $0x1;
	s10 =	sld [smem:$0x3FA4];
	_ =	sdelay $0x3  }
0x37: {  	[smem:$0x3FA4] =	sst s10  }
0x38: {  	s10 =	sld [smem:$0x3FA5]  }
0x39: {  	_ = 	snop;
	(pc) =	sbr.ind lr, $3  }
0x3a: {  	_ = 	snop  }
0x3b: {  	_ = 	snop  }
0x3c: {  	p2 =	seq.s32 s10, $0x1;
	s10 =	sld [smem:$0x3FA4]  }
0x3d: {  	_ =	shalt  }
0x3e: {  	_ =	shalt  }
0x3f: {  	_ =	shalt  }
0x40: {  	_ =	shalt  }
0x41: {  	_ =	shalt  }
0x42: {  	_ =	shalt  }
0x43: {  	_ =	shalt  }
0x44: {  	_ =	shalt  }
0x45: {  	_ =	shalt  }
0x46: {  	_ =	shalt  }
0x47: {  	_ =	shalt  }
0x48: {  	_ =	shalt  }
0x49: {  	_ =	shalt  }
0x4a: {  	_ =	shalt  }
0x4b: {  	_ =	shalt  }
0x4c: {  	_ =	shalt  }
0x4d: {  	_ =	shalt  }
0x4e: {  	_ =	shalt  }
0x4f: {  	_ =	shalt  }
0x50: {  	_ =	shalt  }
0x51: {  	_ =	shalt  }
0x52: {  	_ =	shalt  }
0x53: {  	_ =	shalt  }
0x54: {  	_ =	shalt  }
0x55: {  	_ =	shalt  }
0x56: {  	_ =	shalt  }
0x57: {  	_ =	shalt  }
0x58: {  	_ =	shalt  }
0x59: {  	_ =	shalt  }
0x5a: {  	_ =	shalt  }
0x5b: {  	_ =	shalt  }
0x5c: {  	_ =	shalt  }
0x5d: {  	_ =	shalt  }
0x5e: {  	_ =	shalt  }
0x5f: {  	_ =	shalt  }
0x60: {  	_ =	shalt  }
0x61: {  	_ =	shalt  }
0x62: {  	_ =	shalt  }
0x63: {  	_ =	shalt  }
0x64: {  	_ =	shalt  }
0x65: {  	_ =	shalt  }
0x66: {  	_ =	shalt  }
0x67: {  	_ =	shalt  }
0x68: {  	_ =	shalt  }
0x69: {  	_ =	shalt  }
0x6a: {  	_ =	shalt  }
0x6b: {  	_ =	shalt  }
0x6c: {  	_ =	shalt  }
0x6d: {  	_ =	shalt  }
0x6e: {  	_ =	shalt  }
0x6f: {  	_ =	shalt  }
0x70: {  	_ =	shalt  }
0x71: {  	_ =	shalt  }
0x72: {  	_ =	shalt  }
0x73: {  	_ =	shalt  }
0x74: {  	_ =	shalt  }
0x75: {  	_ =	shalt  }
0x76: {  	_ =	shalt  }
0x77: {  	_ =	shalt  }
0x78: {  	_ =	shalt  }
0x79: {  	_ =	shalt  }
0x7a: {  	_ =	shalt  }
0x7b: {  	_ =	shalt  }
0x7c: {  	_ =	shalt  }
0x7d: {  	_ =	shalt  }
0x7e: {  	_ =	shalt  }
0x7f: {  	_ =	shalt  }
0x80: {  	_ =	shalt  }
0x81: {  	_ =	shalt  }
0x82: {  	_ =	shalt  }
0x83: {  	_ =	shalt  }
0x84: {  	_ =	shalt  }
0x85: {  	_ =	shalt  }
0x86: {  	_ =	shalt  }
0x87: {  	_ =	shalt  }
.Lfunc_end0:
.L_simem_size_0:
called_computation.1_lowered:
.L_overlay_start_0:
0x88: {  	s2 =	sld [smem:$0x3FD9]  }
0x89: {  	s3 =	sld [smem:$0x3FFE];
	_ =	sdelay $0x1  }
0x8a: {  	s1 =	srdreg.scid  }
0x8b: {  	s0 =	sand.u32 $0x1, s1  }
0x8c: {  	s16 =	sshll.u32 s0, $0xA;
	s2 =	sadd.s32 s3, s2  }
0x8d: {  	s2 =	sadd.s32 s2, s16  }
0x8e: {  	[smem:$0x3FB0] =	sst s2  }
0x8f: {  	_ = 	snop  }
0x90: {  	(tm) =	ssettm $0x1  }
0x91: {  	s17 =	sld [smem:$0x3FFB];
	_ =	sdelay $0x3  }
0x92: {  	_ =	strace s17  }
0x93: {  	s2 =	sld [smem:$0x3FFC];
	_ =	sdelay $0x3  }
0x94: {  	_ =	strace s2  }
0x95: {  	s2 =	sld [smem:$0x3FFD];
	_ =	sdelay $0x3  }
0x96: {  	_ =	strace s2  }
0x97: {  	_ =	strace $0x8FFFFFFF  }
0x98: {  	s18 =	sld [smem:$0x3FDB];
	_ =	sdelay $0x1  }
0x99: {  	s19 =	simm.s32 $_scs_section_size  }
0x9a: {  	s4 =	simm.s32 $_size__tile_overlayer_lowered;
	s5 =	simm.s32 $_tile_overlayer_lowered  }
0x9b: {  	s22 =	simm.s32 $0x1BFF;
	s21 =	sshll.u32 s5, $0x1;
	s2 =	sadd.s32 s19, s18  }
0x9c: {  	s6 =	simm.s32 $0x0;
	s20 =	sshll.u32 s4, $0x1;
	s4 =	sadd.s32 s21, s2  }
0x9d: {  	[timem:s6], [sflag:s22] =	dma.local [hbm:s4], s20  }
0x9e: {  	_ =	swait.ge [sflag:s22], s20  }
0x9f: {  	s3 =	ssub.s32 $0x0, s20;
	[sflag:s22] =	ssyncset.done $0x0  }
0xa0: {  	[sflag:s22] =	ssyncadd.s32 s3;
	_ =	sdelay $0x1  }
0xa1: {  	s23 =	simm.s32 $0x1B8B  }
0xa2: {  	_ =	swait.ge [sflag:s23], $0x1  }
0xa3: {  	[sflag:s23] =	ssyncset.done $0x0  }
0xa4: {  	s25 =	simm.s32 $0x1B8E;
	s24 =	sld [smem:$0x3FFE];
	[sflag:s23] =	ssyncadd.s32 $0xFFFFFFFF  }
0xa5: {  	s26 =	simm.s32 $execute0_lowered;
	[smem:$0x3FD2] =	sst s25  }
0xa6: {  	s4 =	sshll.u32 s26, $0x1;
	_ =	strace $0x80000049;
	[dreg:$0x1] =	wrdreg $0xFFFFFFFF  }
0xa7: {  	s28 =	simm.s32 $_size_execute0_lowered;
	s2 =	sadd.s32 s2, s4;
	[dreg:$0x0] =	wrdreg $0x0  }
0xa8: {  	s4 =	sshll.u32 s28, $0x1;
	[dreg:$0x2] =	wrdreg s2  }
0xa9: {  	[dreg:$0x3] =	wrdreg s4  }
0xaa: {  	[dreg:$0x4] =	wrdreg $0xC0  }
0xab: {  	_ =	task [dreg:s6], $0x5FFFF  }
0xac: {  	[dreg:$0x1] =	wrdreg $0xFFFFFFFF  }
0xad: {  	[dreg:$0x0] =	wrdreg $0x60  }
0xae: {  	[dreg:$0x2] =	wrdreg s24  }
0xaf: {  	[dreg:$0x3] =	wrdreg $0x9  }
0xb0: {  	_ =	task.clear_ibuf [dreg:s6], $0x4FFFF;
	_ =	strace $0x90000049  }
0xb1: {  	s29 =	simm.s32 $0x9;
	_ =	strace $0x8000004B  }
0xb2: {  	_ =	swait.ge [sflag:s29], $0x1  }
0xb3: {  	[sflag:s29] =	ssyncadd.s32 $0xFFFFFFFF  }
0xb4: {  	_ =	strace $0x9000004B  }
0xb5: {  	_ =	sfence  }
0xb6: {  	s30 =	sld [smem:$0x0];
	_ =	sdelay $0x2  }
0xb7: {  	s31 =	sshll.u32 s1, $0xD;
	s1 =	sshrl.u32 s1, $0x2  }
0xb8: {  	s3 =	sand.u32 $0x4000, s31;
	s1 =	sadd.s32 s1, s30  }
0xb9: {  	s0 =	sor.u32 s3, s0;
	s1 =	sshll.u32 s1, $0x11  }
0xba: {  	s0 =	sor.u32 s1, s0  }
0xbb: {  	s0 =	sadd.s32 $0x8F2B, s0  }
0xbc: {  	[sflag:s0] =	ssyncadd.remote.s32 $0x1  }
0xbd: {  	_ =	sfence.sel $0xFFFF  }
0xbe: {  	[dreg:$0x0] =	wrdreg $0xFFFFFFFF;
	(pc) =	sbr.abs _section_cstart, $3  }
0xbf: {  	[dreg:$0x1] =	wrdreg $0xFFFFFFFF  }
0xc0: {  	_ =	task.clear_ibuf [dreg:s6], $0x2FFFF;
	_ =	strace $0x9FFFFFFF  }
0xc1: {  	(tm) =	ssettm $0x7FFFFFFF  }
tec
execute0_lowered:
.L_overlay_start_1:
0x0: {  	(tag) =	ssettag $0x1  }
0x1: {  	s1 =	srdreg.scid  }
0x2: {  	s0 =	stileid.u32;
	s4 =	rddreg [dreg:$0x0];
	s16 =	simm.s32 $0x80  }
0x3: {  	s17 =	simm.s32 $0x900;
	s18 =	simm.s32 $0x1100;
	s19 =	simm.s32 $0x1900  }
0x4: {  	s20 =	simm.s32 $0x2100;
	s21 =	simm.s32 $0x2900;
	s1 =	sand.u32 $0x1, s1  }
0x5: {  	s23 =	simm.s32 $0x3100;
	s2 =	sshll.u32 s0, $0x7;
	s3 =	sshll.u32 s1, $0x6  }
0x6: {  	s24 =	simm.s32 $0x3900;
	s3 =	sor.u32 s3, s2;
	s2 =	simm.s32 $0x0  }
0x7: {  	s25 =	simm.s32 $0x4100;
	s26 =	simm.s32 $0x4900;
	[smem:$0x7FF] =	sst s2  }
0x8: {  	s7 =	simm.s32 $0x100;
	_ =	strace $0x8000004A;
	[dreg:$0x6] =	wrdreg s16  }
0x9: {  	s9 =	simm.s32 $0x5900;
	s10 =	simm.s32 $0x6100;
	[dreg:$0x7] =	wrdreg s17  }
0xa: {  	s11 =	simm.s32 $0x6900;
	s12 =	simm.s32 $0x7100;
	[dreg:$0x8] =	wrdreg s18  }
0xb: {  	s13 =	simm.s32 $0x7900;
	s14 =	simm.s32 $0x8100;
	[dreg:$0x9] =	wrdreg s19  }
0xc: {  	s28 =	simm.s32 $0xE900;
	s29 =	simm.s32 $0xF100;
	[dreg:$0xa] =	wrdreg s20  }
0xd: {  	s30 =	simm.s32 $0xF900;
	s1 =	ssub.s32 $0x2, s1;
	[dreg:$0xb] =	wrdreg s21  }
0xe: {  	s31 =	simm.s32 $0x1;
	s22 =	sshrl.u32 s1, $0x1;
	[dreg:$0xc] =	wrdreg s23  }
0xf: {  	s5 =	sshrl.u32 s3, $0x3;
	s3 =	sshll.u32 s3, $0x6;
	[dreg:$0xd] =	wrdreg s24  }
0x10: {  	s1 =	ssub.s32 s1, s22;
	s22 =	simm.s32 $0xC100;
	[dreg:$0xe] =	wrdreg s25  }
0x11: {  	s5 =	sadd.s32 s5, s4;
	s3 =	sadd.s32 s3, s4;
	[dreg:$0xf] =	wrdreg s26  }
0x12: {  	s16 =	simm.s32 $0x9100;
	s17 =	simm.s32 $0x9900;
	s18 =	simm.s32 $0xA100  }
0x13: {  	s19 =	simm.s32 $0xA900;
	s20 =	simm.s32 $0xB100;
	s6 =	sadd.s32 $0x16200, s5  }
0x14: {  	s21 =	simm.s32 $0xB900;
	s5 =	sadd.s32 $0x16400, s5;
	[dreg:$0x2] =	wrdreg s6  }
0x15: {  	s23 =	simm.s32 $0xC900;
	s15 =	sadd.s32 $0x16600, s3;
	[dreg:$0x3] =	wrdreg s5  }
0x16: {  	s24 =	simm.s32 $0xD100;
	s3 =	sadd.s32 $0x36600, s3;
	[dreg:$0x4] =	wrdreg s15  }
0x17: {  	v2 =	vlaneseq.u32;
	s25 =	simm.s32 $0xD900;
	s26 =	simm.s32 $0xE100;
	[dreg:$0x5] =	wrdreg s3  }
0x18: {  	vm0 =	vmmov $0xffff;
	v1 =	vshrl.u32 v2, $0x3;
	s3 =	sadd.s32 $0xB6600, s4;
	s4 =	sadd.s32 $0xB6700, s4;
	s5 =	smax.u32 s1, $0x1  }
0x19: {  	v0 =	vand.u32 $0x7, v2;
	v2 =	vor.u32 $0x8, v2;
	v1 =	vmul.u32 $0x8, v1;
	s6 =	simm.s32 $0x3;
	s15 =	simm.s32 $0x8900;
	s1 =	simm.s32 $0x2  }
.LBB2_1:
0x1a: {  	s0 =	rddreg [dreg:$0x2]  }
0x1b: {  	[tilespmem:s2], [sflag:$0x3] =	stream.linear.gather [hbm4b:s0+s2], $0x40, $0x38;
	[tilespmem:$0x10100] =	vst v63  }
0x1c: {  	_ =	swait.ge [sflag:s6], $0x40  }
0x1d: {  	s0 =	rddreg [dreg:$0x3];
	[sflag:s6] =	ssyncset.done $0x0  }
0x1e: {  	s8 =	rddreg [dreg:$0x6];
	[sflag:s6] =	ssyncadd.s32 $0xFFFFFFC0  }
0x1f: {  	[tilespmem:s8], [sflag:$0x3] =	stream.linear.gather [hbm4b:s0+s2], $0x40, $0x38;
	[tilespmem:$0x10100] =	vst v63  }
0x20: {  	_ =	swait.ge [sflag:s6], $0x40  }
0x21: {  	[sflag:s6] =	ssyncset.done $0x0  }
0x22: {  	[sflag:s6] =	ssyncadd.s32 $0xFFFFFFC0  }
0x23: {  	v3 =	vld [tilespmem:$0x0];
	_ =	sdelay $0x4  }
0x24: {  	v4 =	vshll.u32 v3, $0x2  }
0x25: {  	v3 =	vand.u32 $0x7, v3;
	v4 =	vand.u32 $0xFFFFFFE0, v4  }
0x26: {  	v3 =	vor.u32 v3, v4  }
0x27: {  	v4 =	vperm.xlane v3, v0;
	_ =	sdelay $0x1  }
0x28: {  	v4 =	vadd.s32 v1, v4;
	_ =	sdelay $0x1  }
0x29: {  	v3 =	vperm.xlane v3, v2;
	_ =	sdelay $0x1  }
0x2a: {  	v3 =	vadd.s32 v1, v3  }
0x2b: {  	[tilespmem:s7], [sflag:$0x1] =	stream.indirect_vreg.gather [hbm4b:s3+s2], $0x80, v4, vm0, $0xb8;
	[tilespmem:$0x10100] =	vst v63  }
0x2c: {  	s0 =	rddreg [dreg:$0x7]  }
0x2d: {  	[tilespmem:s0], [sflag:$0x1] =	stream.indirect_vreg.gather [hbm4b:s4+s2], $0x80, v4, vm0, $0xb8;
	[tilespmem:$0x10100] =	vst v63  }
0x2e: {  	s8 =	rddreg [dreg:$0x8]  }
0x2f: {  	[tilespmem:s8], [sflag:$0x1] =	stream.indirect_vreg.gather [hbm4b:s3+s2], $0x80, v3, vm0, $0xb8;
	[tilespmem:$0x10100] =	vst v63  }
0x30: {  	s0 =	rddreg [dreg:$0x9]  }
0x31: {  	[tilespmem:s0], [sflag:$0x1] =	stream.indirect_vreg.gather [hbm4b:s4+s2], $0x80, v3, vm0, $0xb8;
	[tilespmem:$0x10100] =	vst v63  }
0x32: {  	v3 =	vld [tilespmem:$0x10];
	_ =	sdelay $0x4  }
0x33: {  	v57 =	vshll.u32 v3, $0x2  }
0x34: {  	v3 =	vand.u32 $0x7, v3;
	v4 =	vand.u32 $0xFFFFFFE0, v57  }
0x35: {  	v3 =	vor.u32 v3, v4  }
0x36: {  	v4 =	vperm.xlane v3, v0;
	_ =	sdelay $0x1  }
0x37: {  	v4 =	vadd.s32 v1, v4;
	_ =	sdelay $0x1  }
0x38: {  	v3 =	vperm.xlane v3, v2;
	_ =	sdelay $0x1  }
0x39: {  	s0 =	rddreg [dreg:$0xa];
	v3 =	vadd.s32 v1, v3  }
0x3a: {  	[tilespmem:s0], [sflag:$0x1] =	stream.indirect_vreg.gather [hbm4b:s3+s2], $0x80, v4, vm0, $0xb8;
	[tilespmem:$0x10100] =	vst v63  }
0x3b: {  	s8 =	rddreg [dreg:$0xb]  }
0x3c: {  	[tilespmem:s8], [sflag:$0x1] =	stream.indirect_vreg.gather [hbm4b:s4+s2], $0x80, v4, vm0, $0xb8;
	[tilespmem:$0x10100] =	vst v63  }
0x3d: {  	s0 =	rddreg [dreg:$0xc]  }
0x3e: {  	[tilespmem:s0], [sflag:$0x1] =	stream.indirect_vreg.gather [hbm4b:s3+s2], $0x80, v3, vm0, $0xb8;
	[tilespmem:$0x10100] =	vst v63  }
0x3f: {  	s8 =	rddreg [dreg:$0xd]  }
0x40: {  	[tilespmem:s8], [sflag:$0x1] =	stream.indirect_vreg.gather [hbm4b:s4+s2], $0x80, v3, vm0, $0xb8;
	[tilespmem:$0x10100] =	vst v63  }
0x41: {  	v3 =	vld [tilespmem:$0x20];
	_ =	sdelay $0x4  }
0x42: {  	v58 =	vshll.u32 v3, $0x2  }
0x43: {  	v3 =	vand.u32 $0x7, v3;
	v4 =	vand.u32 $0xFFFFFFE0, v58  }
0x44: {  	v3 =	vor.u32 v3, v4  }
0x45: {  	v4 =	vperm.xlane v3, v0;
	_ =	sdelay $0x1  }
0x46: {  	v4 =	vadd.s32 v1, v4;
	_ =	sdelay $0x1  }
0x47: {  	v3 =	vperm.xlane v3, v2;
	_ =	sdelay $0x1  }
0x48: {  	s0 =	rddreg [dreg:$0xe];
	v3 =	vadd.s32 v1, v3  }
0x49: {  	[tilespmem:s0], [sflag:$0x1] =	stream.indirect_vreg.gather [hbm4b:s3+s2], $0x80, v4, vm0, $0xb8;
	[tilespmem:$0x10100] =	vst v63  }
0x4a: {  	s8 =	rddreg [dreg:$0xf]  }
0x4b: {  	[tilespmem:s8], [sflag:$0x1] =	stream.indirect_vreg.gather [hbm4b:s4+s2], $0x80, v4, vm0, $0xb8;
	[tilespmem:$0x10100] =	vst v63  }
0x4c: {  	s8 =	simm.s32 $0x5100  }
0x4d: {  	[tilespmem:s8], [sflag:$0x1] =	stream.indirect_vreg.gather [hbm4b:s3+s2], $0x80, v3, vm0, $0xb8;
	[tilespmem:$0x10100] =	vst v63  }
0x4e: {  	_ = 	snop  }
0x4f: {  	[tilespmem:s9], [sflag:$0x1] =	stream.indirect_vreg.gather [hbm4b:s4+s2], $0x80, v3, vm0, $0xb8;
	[tilespmem:$0x10100] =	vst v63  }
0x50: {  	v3 =	vld [tilespmem:$0x30];
	_ =	sdelay $0x4  }
0x51: {  	v59 =	vshll.u32 v3, $0x2  }
0x52: {  	v3 =	vand.u32 $0x7, v3;
	v4 =	vand.u32 $0xFFFFFFE0, v59  }
0x53: {  	v3 =	vor.u32 v3, v4  }
0x54: {  	v4 =	vperm.xlane v3, v0;
	_ =	sdelay $0x1  }
0x55: {  	v4 =	vadd.s32 v1, v4;
	_ =	sdelay $0x1  }
0x56: {  	v3 =	vperm.xlane v3, v2;
	_ =	sdelay $0x1  }
0x57: {  	v3 =	vadd.s32 v1, v3  }
0x58: {  	[tilespmem:s10], [sflag:$0x1] =	stream.indirect_vreg.gather [hbm4b:s3+s2], $0x80, v4, vm0, $0xb8;
	[tilespmem:$0x10100] =	vst v63  }
0x59: {  	_ = 	snop  }
0x5a: {  	[tilespmem:s11], [sflag:$0x1] =	stream.indirect_vreg.gather [hbm4b:s4+s2], $0x80, v4, vm0, $0xb8;
	[tilespmem:$0x10100] =	vst v63  }
0x5b: {  	_ = 	snop  }
0x5c: {  	[tilespmem:s12], [sflag:$0x1] =	stream.indirect_vreg.gather [hbm4b:s3+s2], $0x80, v3, vm0, $0xb8;
	[tilespmem:$0x10100] =	vst v63  }
0x5d: {  	_ = 	snop  }
0x5e: {  	[tilespmem:s13], [sflag:$0x1] =	stream.indirect_vreg.gather [hbm4b:s4+s2], $0x80, v3, vm0, $0xb8;
	[tilespmem:$0x10100] =	vst v63  }
0x5f: {  	v3 =	vld [tilespmem:$0x80];
	_ =	sdelay $0x4  }
0x60: {  	v60 =	vshll.u32 v3, $0x2  }
0x61: {  	v3 =	vand.u32 $0x7, v3;
	v4 =	vand.u32 $0xFFFFFFE0, v60  }
0x62: {  	v3 =	vor.u32 v3, v4  }
0x63: {  	v4 =	vperm.xlane v3, v0;
	_ =	sdelay $0x1  }
0x64: {  	v4 =	vadd.s32 v1, v4;
	_ =	sdelay $0x1  }
0x65: {  	v3 =	vperm.xlane v3, v2;
	_ =	sdelay $0x1  }
0x66: {  	v3 =	vadd.s32 v1, v3  }
0x67: {  	[tilespmem:s14], [sflag:$0x2] =	stream.indirect_vreg.gather [hbm4b:s3+s2], $0x80, v4, vm0, $0xb8;
	[tilespmem:$0x10100] =	vst v63  }
0x68: {  	_ = 	snop  }
0x69: {  	[tilespmem:s15], [sflag:$0x2] =	stream.indirect_vreg.gather [hbm4b:s4+s2], $0x80, v4, vm0, $0xb8;
	[tilespmem:$0x10100] =	vst v63  }
0x6a: {  	_ = 	snop  }
0x6b: {  	[tilespmem:s16], [sflag:$0x2] =	stream.indirect_vreg.gather [hbm4b:s3+s2], $0x80, v3, vm0, $0xb8;
	[tilespmem:$0x10100] =	vst v63  }
0x6c: {  	_ = 	snop  }
0x6d: {  	[tilespmem:s17], [sflag:$0x2] =	stream.indirect_vreg.gather [hbm4b:s4+s2], $0x80, v3, vm0, $0xb8;
	[tilespmem:$0x10100] =	vst v63  }
0x6e: {  	v3 =	vld [tilespmem:$0x90];
	_ =	sdelay $0x4  }
0x6f: {  	v61 =	vshll.u32 v3, $0x2  }
0x70: {  	v3 =	vand.u32 $0x7, v3;
	v4 =	vand.u32 $0xFFFFFFE0, v61  }
0x71: {  	v3 =	vor.u32 v3, v4  }
0x72: {  	v4 =	vperm.xlane v3, v0;
	_ =	sdelay $0x1  }
0x73: {  	v4 =	vadd.s32 v1, v4;
	_ =	sdelay $0x1  }
0x74: {  	v3 =	vperm.xlane v3, v2;
	_ =	sdelay $0x1  }
0x75: {  	v3 =	vadd.s32 v1, v3  }
0x76: {  	[tilespmem:s18], [sflag:$0x2] =	stream.indirect_vreg.gather [hbm4b:s3+s2], $0x80, v4, vm0, $0xb8;
	[tilespmem:$0x10100] =	vst v63  }
0x77: {  	_ = 	snop  }
0x78: {  	[tilespmem:s19], [sflag:$0x2] =	stream.indirect_vreg.gather [hbm4b:s4+s2], $0x80, v4, vm0, $0xb8;
	[tilespmem:$0x10100] =	vst v63  }
0x79: {  	_ = 	snop  }
0x7a: {  	[tilespmem:s20], [sflag:$0x2] =	stream.indirect_vreg.gather [hbm4b:s3+s2], $0x80, v3, vm0, $0xb8;
	[tilespmem:$0x10100] =	vst v63  }
0x7b: {  	_ = 	snop  }
0x7c: {  	[tilespmem:s21], [sflag:$0x2] =	stream.indirect_vreg.gather [hbm4b:s4+s2], $0x80, v3, vm0, $0xb8;
	[tilespmem:$0x10100] =	vst v63  }
0x7d: {  	v3 =	vld [tilespmem:$0xA0];
	_ =	sdelay $0x4  }
0x7e: {  	v62 =	vshll.u32 v3, $0x2  }
0x7f: {  	v3 =	vand.u32 $0x7, v3;
	v4 =	vand.u32 $0xFFFFFFE0, v62  }
0x80: {  	v3 =	vor.u32 v3, v4  }
0x81: {  	v4 =	vperm.xlane v3, v0;
	_ =	sdelay $0x1  }
0x82: {  	v4 =	vadd.s32 v1, v4;
	_ =	sdelay $0x1  }
0x83: {  	v3 =	vperm.xlane v3, v2;
	_ =	sdelay $0x1  }
0x84: {  	v3 =	vadd.s32 v1, v3  }
0x85: {  	[tilespmem:s22], [sflag:$0x2] =	stream.indirect_vreg.gather [hbm4b:s3+s2], $0x80, v4, vm0, $0xb8;
	[tilespmem:$0x10100] =	vst v63  }
0x86: {  	_ = 	snop  }
0x87: {  	[tilespmem:s23], [sflag:$0x2] =	stream.indirect_vreg.gather [hbm4b:s4+s2], $0x80, v4, vm0, $0xb8;
	[tilespmem:$0x10100] =	vst v63  }
0x88: {  	_ = 	snop  }
0x89: {  	[tilespmem:s24], [sflag:$0x2] =	stream.indirect_vreg.gather [hbm4b:s3+s2], $0x80, v3, vm0, $0xb8;
	[tilespmem:$0x10100] =	vst v63  }
0x8a: {  	_ = 	snop  }
0x8b: {  	[tilespmem:s25], [sflag:$0x2] =	stream.indirect_vreg.gather [hbm4b:s4+s2], $0x80, v3, vm0, $0xb8;
	[tilespmem:$0x10100] =	vst v63  }
0x8c: {  	v3 =	vld [tilespmem:$0xB0];
	_ =	sdelay $0x4  }
0x8d: {  	v63 =	vshll.u32 v3, $0x2  }
0x8e: {  	v3 =	vand.u32 $0x7, v3;
	v4 =	vand.u32 $0xFFFFFFE0, v63  }
0x8f: {  	v3 =	vor.u32 v3, v4  }
0x90: {  	v4 =	vperm.xlane v3, v0;
	_ =	sdelay $0x1  }
0x91: {  	v4 =	vadd.s32 v1, v4;
	_ =	sdelay $0x1  }
0x92: {  	v3 =	vperm.xlane v3, v2;
	_ =	sdelay $0x1  }
0x93: {  	v3 =	vadd.s32 v1, v3  }
0x94: {  	[tilespmem:s26], [sflag:$0x2] =	stream.indirect_vreg.gather [hbm4b:s3+s2], $0x80, v4, vm0, $0xb8;
	[tilespmem:$0x10100] =	vst v63  }
0x95: {  	_ = 	snop  }
0x96: {  	[tilespmem:s28], [sflag:$0x2] =	stream.indirect_vreg.gather [hbm4b:s4+s2], $0x80, v4, vm0, $0xb8;
	[tilespmem:$0x10100] =	vst v63  }
0x97: {  	_ = 	snop  }
0x98: {  	[tilespmem:s29], [sflag:$0x2] =	stream.indirect_vreg.gather [hbm4b:s3+s2], $0x80, v3, vm0, $0xb8;
	[tilespmem:$0x10100] =	vst v63  }
0x99: {  	_ = 	snop  }
0x9a: {  	[tilespmem:s30], [sflag:$0x2] =	stream.indirect_vreg.gather [hbm4b:s4+s2], $0x80, v3, vm0, $0xb8;
	[tilespmem:$0x10100] =	vst v63  }
0x9b: {  	_ =	swait.ge [sflag:s31], $0x8000  }
0x9c: {  	[sflag:s31] =	ssyncset.done $0x0  }
0x9d: {  	[sflag:s31] =	ssyncadd.s32 $0xFFFF8000  }
0x9e: {  	_ =	swait.ge [sflag:s1], $0x8000  }
0x9f: {  	[sflag:s1] =	ssyncset.done $0x0  }
0xa0: {  	s8 =	rddreg [dreg:$0x4];
	[sflag:s1] =	ssyncadd.s32 $0xFFFF8000  }
0xa1: {  	[hbm4b:s8+s2] =	stream.linear.scatter [tilespmem:s7], [sflag:$0x3], $0x8000, $0x38;
	[tilespmem:$0x10100] =	vst v63  }
0xa2: {  	_ =	swait.ge [sflag:s6], $0x8000  }
0xa3: {  	p0 =	sne.s32 s5, $0x1;
	[sflag:s6] =	ssyncset.done $0x0  }
.Ltmp0:
0xa4: {  	s8 =	rddreg [dreg:$0x5];
	[sflag:s6] =	ssyncadd.s32 $0xFFFF8000;
	(pc) =	sbr.rel @p0 .LBB2_1-.Ltmp0, $4  }
0xa5: {  	[hbm4b:s8+s2] =	stream.linear.scatter [tilespmem:s14], [sflag:$0x3], $0x8000, $0x38;
	[tilespmem:$0x10100] =	vst v63  }
0xa6: {  	_ =	swait.ge [sflag:s6], $0x8000  }
0xa7: {  	[sflag:s6] =	ssyncset.done $0x0  }
0xa8: {  	s5 =	sadd.s32 $0xFFFFFFFF, s5;
	[sflag:s6] =	ssyncadd.s32 $0xFFFF8000  }
0xa9: {  	_ =	sfence.sel $0x180000  }
0xaa: {  	[bflag:$0x0] =	sbarrier.arrive $0xFFFF  }
0xab: {  	_ =	strace $0x9000004A  }
0xac: {  	s0 =	stileid.u32;
	[bflag:$0x2] =	sbarrier.arrive $0xFFFF  }
0xad: {  	p0 =	sne.s32 s0, $0x0;
	s0 =	rddreg [dreg:$0x1]  }
0xae: {  	s0 =	sadd.s32 @!p0 $0x100000, s0  }
0xaf: {  	[sflag:s0] =	ssyncadd.tile.s32 @!p0 $0x1;
	_ =	shalt  }
.Lfunc_end2:
_tile_overlayer_lowered:
.L_overlay_start_2:
0xb0: {  	(tag) =	ssettag $0x2  }
0xb1: {  	s0 =	rddreg [dreg:$0x0];
	s2 =	stileid.u32  }
0xb2: {  	s1 =	rddreg [dreg:$0x1];
	p0 =	sne.s32 s2, $0x0  }
0xb3: {  	s3 =	rddreg [dreg:$0x2];
	[bflag:$0x3] =	sbarrier.arrive $0xFFFF;
	s2 =	simm.s32 @!p0 $0x1C03  }
0xb4: {  	[timem:s3], [sflag:s2] =	dma.local @!p0 [hbm:s0], s1  }
0xb5: {  	s0 =	simm.s32 @!p0 $0x3  }
0xb6: {  	_ =	swait.ge @!p0 [sflag:s0], s1  }
0xb7: {  	s1 =	ssub.s32 @!p0 $0x0, s1;
	[sflag:s0] =	ssyncset.done @!p0 $0x0  }
0xb8: {  	[sflag:s0] =	ssyncadd.s32 @!p0 s1  }
0xb9: {  	[bflag:$0x3] =	sbarrier.arrive $0xFFFF  }
0xba: {  	_ =	shalt  }

// kernel: kernel.17.cloned.1.call-start
scs
__scs_entry_jumppad:
0x0: {  	(pc) =	sbr.rel $0x88, $3  }
0x1: {  	(tag) =	ssettag $0x0;
	lr =	simm.s32 $0x1  }
0x2: {  	[smem:$0x3F89] =	sst lr;
	_ =	strace $0xD0000000  }
0x3: {  	_ = 	snop  }
0x4: {  	_ = 	snop  }
0x5: {  	_ = 	snop  }
0x6: {  	_ = 	snop  }
0x7: {  	_ = 	snop  }
__scs_overlays_trampoline_lowered:
0x8: {  	[smem:$0x3F98] =	sst s0  }
0x9: {  	[smem:$0x3F99] =	sst s1  }
0xa: {  	[smem:$0x3F9A] =	sst s2  }
0xb: {  	[smem:$0x3F9B] =	sst s3  }
0xc: {  	[smem:$0x3F9C] =	sst s4  }
0xd: {  	[smem:$0x3F9D] =	sst s5  }
0xe: {  	[smem:$0x3F9E] =	sst s6  }
0xf: {  	[smem:$0x3F9F] =	sst s7  }
0x10: {  	[smem:$0x3FA0] =	sst s8  }
0x11: {  	[smem:$0x3FA1] =	sst s9;
	s0 =	simm.s32 @!p0 $0x0  }
0x12: {  	s1 =	sld [smem:$0x3F87];
	s0 =	simm.s32 @p0 $0x1  }
0x13: {  	[smem:$0x3FA2] =	sst s0;
	s0 =	simm.s32 @!p1 $0x0  }
0x14: {  	s2 =	sld [smem:$0x3F86];
	s0 =	simm.s32 @p1 $0x1  }
0x15: {  	[smem:$0x3FA3] =	sst s0;
	s0 =	simm.s32 @!p2 $0x0  }
0x16: {  	s3 =	sld [smem:$0x3FDB];
	s0 =	simm.s32 @p2 $0x1  }
0x17: {  	s4 =	simm.s32 $0x1BF5;
	[smem:$0x3FA5] =	sst s0  }
0x18: {  	s0 =	sld [smem:$0x3F88];
	_ =	swait.ge [sflag:s4], $0x0  }
0x19: {  	s7 =	sld [smem:$0x3F89]  }
0x1a: {  	s8 =	sadd.s32 $0xFFFFE003, lr  }
0x1b: {  	s9 =	sadd.s32 $0xFFFFFEF7, lr;
	s5 =	simm.s32 $0xFFFFFFFF;
	p2 =	slt.u32 s8, $0xFFFFF086  }
0x1c: {  	p1 =	slt.u32 s9, $0xF7A;
	s5 =	simm.s32 @!p2 $0x0  }
0x1d: {  	s5 =	simm.s32 @p1 $0x1;
	p0 =	seq.s32 s7, s2  }
0x1e: {  	s7 =	smul.u32 @!p0 $0xF7A, s2;
	p2 =	seq.s32 @!p0 s5, $0x0  }
0x1f: {  	s9 =	smul.u32 $0xF7A, s1;
	s8 =	simm.s32 @!p0 $0x1BF5;
	p2 =	por !p2, p0  }
0x20: {  	[sflag:s8] =	ssyncset.s32 @!p0 $0xFFFFF086;
	s6 =	sadd.s32 @!p0 s3, s7;
	s7 =	simm.s32 @!p0 $0x108  }
0x21: {  	s3 =	sadd.s32 s3, s9;
	s6 =	sadd.s32 @!p0 $0x88, s6;
	s7 =	simm.s32 @p2 $0x1082  }
0x22: {  	[simem:s7], [sflag:s8] =	dma.local @!p0 [hbm:s6], $0xF7A  }
0x23: {  	s9 =	sor.u32 $0xD0000000, s2;
	s6 =	simm.s32 $0x108;
	_ =	swait.ge @!p0 [sflag:s8], $0x0  }
0x24: {  	s3 =	sadd.s32 $0x88, s3;
	s6 =	simm.s32 @!p1 $0x1082;
	[sflag:s4] =	ssyncset.s32 $0xFFFFF086  }
0x25: {  	[simem:s6], [sflag:s4] =	dma.local [hbm:s3], $0xF7A  }
0x26: {  	[smem:$0x3F89] =	sst s1;
	(tag) =	ssettag s2;
	_ =	strace s9  }
0x27: {  	s1 =	sld [smem:$0x3F99]  }
0x28: {  	s2 =	sld [smem:$0x3F9A]  }
0x29: {  	s4 =	sld [smem:$0x3F9C]  }
0x2a: {  	p0 =	seq.s32 s5, $0x0;
	s5 =	sld [smem:$0x3F9D]  }
0x2b: {  	s6 =	sld [smem:$0x3F9E]  }
0x2c: {  	s7 =	sld [smem:$0x3F9F]  }
0x2d: {  	s3 =	simm.s32 $0x108;
	s8 =	sld [smem:$0x3FA0]  }
0x2e: {  	s3 =	simm.s32 @!p0 $0x1082;
	s9 =	sld [smem:$0x3FA1]  }
0x2f: {  	lr =	sadd.s32 s0, s3;
	s0 =	sld [smem:$0x3F98]  }
0x30: {  	s3 =	sld [smem:$0x3F9B]  }
0x31: {  	[smem:$0x3FA4] =	sst s10  }
0x32: {  	s10 =	sld [smem:$0x3FA2];
	_ =	sdelay $0x3  }
0x33: {  	p0 =	seq.s32 s10, $0x1;
	s10 =	sld [smem:$0x3FA4];
	_ =	sdelay $0x3  }
0x34: {  	[smem:$0x3FA4] =	sst s10  }
0x35: {  	s10 =	sld [smem:$0x3FA3];
	_ =	sdelay $0x3  }
0x36: {  	p1 =	seq.s32 s10, $0x1;
	s10 =	sld [smem:$0x3FA4];
	_ =	sdelay $0x3  }
0x37: {  	[smem:$0x3FA4] =	sst s10  }
0x38: {  	s10 =	sld [smem:$0x3FA5]  }
0x39: {  	_ = 	snop;
	(pc) =	sbr.ind lr, $3  }
0x3a: {  	_ = 	snop  }
0x3b: {  	_ = 	snop  }
0x3c: {  	p2 =	seq.s32 s10, $0x1;
	s10 =	sld [smem:$0x3FA4]  }
0x3d: {  	_ =	shalt  }
0x3e: {  	_ =	shalt  }
0x3f: {  	_ =	shalt  }
0x40: {  	_ =	shalt  }
0x41: {  	_ =	shalt  }
0x42: {  	_ =	shalt  }
0x43: {  	_ =	shalt  }
0x44: {  	_ =	shalt  }
0x45: {  	_ =	shalt  }
0x46: {  	_ =	shalt  }
0x47: {  	_ =	shalt  }
0x48: {  	_ =	shalt  }
0x49: {  	_ =	shalt  }
0x4a: {  	_ =	shalt  }
0x4b: {  	_ =	shalt  }
0x4c: {  	_ =	shalt  }
0x4d: {  	_ =	shalt  }
0x4e: {  	_ =	shalt  }
0x4f: {  	_ =	shalt  }
0x50: {  	_ =	shalt  }
0x51: {  	_ =	shalt  }
0x52: {  	_ =	shalt  }
0x53: {  	_ =	shalt  }
0x54: {  	_ =	shalt  }
0x55: {  	_ =	shalt  }
0x56: {  	_ =	shalt  }
0x57: {  	_ =	shalt  }
0x58: {  	_ =	shalt  }
0x59: {  	_ =	shalt  }
0x5a: {  	_ =	shalt  }
0x5b: {  	_ =	shalt  }
0x5c: {  	_ =	shalt  }
0x5d: {  	_ =	shalt  }
0x5e: {  	_ =	shalt  }
0x5f: {  	_ =	shalt  }
0x60: {  	_ =	shalt  }
0x61: {  	_ =	shalt  }
0x62: {  	_ =	shalt  }
0x63: {  	_ =	shalt  }
0x64: {  	_ =	shalt  }
0x65: {  	_ =	shalt  }
0x66: {  	_ =	shalt  }
0x67: {  	_ =	shalt  }
0x68: {  	_ =	shalt  }
0x69: {  	_ =	shalt  }
0x6a: {  	_ =	shalt  }
0x6b: {  	_ =	shalt  }
0x6c: {  	_ =	shalt  }
0x6d: {  	_ =	shalt  }
0x6e: {  	_ =	shalt  }
0x6f: {  	_ =	shalt  }
0x70: {  	_ =	shalt  }
0x71: {  	_ =	shalt  }
0x72: {  	_ =	shalt  }
0x73: {  	_ =	shalt  }
0x74: {  	_ =	shalt  }
0x75: {  	_ =	shalt  }
0x76: {  	_ =	shalt  }
0x77: {  	_ =	shalt  }
0x78: {  	_ =	shalt  }
0x79: {  	_ =	shalt  }
0x7a: {  	_ =	shalt  }
0x7b: {  	_ =	shalt  }
0x7c: {  	_ =	shalt  }
0x7d: {  	_ =	shalt  }
0x7e: {  	_ =	shalt  }
0x7f: {  	_ =	shalt  }
0x80: {  	_ =	shalt  }
0x81: {  	_ =	shalt  }
0x82: {  	_ =	shalt  }
0x83: {  	_ =	shalt  }
0x84: {  	_ =	shalt  }
0x85: {  	_ =	shalt  }
0x86: {  	_ =	shalt  }
0x87: {  	_ =	shalt  }
.Lfunc_end0:
.L_simem_size_0:
called_computation.2_lowered:
.L_overlay_start_0:
0x88: {  	s2 =	sld [smem:$0x3FD9]  }
0x89: {  	s3 =	sld [smem:$0x3FFE];
	_ =	sdelay $0x1  }
0x8a: {  	s1 =	srdreg.scid  }
0x8b: {  	s0 =	sand.u32 $0x1, s1  }
0x8c: {  	s17 =	sshll.u32 s0, $0xA;
	s2 =	sadd.s32 s3, s2  }
0x8d: {  	s2 =	sadd.s32 s2, s17  }
0x8e: {  	[smem:$0x3FB0] =	sst s2  }
0x8f: {  	_ = 	snop  }
0x90: {  	s2 =	sld [smem:$0x3FD0];
	(tm) =	ssettm $0x1  }
0x91: {  	s18 =	sld [smem:$0x3FFB];
	_ =	sdelay $0x3  }
0x92: {  	_ =	strace s18  }
0x93: {  	s3 =	sld [smem:$0x3FFC];
	_ =	sdelay $0x3  }
0x94: {  	_ =	strace s3  }
0x95: {  	s3 =	sld [smem:$0x3FFD];
	_ =	sdelay $0x3  }
0x96: {  	_ =	strace s3  }
0x97: {  	_ =	strace $0x8FFFFFFF  }
0x98: {  	s19 =	sld [smem:$0x3FDB];
	_ =	sdelay $0x1  }
0x99: {  	s4 =	simm.s32 $_scs_section_size  }
0x9a: {  	s5 =	simm.s32 $_size__tile_overlayer_lowered;
	s6 =	simm.s32 $_tile_overlayer_lowered  }
0x9b: {  	s22 =	simm.s32 $0x1BFF;
	s21 =	sshll.u32 s6, $0x1;
	s3 =	sadd.s32 s4, s19  }
0x9c: {  	s7 =	simm.s32 $0x0;
	s20 =	sshll.u32 s5, $0x1;
	s5 =	sadd.s32 s21, s3  }
0x9d: {  	[timem:s7], [sflag:s22] =	dma.local [hbm:s5], s20  }
0x9e: {  	_ =	swait.ge [sflag:s22], s20  }
0x9f: {  	s4 =	ssub.s32 $0x0, s20;
	[sflag:s22] =	ssyncset.done $0x0  }
0xa0: {  	[sflag:s22] =	ssyncadd.s32 s4;
	_ =	sdelay $0x1  }
0xa1: {  	s23 =	simm.s32 $0x1B8B  }
0xa2: {  	_ =	swait.ge [sflag:s23], $0x1  }
0xa3: {  	[sflag:s23] =	ssyncset.done $0x0  }
0xa4: {  	s25 =	simm.s32 $0x1B8E;
	s24 =	sld [smem:$0x3FFE];
	[sflag:s23] =	ssyncadd.s32 $0xFFFFFFFF  }
0xa5: {  	s26 =	simm.s32 $execute0_lowered;
	[smem:$0x3FD2] =	sst s25  }
0xa6: {  	s5 =	sshll.u32 s26, $0x1;
	_ =	strace $0x8000004C;
	[dreg:$0x1] =	wrdreg $0xFFFFFFFF  }
0xa7: {  	s28 =	simm.s32 $_size_execute0_lowered;
	s3 =	sadd.s32 s3, s5;
	[dreg:$0x0] =	wrdreg $0x0  }
0xa8: {  	s5 =	sshll.u32 s28, $0x1;
	[dreg:$0x2] =	wrdreg s3  }
0xa9: {  	[dreg:$0x3] =	wrdreg s5  }
0xaa: {  	[dreg:$0x4] =	wrdreg $0xC0  }
0xab: {  	_ =	task [dreg:s7], $0x5FFFF  }
0xac: {  	[dreg:$0x1] =	wrdreg $0xFFFFFFFF  }
0xad: {  	[dreg:$0x0] =	wrdreg $0x60  }
0xae: {  	[dreg:$0x2] =	wrdreg s2  }
0xaf: {  	[dreg:$0x3] =	wrdreg s24  }
0xb0: {  	[dreg:$0x4] =	wrdreg $0x9  }
0xb1: {  	_ =	task.clear_ibuf [dreg:s7], $0x5FFFF;
	_ =	strace $0x9000004C  }
0xb2: {  	s29 =	simm.s32 $0x9;
	_ =	strace $0x8000004E  }
0xb3: {  	_ =	swait.ge [sflag:s29], $0x1  }
0xb4: {  	[sflag:s29] =	ssyncadd.s32 $0xFFFFFFFF  }
0xb5: {  	_ =	strace $0x9000004E  }
0xb6: {  	_ =	sfence  }
0xb7: {  	s30 =	sld [smem:$0x0];
	_ =	sdelay $0x2  }
0xb8: {  	s31 =	sshll.u32 s1, $0xD;
	s1 =	sshrl.u32 s1, $0x2  }
0xb9: {  	s3 =	sand.u32 $0x4000, s31;
	s1 =	sadd.s32 s1, s30  }
0xba: {  	s0 =	sor.u32 s3, s0;
	s1 =	sshll.u32 s1, $0x11  }
0xbb: {  	s0 =	sor.u32 s1, s0  }
0xbc: {  	s0 =	sadd.s32 $0x8F2B, s0  }
0xbd: {  	[sflag:s0] =	ssyncadd.remote.s32 $0x1  }
0xbe: {  	_ =	sfence.sel $0xFFFF  }
0xbf: {  	[dreg:$0x0] =	wrdreg $0xFFFFFFFF;
	(pc) =	sbr.abs _section_cstart, $3  }
0xc0: {  	[dreg:$0x1] =	wrdreg $0xFFFFFFFF  }
0xc1: {  	_ =	task.clear_ibuf [dreg:s7], $0x2FFFF;
	_ =	strace $0x9FFFFFFF  }
0xc2: {  	(tm) =	ssettm $0x7FFFFFFF  }
0xc3: {  	_ =	shalt  }
tec
execute0_lowered:
.L_overlay_start_1:
0x0: {  	(tag) =	ssettag $0x1  }
0x1: {  	s6 =	rddreg [dreg:$0x0]  }
0x2: {  	s7 =	rddreg [dreg:$0x1];
	s2 =	srdreg.scid  }
0x3: {  	s0 =	rddreg [dreg:$0x2];
	s1 =	stileid.u32  }
0x4: {  	s11 =	simm.s32 $0x100;
	s12 =	simm.s32 $0x900;
	s13 =	simm.s32 $0x1100  }
0x5: {  	s14 =	simm.s32 $0x1900;
	s15 =	simm.s32 $0x2100;
	s16 =	simm.s32 $0x2900  }
0x6: {  	s17 =	simm.s32 $0x3100;
	s18 =	simm.s32 $0x3900;
	s19 =	simm.s32 $0x4100  }
0x7: {  	s20 =	simm.s32 $0x4900;
	s21 =	simm.s32 $0x5100;
	s22 =	simm.s32 $0x5900  }
0x8: {  	s23 =	simm.s32 $0x6100;
	s24 =	simm.s32 $0x6900;
	s25 =	simm.s32 $0x7100  }
0x9: {  	s26 =	simm.s32 $0x7900;
	s28 =	simm.s32 $0x1;
	s29 =	simm.s32 $0x2  }
0xa: {  	s3 =	sand.u32 $0x1, s2;
	s2 =	simm.s32 $0x0;
	s4 =	sshll.u32 s1, $0x7  }
0xb: {  	s5 =	sshll.u32 s3, $0x6;
	[smem:$0x7FF] =	sst s2;
	s8 =	ssub.s32 $0x2, s3  }
0xc: {  	s3 =	sadd.s32 $0x6600, s7;
	s5 =	sor.u32 s5, s4;
	_ =	strace $0x8000004D  }
0xd: {  	s31 =	sshrl.u32 s8, $0x1;
	s4 =	sshrl.u32 s5, $0x3;
	s10 =	sshll.u32 s5, $0x6  }
0xe: {  	v2 =	vlaneseq.u32;
	s8 =	ssub.s32 s8, s31;
	s9 =	sadd.s32 s4, s7;
	s6 =	sadd.s32 s6, s10  }
0xf: {  	vm0 =	vmmov $0xffff;
	v1 =	vshrl.u32 v2, $0x3;
	s7 =	sadd.s32 $0x6700, s7;
	s8 =	smax.u32 s8, $0x1;
	s10 =	simm.s32 $0x80  }
0x10: {  	v0 =	vand.u32 $0x7, v2;
	v2 =	vor.u32 $0x8, v2;
	v1 =	vmul.u32 $0x8, v1;
	s4 =	sadd.s32 $0x6200, s9;
	s5 =	sadd.s32 $0x6400, s9;
	s9 =	simm.s32 $0x3  }
.LBB2_1:
0x11: {  	[tilespmem:s2], [sflag:$0x3] =	stream.linear.gather [hbm4b:s4+s2], $0x40, $0x38;
	[tilespmem:$0x8100] =	vst v63  }
0x12: {  	_ =	swait.ge [sflag:s9], $0x40  }
0x13: {  	[sflag:s9] =	ssyncset.done $0x0  }
0x14: {  	[sflag:s9] =	ssyncadd.s32 $0xFFFFFFC0  }
0x15: {  	[tilespmem:s10], [sflag:$0x3] =	stream.linear.gather [hbm4b:s5+s2], $0x40, $0x38;
	[tilespmem:$0x8100] =	vst v63  }
0x16: {  	_ =	swait.ge [sflag:s9], $0x40  }
0x17: {  	[sflag:s9] =	ssyncset.done $0x0  }
0x18: {  	[sflag:s9] =	ssyncadd.s32 $0xFFFFFFC0  }
0x19: {  	[tilespmem:s11], [sflag:$0x3] =	stream.linear.gather [hbm4b:s6+s2], $0x8000, $0x38;
	[tilespmem:$0x8100] =	vst v63  }
0x1a: {  	_ =	swait.ge [sflag:s9], $0x8000  }
0x1b: {  	[sflag:s9] =	ssyncset.done $0x0  }
0x1c: {  	[sflag:s9] =	ssyncadd.s32 $0xFFFF8000  }
0x1d: {  	v3 =	vld [tilespmem:$0x0];
	_ =	sdelay $0x4  }
0x1e: {  	v4 =	vshll.u32 v3, $0x2  }
0x1f: {  	v3 =	vand.u32 $0x7, v3;
	v4 =	vand.u32 $0xFFFFFFE0, v4  }
0x20: {  	v3 =	vor.u32 v3, v4  }
0x21: {  	v4 =	vperm.xlane v3, v0;
	_ =	sdelay $0x1  }
0x22: {  	v4 =	vadd.s32 v1, v4;
	_ =	sdelay $0x1  }
0x23: {  	v3 =	vperm.xlane v3, v2;
	_ =	sdelay $0x1  }
0x24: {  	v3 =	vadd.s32 v1, v3  }
0x25: {  	[hbm4b:s3+s2] =	stream.indirect_vreg.scatter [tilespmem:s11], [sflag:$0x1], $0x80, v4, vm0, $0xb8;
	[tilespmem:$0x8100] =	vst v63  }
0x26: {  	_ = 	snop  }
0x27: {  	[hbm4b:s7+s2] =	stream.indirect_vreg.scatter [tilespmem:s12], [sflag:$0x1], $0x80, v4, vm0, $0xb8;
	[tilespmem:$0x8100] =	vst v63  }
0x28: {  	_ = 	snop  }
0x29: {  	[hbm4b:s3+s2] =	stream.indirect_vreg.scatter [tilespmem:s13], [sflag:$0x1], $0x80, v3, vm0, $0xb8;
	[tilespmem:$0x8100] =	vst v63  }
0x2a: {  	_ = 	snop  }
0x2b: {  	[hbm4b:s7+s2] =	stream.indirect_vreg.scatter [tilespmem:s14], [sflag:$0x1], $0x80, v3, vm0, $0xb8;
	[tilespmem:$0x8100] =	vst v63  }
0x2c: {  	v3 =	vld [tilespmem:$0x10];
	_ =	sdelay $0x4  }
0x2d: {  	v57 =	vshll.u32 v3, $0x2  }
0x2e: {  	v3 =	vand.u32 $0x7, v3;
	v4 =	vand.u32 $0xFFFFFFE0, v57  }
0x2f: {  	v3 =	vor.u32 v3, v4  }
0x30: {  	v4 =	vperm.xlane v3, v0;
	_ =	sdelay $0x1  }
0x31: {  	v4 =	vadd.s32 v1, v4;
	_ =	sdelay $0x1  }
0x32: {  	v3 =	vperm.xlane v3, v2;
	_ =	sdelay $0x1  }
0x33: {  	v3 =	vadd.s32 v1, v3  }
0x34: {  	[hbm4b:s3+s2] =	stream.indirect_vreg.scatter [tilespmem:s15], [sflag:$0x1], $0x80, v4, vm0, $0xb8;
	[tilespmem:$0x8100] =	vst v63  }
0x35: {  	_ = 	snop  }
0x36: {  	[hbm4b:s7+s2] =	stream.indirect_vreg.scatter [tilespmem:s16], [sflag:$0x1], $0x80, v4, vm0, $0xb8;
	[tilespmem:$0x8100] =	vst v63  }
0x37: {  	_ = 	snop  }
0x38: {  	[hbm4b:s3+s2] =	stream.indirect_vreg.scatter [tilespmem:s17], [sflag:$0x1], $0x80, v3, vm0, $0xb8;
	[tilespmem:$0x8100] =	vst v63  }
0x39: {  	_ = 	snop  }
0x3a: {  	[hbm4b:s7+s2] =	stream.indirect_vreg.scatter [tilespmem:s18], [sflag:$0x1], $0x80, v3, vm0, $0xb8;
	[tilespmem:$0x8100] =	vst v63  }
0x3b: {  	v3 =	vld [tilespmem:$0x20];
	_ =	sdelay $0x4  }
0x3c: {  	v58 =	vshll.u32 v3, $0x2  }
0x3d: {  	v3 =	vand.u32 $0x7, v3;
	v4 =	vand.u32 $0xFFFFFFE0, v58  }
0x3e: {  	v3 =	vor.u32 v3, v4  }
0x3f: {  	v4 =	vperm.xlane v3, v0;
	_ =	sdelay $0x1  }
0x40: {  	v4 =	vadd.s32 v1, v4;
	_ =	sdelay $0x1  }
0x41: {  	v3 =	vperm.xlane v3, v2;
	_ =	sdelay $0x1  }
0x42: {  	v3 =	vadd.s32 v1, v3  }
0x43: {  	[hbm4b:s3+s2] =	stream.indirect_vreg.scatter [tilespmem:s19], [sflag:$0x1], $0x80, v4, vm0, $0xb8;
	[tilespmem:$0x8100] =	vst v63  }
0x44: {  	_ = 	snop  }
0x45: {  	[hbm4b:s7+s2] =	stream.indirect_vreg.scatter [tilespmem:s20], [sflag:$0x1], $0x80, v4, vm0, $0xb8;
	[tilespmem:$0x8100] =	vst v63  }
0x46: {  	_ = 	snop  }
0x47: {  	[hbm4b:s3+s2] =	stream.indirect_vreg.scatter [tilespmem:s21], [sflag:$0x1], $0x80, v3, vm0, $0xb8;
	[tilespmem:$0x8100] =	vst v63  }
0x48: {  	_ = 	snop  }
0x49: {  	[hbm4b:s7+s2] =	stream.indirect_vreg.scatter [tilespmem:s22], [sflag:$0x1], $0x80, v3, vm0, $0xb8;
	[tilespmem:$0x8100] =	vst v63  }
0x4a: {  	v3 =	vld [tilespmem:$0x30];
	_ =	sdelay $0x4  }
0x4b: {  	v59 =	vshll.u32 v3, $0x2  }
0x4c: {  	v3 =	vand.u32 $0x7, v3;
	v4 =	vand.u32 $0xFFFFFFE0, v59  }
0x4d: {  	v3 =	vor.u32 v3, v4  }
0x4e: {  	v4 =	vperm.xlane v3, v0;
	_ =	sdelay $0x1  }
0x4f: {  	v4 =	vadd.s32 v1, v4;
	_ =	sdelay $0x1  }
0x50: {  	v3 =	vperm.xlane v3, v2;
	_ =	sdelay $0x1  }
0x51: {  	v3 =	vadd.s32 v1, v3  }
0x52: {  	[hbm4b:s3+s2] =	stream.indirect_vreg.scatter [tilespmem:s23], [sflag:$0x1], $0x80, v4, vm0, $0xb8;
	[tilespmem:$0x8100] =	vst v63  }
0x53: {  	_ = 	snop  }
0x54: {  	[hbm4b:s7+s2] =	stream.indirect_vreg.scatter [tilespmem:s24], [sflag:$0x1], $0x80, v4, vm0, $0xb8;
	[tilespmem:$0x8100] =	vst v63  }
0x55: {  	_ = 	snop  }
0x56: {  	[hbm4b:s3+s2] =	stream.indirect_vreg.scatter [tilespmem:s25], [sflag:$0x1], $0x80, v3, vm0, $0xb8;
	[tilespmem:$0x8100] =	vst v63  }
0x57: {  	_ = 	snop  }
0x58: {  	[hbm4b:s7+s2] =	stream.indirect_vreg.scatter [tilespmem:s26], [sflag:$0x1], $0x80, v3, vm0, $0xb8;
	[tilespmem:$0x8100] =	vst v63  }
0x59: {  	v3 =	vld [tilespmem:$0x80];
	_ =	sdelay $0x4  }
0x5a: {  	v60 =	vshll.u32 v3, $0x2  }
0x5b: {  	v3 =	vand.u32 $0x7, v3;
	v4 =	vand.u32 $0xFFFFFFE0, v60  }
0x5c: {  	v3 =	vor.u32 v3, v4  }
0x5d: {  	v4 =	vperm.xlane v3, v0;
	_ =	sdelay $0x1  }
0x5e: {  	v4 =	vadd.s32 v1, v4;
	_ =	sdelay $0x1  }
0x5f: {  	v3 =	vperm.xlane v3, v2;
	_ =	sdelay $0x1  }
0x60: {  	v3 =	vadd.s32 v1, v3  }
0x61: {  	[hbm4b:s3+s2] =	stream.indirect_vreg.scatter [tilespmem:s11], [sflag:$0x2], $0x80, v4, vm0, $0xb8;
	[tilespmem:$0x8100] =	vst v63  }
0x62: {  	_ = 	snop  }
0x63: {  	[hbm4b:s7+s2] =	stream.indirect_vreg.scatter [tilespmem:s12], [sflag:$0x2], $0x80, v4, vm0, $0xb8;
	[tilespmem:$0x8100] =	vst v63  }
0x64: {  	_ = 	snop  }
0x65: {  	[hbm4b:s3+s2] =	stream.indirect_vreg.scatter [tilespmem:s13], [sflag:$0x2], $0x80, v3, vm0, $0xb8;
	[tilespmem:$0x8100] =	vst v63  }
0x66: {  	_ = 	snop  }
0x67: {  	[hbm4b:s7+s2] =	stream.indirect_vreg.scatter [tilespmem:s14], [sflag:$0x2], $0x80, v3, vm0, $0xb8;
	[tilespmem:$0x8100] =	vst v63  }
0x68: {  	v3 =	vld [tilespmem:$0x90];
	_ =	sdelay $0x4  }
0x69: {  	v61 =	vshll.u32 v3, $0x2  }
0x6a: {  	v3 =	vand.u32 $0x7, v3;
	v4 =	vand.u32 $0xFFFFFFE0, v61  }
0x6b: {  	v3 =	vor.u32 v3, v4  }
0x6c: {  	v4 =	vperm.xlane v3, v0;
	_ =	sdelay $0x1  }
0x6d: {  	v4 =	vadd.s32 v1, v4;
	_ =	sdelay $0x1  }
0x6e: {  	v3 =	vperm.xlane v3, v2;
	_ =	sdelay $0x1  }
0x6f: {  	v3 =	vadd.s32 v1, v3  }
0x70: {  	[hbm4b:s3+s2] =	stream.indirect_vreg.scatter [tilespmem:s15], [sflag:$0x2], $0x80, v4, vm0, $0xb8;
	[tilespmem:$0x8100] =	vst v63  }
0x71: {  	_ = 	snop  }
0x72: {  	[hbm4b:s7+s2] =	stream.indirect_vreg.scatter [tilespmem:s16], [sflag:$0x2], $0x80, v4, vm0, $0xb8;
	[tilespmem:$0x8100] =	vst v63  }
0x73: {  	_ = 	snop  }
0x74: {  	[hbm4b:s3+s2] =	stream.indirect_vreg.scatter [tilespmem:s17], [sflag:$0x2], $0x80, v3, vm0, $0xb8;
	[tilespmem:$0x8100] =	vst v63  }
0x75: {  	_ = 	snop  }
0x76: {  	[hbm4b:s7+s2] =	stream.indirect_vreg.scatter [tilespmem:s18], [sflag:$0x2], $0x80, v3, vm0, $0xb8;
	[tilespmem:$0x8100] =	vst v63  }
0x77: {  	v3 =	vld [tilespmem:$0xA0];
	_ =	sdelay $0x4  }
0x78: {  	v62 =	vshll.u32 v3, $0x2  }
0x79: {  	v3 =	vand.u32 $0x7, v3;
	v4 =	vand.u32 $0xFFFFFFE0, v62  }
0x7a: {  	v3 =	vor.u32 v3, v4  }
0x7b: {  	v4 =	vperm.xlane v3, v0;
	_ =	sdelay $0x1  }
0x7c: {  	v4 =	vadd.s32 v1, v4;
	_ =	sdelay $0x1  }
0x7d: {  	v3 =	vperm.xlane v3, v2;
	_ =	sdelay $0x1  }
0x7e: {  	v3 =	vadd.s32 v1, v3  }
0x7f: {  	[hbm4b:s3+s2] =	stream.indirect_vreg.scatter [tilespmem:s19], [sflag:$0x2], $0x80, v4, vm0, $0xb8;
	[tilespmem:$0x8100] =	vst v63  }
0x80: {  	_ = 	snop  }
0x81: {  	[hbm4b:s7+s2] =	stream.indirect_vreg.scatter [tilespmem:s20], [sflag:$0x2], $0x80, v4, vm0, $0xb8;
	[tilespmem:$0x8100] =	vst v63  }
0x82: {  	_ = 	snop  }
0x83: {  	[hbm4b:s3+s2] =	stream.indirect_vreg.scatter [tilespmem:s21], [sflag:$0x2], $0x80, v3, vm0, $0xb8;
	[tilespmem:$0x8100] =	vst v63  }
0x84: {  	_ = 	snop  }
0x85: {  	[hbm4b:s7+s2] =	stream.indirect_vreg.scatter [tilespmem:s22], [sflag:$0x2], $0x80, v3, vm0, $0xb8;
	[tilespmem:$0x8100] =	vst v63  }
0x86: {  	v3 =	vld [tilespmem:$0xB0];
	_ =	sdelay $0x4  }
0x87: {  	v63 =	vshll.u32 v3, $0x2  }
0x88: {  	v3 =	vand.u32 $0x7, v3;
	v4 =	vand.u32 $0xFFFFFFE0, v63  }
0x89: {  	v3 =	vor.u32 v3, v4  }
0x8a: {  	v4 =	vperm.xlane v3, v0;
	_ =	sdelay $0x1  }
0x8b: {  	v4 =	vadd.s32 v1, v4;
	_ =	sdelay $0x1  }
0x8c: {  	v3 =	vperm.xlane v3, v2;
	_ =	sdelay $0x1  }
0x8d: {  	v3 =	vadd.s32 v1, v3  }
0x8e: {  	[hbm4b:s3+s2] =	stream.indirect_vreg.scatter [tilespmem:s23], [sflag:$0x2], $0x80, v4, vm0, $0xb8;
	[tilespmem:$0x8100] =	vst v63  }
0x8f: {  	_ = 	snop  }
0x90: {  	[hbm4b:s7+s2] =	stream.indirect_vreg.scatter [tilespmem:s24], [sflag:$0x2], $0x80, v4, vm0, $0xb8;
	[tilespmem:$0x8100] =	vst v63  }
0x91: {  	_ = 	snop  }
0x92: {  	[hbm4b:s3+s2] =	stream.indirect_vreg.scatter [tilespmem:s25], [sflag:$0x2], $0x80, v3, vm0, $0xb8;
	[tilespmem:$0x8100] =	vst v63  }
0x93: {  	_ = 	snop  }
0x94: {  	[hbm4b:s7+s2] =	stream.indirect_vreg.scatter [tilespmem:s26], [sflag:$0x2], $0x80, v3, vm0, $0xb8;
	[tilespmem:$0x8100] =	vst v63  }
0x95: {  	p0 =	sne.s32 s8, $0x1;
	_ =	swait.ge [sflag:s28], $0x8000  }
.Ltmp0:
0x96: {  	[sflag:s28] =	ssyncset.done $0x0;
	(pc) =	sbr.rel @p0 .LBB2_1-.Ltmp0, $4  }
0x97: {  	[sflag:s28] =	ssyncadd.s32 $0xFFFF8000  }
0x98: {  	_ =	swait.ge [sflag:s29], $0x8000  }
0x99: {  	[sflag:s29] =	ssyncset.done $0x0  }
0x9a: {  	s8 =	sadd.s32 $0xFFFFFFFF, s8;
	[sflag:s29] =	ssyncadd.s32 $0xFFFF8000  }
0x9b: {  	_ =	sfence.sel $0x180000  }
0x9c: {  	[bflag:$0x0] =	sbarrier.arrive $0xFFFF  }
0x9d: {  	p0 =	sne.s32 s1, $0x0;
	_ =	strace $0x9000004D  }
0x9e: {  	s0 =	sadd.s32 @!p0 $0x100000, s0;
	[bflag:$0x2] =	sbarrier.arrive $0xFFFF  }
0x9f: {  	[sflag:s0] =	ssyncadd.tile.s32 @!p0 $0x1;
	_ =	shalt  }
.Lfunc_end2:
_tile_overlayer_lowered:
.L_overlay_start_2:
0xa0: {  	(tag) =	ssettag $0x2  }
0xa1: {  	s0 =	rddreg [dreg:$0x0];
	s2 =	stileid.u32  }
0xa2: {  	s1 =	rddreg [dreg:$0x1];
	p0 =	sne.s32 s2, $0x0  }
0xa3: {  	s3 =	rddreg [dreg:$0x2];
	[bflag:$0x3] =	sbarrier.arrive $0xFFFF;
	s2 =	simm.s32 @!p0 $0x1C03  }
0xa4: {  	[timem:s3], [sflag:s2] =	dma.local @!p0 [hbm:s0], s1  }
0xa5: {  	s0 =	simm.s32 @!p0 $0x3  }
0xa6: {  	_ =	swait.ge @!p0 [sflag:s0], s1  }
0xa7: {  	s1 =	ssub.s32 @!p0 $0x0, s1;
	[sflag:s0] =	ssyncset.done @!p0 $0x0  }
0xa8: {  	[sflag:s0] =	ssyncadd.s32 @!p0 s1  }
0xa9: {  	[bflag:$0x3] =	sbarrier.arrive $0xFFFF  }
0xaa: {  	_ =	shalt  }

// kernel: kernel.20.cloned.1.call-start
scs
__scs_entry_jumppad:
0x0: {  	(pc) =	sbr.rel $0x88, $3  }
0x1: {  	(tag) =	ssettag $0x0;
	lr =	simm.s32 $0x1  }
0x2: {  	[smem:$0x3F89] =	sst lr;
	_ =	strace $0xD0000000  }
0x3: {  	_ = 	snop  }
0x4: {  	_ = 	snop  }
0x5: {  	_ = 	snop  }
0x6: {  	_ = 	snop  }
0x7: {  	_ = 	snop  }
__scs_overlays_trampoline_lowered:
0x8: {  	[smem:$0x3F98] =	sst s0  }
0x9: {  	[smem:$0x3F99] =	sst s1  }
0xa: {  	[smem:$0x3F9A] =	sst s2  }
0xb: {  	[smem:$0x3F9B] =	sst s3  }
0xc: {  	[smem:$0x3F9C] =	sst s4  }
0xd: {  	[smem:$0x3F9D] =	sst s5  }
0xe: {  	[smem:$0x3F9E] =	sst s6  }
0xf: {  	[smem:$0x3F9F] =	sst s7  }
0x10: {  	[smem:$0x3FA0] =	sst s8  }
0x11: {  	[smem:$0x3FA1] =	sst s9;
	s0 =	simm.s32 @!p0 $0x0  }
0x12: {  	s1 =	sld [smem:$0x3F87];
	s0 =	simm.s32 @p0 $0x1  }
0x13: {  	[smem:$0x3FA2] =	sst s0;
	s0 =	simm.s32 @!p1 $0x0  }
0x14: {  	s2 =	sld [smem:$0x3F86];
	s0 =	simm.s32 @p1 $0x1  }
0x15: {  	[smem:$0x3FA3] =	sst s0;
	s0 =	simm.s32 @!p2 $0x0  }
0x16: {  	s3 =	sld [smem:$0x3FDB];
	s0 =	simm.s32 @p2 $0x1  }
0x17: {  	s4 =	simm.s32 $0x1BF5;
	[smem:$0x3FA5] =	sst s0  }
0x18: {  	s0 =	sld [smem:$0x3F88];
	_ =	swait.ge [sflag:s4], $0x0  }
0x19: {  	s7 =	sld [smem:$0x3F89]  }
0x1a: {  	s8 =	sadd.s32 $0xFFFFE003, lr  }
0x1b: {  	s9 =	sadd.s32 $0xFFFFFEF7, lr;
	s5 =	simm.s32 $0xFFFFFFFF;
	p2 =	slt.u32 s8, $0xFFFFF086  }
0x1c: {  	p1 =	slt.u32 s9, $0xF7A;
	s5 =	simm.s32 @!p2 $0x0  }
0x1d: {  	s5 =	simm.s32 @p1 $0x1;
	p0 =	seq.s32 s7, s2  }
0x1e: {  	s7 =	smul.u32 @!p0 $0xF7A, s2;
	p2 =	seq.s32 @!p0 s5, $0x0  }
0x1f: {  	s9 =	smul.u32 $0xF7A, s1;
	s8 =	simm.s32 @!p0 $0x1BF5;
	p2 =	por !p2, p0  }
0x20: {  	[sflag:s8] =	ssyncset.s32 @!p0 $0xFFFFF086;
	s6 =	sadd.s32 @!p0 s3, s7;
	s7 =	simm.s32 @!p0 $0x108  }
0x21: {  	s3 =	sadd.s32 s3, s9;
	s6 =	sadd.s32 @!p0 $0x88, s6;
	s7 =	simm.s32 @p2 $0x1082  }
0x22: {  	[simem:s7], [sflag:s8] =	dma.local @!p0 [hbm:s6], $0xF7A  }
0x23: {  	s9 =	sor.u32 $0xD0000000, s2;
	s6 =	simm.s32 $0x108;
	_ =	swait.ge @!p0 [sflag:s8], $0x0  }
0x24: {  	s3 =	sadd.s32 $0x88, s3;
	s6 =	simm.s32 @!p1 $0x1082;
	[sflag:s4] =	ssyncset.s32 $0xFFFFF086  }
0x25: {  	[simem:s6], [sflag:s4] =	dma.local [hbm:s3], $0xF7A  }
0x26: {  	[smem:$0x3F89] =	sst s1;
	(tag) =	ssettag s2;
	_ =	strace s9  }
0x27: {  	s1 =	sld [smem:$0x3F99]  }
0x28: {  	s2 =	sld [smem:$0x3F9A]  }
0x29: {  	s4 =	sld [smem:$0x3F9C]  }
0x2a: {  	p0 =	seq.s32 s5, $0x0;
	s5 =	sld [smem:$0x3F9D]  }
0x2b: {  	s6 =	sld [smem:$0x3F9E]  }
0x2c: {  	s7 =	sld [smem:$0x3F9F]  }
0x2d: {  	s3 =	simm.s32 $0x108;
	s8 =	sld [smem:$0x3FA0]  }
0x2e: {  	s3 =	simm.s32 @!p0 $0x1082;
	s9 =	sld [smem:$0x3FA1]  }
0x2f: {  	lr =	sadd.s32 s0, s3;
	s0 =	sld [smem:$0x3F98]  }
0x30: {  	s3 =	sld [smem:$0x3F9B]  }
0x31: {  	[smem:$0x3FA4] =	sst s10  }
0x32: {  	s10 =	sld [smem:$0x3FA2];
	_ =	sdelay $0x3  }
0x33: {  	p0 =	seq.s32 s10, $0x1;
	s10 =	sld [smem:$0x3FA4];
	_ =	sdelay $0x3  }
0x34: {  	[smem:$0x3FA4] =	sst s10  }
0x35: {  	s10 =	sld [smem:$0x3FA3];
	_ =	sdelay $0x3  }
0x36: {  	p1 =	seq.s32 s10, $0x1;
	s10 =	sld [smem:$0x3FA4];
	_ =	sdelay $0x3  }
0x37: {  	[smem:$0x3FA4] =	sst s10  }
0x38: {  	s10 =	sld [smem:$0x3FA5]  }
0x39: {  	_ = 	snop;
	(pc) =	sbr.ind lr, $3  }
0x3a: {  	_ = 	snop  }
0x3b: {  	_ = 	snop  }
0x3c: {  	p2 =	seq.s32 s10, $0x1;
	s10 =	sld [smem:$0x3FA4]  }
0x3d: {  	_ =	shalt  }
0x3e: {  	_ =	shalt  }
0x3f: {  	_ =	shalt  }
0x40: {  	_ =	shalt  }
0x41: {  	_ =	shalt  }
0x42: {  	_ =	shalt  }
0x43: {  	_ =	shalt  }
0x44: {  	_ =	shalt  }
0x45: {  	_ =	shalt  }
0x46: {  	_ =	shalt  }
0x47: {  	_ =	shalt  }
0x48: {  	_ =	shalt  }
0x49: {  	_ =	shalt  }
0x4a: {  	_ =	shalt  }
0x4b: {  	_ =	shalt  }
0x4c: {  	_ =	shalt  }
0x4d: {  	_ =	shalt  }
0x4e: {  	_ =	shalt  }
0x4f: {  	_ =	shalt  }
0x50: {  	_ =	shalt  }
0x51: {  	_ =	shalt  }
0x52: {  	_ =	shalt  }
0x53: {  	_ =	shalt  }
0x54: {  	_ =	shalt  }
0x55: {  	_ =	shalt  }
0x56: {  	_ =	shalt  }
0x57: {  	_ =	shalt  }
0x58: {  	_ =	shalt  }
0x59: {  	_ =	shalt  }
0x5a: {  	_ =	shalt  }
0x5b: {  	_ =	shalt  }
0x5c: {  	_ =	shalt  }
0x5d: {  	_ =	shalt  }
0x5e: {  	_ =	shalt  }
0x5f: {  	_ =	shalt  }
0x60: {  	_ =	shalt  }
0x61: {  	_ =	shalt  }
0x62: {  	_ =	shalt  }
0x63: {  	_ =	shalt  }
0x64: {  	_ =	shalt  }
0x65: {  	_ =	shalt  }
0x66: {  	_ =	shalt  }
0x67: {  	_ =	shalt  }
0x68: {  	_ =	shalt  }
0x69: {  	_ =	shalt  }
0x6a: {  	_ =	shalt  }
0x6b: {  	_ =	shalt  }
0x6c: {  	_ =	shalt  }
0x6d: {  	_ =	shalt  }
0x6e: {  	_ =	shalt  }
0x6f: {  	_ =	shalt  }
0x70: {  	_ =	shalt  }
0x71: {  	_ =	shalt  }
0x72: {  	_ =	shalt  }
0x73: {  	_ =	shalt  }
0x74: {  	_ =	shalt  }
0x75: {  	_ =	shalt  }
0x76: {  	_ =	shalt  }
0x77: {  	_ =	shalt  }
0x78: {  	_ =	shalt  }
0x79: {  	_ =	shalt  }
0x7a: {  	_ =	shalt  }
0x7b: {  	_ =	shalt  }
0x7c: {  	_ =	shalt  }
0x7d: {  	_ =	shalt  }
0x7e: {  	_ =	shalt  }
0x7f: {  	_ =	shalt  }
0x80: {  	_ =	shalt  }
0x81: {  	_ =	shalt  }
0x82: {  	_ =	shalt  }
0x83: {  	_ =	shalt  }
0x84: {  	_ =	shalt  }
0x85: {  	_ =	shalt  }
0x86: {  	_ =	shalt  }
0x87: {  	_ =	shalt  }
.Lfunc_end0:
.L_simem_size_0:
called_computation.3_lowered:
.L_overlay_start_0:
0x88: {  	s2 =	sld [smem:$0x3FD9]  }
0x89: {  	s3 =	sld [smem:$0x3FFE];
	_ =	sdelay $0x1  }
0x8a: {  	s1 =	srdreg.scid  }
0x8b: {  	s0 =	sand.u32 $0x1, s1  }
0x8c: {  	s16 =	sshll.u32 s0, $0xA;
	s2 =	sadd.s32 s3, s2  }
0x8d: {  	s2 =	sadd.s32 s2, s16  }
0x8e: {  	[smem:$0x3FB0] =	sst s2  }
0x8f: {  	_ = 	snop  }
0x90: {  	(tm) =	ssettm $0x1  }
0x91: {  	s17 =	sld [smem:$0x3FFB];
	_ =	sdelay $0x3  }
0x92: {  	_ =	strace s17  }
0x93: {  	s2 =	sld [smem:$0x3FFC];
	_ =	sdelay $0x3  }
0x94: {  	_ =	strace s2  }
0x95: {  	s2 =	sld [smem:$0x3FFD];
	_ =	sdelay $0x3  }
0x96: {  	_ =	strace s2  }
0x97: {  	_ =	strace $0x8FFFFFFF  }
0x98: {  	s18 =	sld [smem:$0x3FDB];
	_ =	sdelay $0x1  }
0x99: {  	s19 =	simm.s32 $_scs_section_size  }
0x9a: {  	s4 =	simm.s32 $_size__tile_overlayer_lowered;
	s5 =	simm.s32 $_tile_overlayer_lowered  }
0x9b: {  	s22 =	simm.s32 $0x1BFF;
	s21 =	sshll.u32 s5, $0x1;
	s2 =	sadd.s32 s19, s18  }
0x9c: {  	s6 =	simm.s32 $0x0;
	s20 =	sshll.u32 s4, $0x1;
	s4 =	sadd.s32 s21, s2  }
0x9d: {  	[timem:s6], [sflag:s22] =	dma.local [hbm:s4], s20  }
0x9e: {  	_ =	swait.ge [sflag:s22], s20  }
0x9f: {  	s3 =	ssub.s32 $0x0, s20;
	[sflag:s22] =	ssyncset.done $0x0  }
0xa0: {  	[sflag:s22] =	ssyncadd.s32 s3;
	_ =	sdelay $0x1  }
0xa1: {  	s23 =	simm.s32 $0x1B8B  }
0xa2: {  	_ =	swait.ge [sflag:s23], $0x1  }
0xa3: {  	[sflag:s23] =	ssyncset.done $0x0  }
0xa4: {  	s25 =	simm.s32 $0x1B8E;
	s24 =	sld [smem:$0x3FFE];
	[sflag:s23] =	ssyncadd.s32 $0xFFFFFFFF  }
0xa5: {  	s26 =	simm.s32 $execute0_lowered;
	[smem:$0x3FD2] =	sst s25  }
0xa6: {  	s4 =	sshll.u32 s26, $0x1;
	_ =	strace $0x8000004F;
	[dreg:$0x1] =	wrdreg $0xFFFFFFFF  }
0xa7: {  	s28 =	simm.s32 $_size_execute0_lowered;
	s2 =	sadd.s32 s2, s4;
	[dreg:$0x0] =	wrdreg $0x0  }
0xa8: {  	s4 =	sshll.u32 s28, $0x1;
	[dreg:$0x2] =	wrdreg s2  }
0xa9: {  	[dreg:$0x3] =	wrdreg s4  }
0xaa: {  	[dreg:$0x4] =	wrdreg $0xC0  }
0xab: {  	_ =	task [dreg:s6], $0x5FFFF  }
0xac: {  	[dreg:$0x1] =	wrdreg $0xFFFFFFFF  }
0xad: {  	[dreg:$0x0] =	wrdreg $0x60  }
0xae: {  	[dreg:$0x2] =	wrdreg s24  }
0xaf: {  	[dreg:$0x3] =	wrdreg $0x9  }
0xb0: {  	_ =	task.clear_ibuf [dreg:s6], $0x4FFFF;
	_ =	strace $0x9000004F  }
0xb1: {  	s29 =	simm.s32 $0x9;
	_ =	strace $0x80000051  }
0xb2: {  	_ =	swait.ge [sflag:s29], $0x1  }
0xb3: {  	[sflag:s29] =	ssyncadd.s32 $0xFFFFFFFF  }
0xb4: {  	_ =	strace $0x90000051  }
0xb5: {  	_ =	sfence  }
0xb6: {  	s30 =	sld [smem:$0x0];
	_ =	sdelay $0x2  }
0xb7: {  	s31 =	sshll.u32 s1, $0xD;
	s1 =	sshrl.u32 s1, $0x2  }
0xb8: {  	s3 =	sand.u32 $0x4000, s31;
	s1 =	sadd.s32 s1, s30  }
0xb9: {  	s0 =	sor.u32 s3, s0;
	s1 =	sshll.u32 s1, $0x11  }
0xba: {  	s0 =	sor.u32 s1, s0  }
0xbb: {  	s0 =	sadd.s32 $0x8F2B, s0  }
0xbc: {  	[sflag:s0] =	ssyncadd.remote.s32 $0x1  }
0xbd: {  	_ =	sfence.sel $0xFFFF  }
0xbe: {  	[dreg:$0x0] =	wrdreg $0xFFFFFFFF;
	(pc) =	sbr.abs _section_cstart, $3  }
0xbf: {  	[dreg:$0x1] =	wrdreg $0xFFFFFFFF  }
0xc0: {  	_ =	task.clear_ibuf [dreg:s6], $0x2FFFF;
	_ =	strace $0x9FFFFFFF  }
0xc1: {  	(tm) =	ssettm $0x7FFFFFFF  }
tec
execute0_lowered:
.L_overlay_start_1:
0x0: {  	(tag) =	ssettag $0x1  }
0x1: {  	s1 =	srdreg.scid  }
0x2: {  	s0 =	stileid.u32;
	s4 =	rddreg [dreg:$0x0];
	s16 =	simm.s32 $0x80  }
0x3: {  	s17 =	simm.s32 $0x900;
	s18 =	simm.s32 $0x1100;
	s19 =	simm.s32 $0x1900  }
0x4: {  	s20 =	simm.s32 $0x2100;
	s21 =	simm.s32 $0x2900;
	s1 =	sand.u32 $0x1, s1  }
0x5: {  	s23 =	simm.s32 $0x3100;
	s2 =	sshll.u32 s0, $0x7;
	s3 =	sshll.u32 s1, $0x6  }
0x6: {  	s24 =	simm.s32 $0x3900;
	s3 =	sor.u32 s3, s2;
	s2 =	simm.s32 $0x0  }
0x7: {  	s25 =	simm.s32 $0x4100;
	s26 =	simm.s32 $0x4900;
	[smem:$0x7FF] =	sst s2  }
0x8: {  	s7 =	simm.s32 $0x100;
	_ =	strace $0x80000050;
	[dreg:$0x6] =	wrdreg s16  }
0x9: {  	s9 =	simm.s32 $0x5900;
	s10 =	simm.s32 $0x6100;
	[dreg:$0x7] =	wrdreg s17  }
0xa: {  	s11 =	simm.s32 $0x6900;
	s12 =	simm.s32 $0x7100;
	[dreg:$0x8] =	wrdreg s18  }
0xb: {  	s13 =	simm.s32 $0x7900;
	s14 =	simm.s32 $0x8100;
	[dreg:$0x9] =	wrdreg s19  }
0xc: {  	s28 =	simm.s32 $0xE900;
	s29 =	simm.s32 $0xF100;
	[dreg:$0xa] =	wrdreg s20  }
0xd: {  	s30 =	simm.s32 $0xF900;
	s1 =	ssub.s32 $0x2, s1;
	[dreg:$0xb] =	wrdreg s21  }
0xe: {  	s31 =	simm.s32 $0x1;
	s22 =	sshrl.u32 s1, $0x1;
	[dreg:$0xc] =	wrdreg s23  }
0xf: {  	s5 =	sshrl.u32 s3, $0x3;
	s3 =	sshll.u32 s3, $0x6;
	[dreg:$0xd] =	wrdreg s24  }
0x10: {  	s1 =	ssub.s32 s1, s22;
	s22 =	simm.s32 $0xC100;
	[dreg:$0xe] =	wrdreg s25  }
0x11: {  	s5 =	sadd.s32 s5, s4;
	s3 =	sadd.s32 s3, s4;
	[dreg:$0xf] =	wrdreg s26  }
0x12: {  	s16 =	simm.s32 $0x9100;
	s17 =	simm.s32 $0x9900;
	s18 =	simm.s32 $0xA100  }
0x13: {  	s19 =	simm.s32 $0xA900;
	s20 =	simm.s32 $0xB100;
	s6 =	sadd.s32 $0x6200, s5  }
0x14: {  	s21 =	simm.s32 $0xB900;
	s5 =	sadd.s32 $0x6400, s5;
	[dreg:$0x2] =	wrdreg s6  }
0x15: {  	s23 =	simm.s32 $0xC900;
	s15 =	sadd.s32 $0x6600, s3;
	[dreg:$0x3] =	wrdreg s5  }
0x16: {  	s24 =	simm.s32 $0xD100;
	s3 =	sadd.s32 $0x26600, s3;
	[dreg:$0x4] =	wrdreg s15  }
0x17: {  	v2 =	vlaneseq.u32;
	s25 =	simm.s32 $0xD900;
	s26 =	simm.s32 $0xE100;
	[dreg:$0x5] =	wrdreg s3  }
0x18: {  	vm0 =	vmmov $0xffff;
	v1 =	vshrl.u32 v2, $0x3;
	s3 =	sadd.s32 $0x66600, s4;
	s4 =	sadd.s32 $0x66700, s4;
	s5 =	smax.u32 s1, $0x1  }
0x19: {  	v0 =	vand.u32 $0x7, v2;
	v2 =	vor.u32 $0x8, v2;
	v1 =	vmul.u32 $0x8, v1;
	s6 =	simm.s32 $0x3;
	s15 =	simm.s32 $0x8900;
	s1 =	simm.s32 $0x2  }
.LBB2_1:
0x1a: {  	s0 =	rddreg [dreg:$0x2]  }
0x1b: {  	[tilespmem:s2], [sflag:$0x3] =	stream.linear.gather [hbm4b:s0+s2], $0x40, $0x38;
	[tilespmem:$0x10100] =	vst v63  }
0x1c: {  	_ =	swait.ge [sflag:s6], $0x40  }
0x1d: {  	s0 =	rddreg [dreg:$0x3];
	[sflag:s6] =	ssyncset.done $0x0  }
0x1e: {  	s8 =	rddreg [dreg:$0x6];
	[sflag:s6] =	ssyncadd.s32 $0xFFFFFFC0  }
0x1f: {  	[tilespmem:s8], [sflag:$0x3] =	stream.linear.gather [hbm4b:s0+s2], $0x40, $0x38;
	[tilespmem:$0x10100] =	vst v63  }
0x20: {  	_ =	swait.ge [sflag:s6], $0x40  }
0x21: {  	[sflag:s6] =	ssyncset.done $0x0  }
0x22: {  	[sflag:s6] =	ssyncadd.s32 $0xFFFFFFC0  }
0x23: {  	v3 =	vld [tilespmem:$0x0];
	_ =	sdelay $0x4  }
0x24: {  	v4 =	vshll.u32 v3, $0x2  }
0x25: {  	v3 =	vand.u32 $0x7, v3;
	v4 =	vand.u32 $0xFFFFFFE0, v4  }
0x26: {  	v3 =	vor.u32 v3, v4  }
0x27: {  	v4 =	vperm.xlane v3, v0;
	_ =	sdelay $0x1  }
0x28: {  	v4 =	vadd.s32 v1, v4;
	_ =	sdelay $0x1  }
0x29: {  	v3 =	vperm.xlane v3, v2;
	_ =	sdelay $0x1  }
0x2a: {  	v3 =	vadd.s32 v1, v3  }
0x2b: {  	[tilespmem:s7], [sflag:$0x1] =	stream.indirect_vreg.gather [hbm4b:s3+s2], $0x80, v4, vm0, $0xb8;
	[tilespmem:$0x10100] =	vst v63  }
0x2c: {  	s0 =	rddreg [dreg:$0x7]  }
0x2d: {  	[tilespmem:s0], [sflag:$0x1] =	stream.indirect_vreg.gather [hbm4b:s4+s2], $0x80, v4, vm0, $0xb8;
	[tilespmem:$0x10100] =	vst v63  }
0x2e: {  	s8 =	rddreg [dreg:$0x8]  }
0x2f: {  	[tilespmem:s8], [sflag:$0x1] =	stream.indirect_vreg.gather [hbm4b:s3+s2], $0x80, v3, vm0, $0xb8;
	[tilespmem:$0x10100] =	vst v63  }
0x30: {  	s0 =	rddreg [dreg:$0x9]  }
0x31: {  	[tilespmem:s0], [sflag:$0x1] =	stream.indirect_vreg.gather [hbm4b:s4+s2], $0x80, v3, vm0, $0xb8;
	[tilespmem:$0x10100] =	vst v63  }
0x32: {  	v3 =	vld [tilespmem:$0x10];
	_ =	sdelay $0x4  }
0x33: {  	v57 =	vshll.u32 v3, $0x2  }
0x34: {  	v3 =	vand.u32 $0x7, v3;
	v4 =	vand.u32 $0xFFFFFFE0, v57  }
0x35: {  	v3 =	vor.u32 v3, v4  }
0x36: {  	v4 =	vperm.xlane v3, v0;
	_ =	sdelay $0x1  }
0x37: {  	v4 =	vadd.s32 v1, v4;
	_ =	sdelay $0x1  }
0x38: {  	v3 =	vperm.xlane v3, v2;
	_ =	sdelay $0x1  }
0x39: {  	s0 =	rddreg [dreg:$0xa];
	v3 =	vadd.s32 v1, v3  }
0x3a: {  	[tilespmem:s0], [sflag:$0x1] =	stream.indirect_vreg.gather [hbm4b:s3+s2], $0x80, v4, vm0, $0xb8;
	[tilespmem:$0x10100] =	vst v63  }
0x3b: {  	s8 =	rddreg [dreg:$0xb]  }
0x3c: {  	[tilespmem:s8], [sflag:$0x1] =	stream.indirect_vreg.gather [hbm4b:s4+s2], $0x80, v4, vm0, $0xb8;
	[tilespmem:$0x10100] =	vst v63  }
0x3d: {  	s0 =	rddreg [dreg:$0xc]  }
0x3e: {  	[tilespmem:s0], [sflag:$0x1] =	stream.indirect_vreg.gather [hbm4b:s3+s2], $0x80, v3, vm0, $0xb8;
	[tilespmem:$0x10100] =	vst v63  }
0x3f: {  	s8 =	rddreg [dreg:$0xd]  }
0x40: {  	[tilespmem:s8], [sflag:$0x1] =	stream.indirect_vreg.gather [hbm4b:s4+s2], $0x80, v3, vm0, $0xb8;
	[tilespmem:$0x10100] =	vst v63  }
0x41: {  	v3 =	vld [tilespmem:$0x20];
	_ =	sdelay $0x4  }
0x42: {  	v58 =	vshll.u32 v3, $0x2  }
0x43: {  	v3 =	vand.u32 $0x7, v3;
	v4 =	vand.u32 $0xFFFFFFE0, v58  }
0x44: {  	v3 =	vor.u32 v3, v4  }
0x45: {  	v4 =	vperm.xlane v3, v0;
	_ =	sdelay $0x1  }
0x46: {  	v4 =	vadd.s32 v1, v4;
	_ =	sdelay $0x1  }
0x47: {  	v3 =	vperm.xlane v3, v2;
	_ =	sdelay $0x1  }
0x48: {  	s0 =	rddreg [dreg:$0xe];
	v3 =	vadd.s32 v1, v3  }
0x49: {  	[tilespmem:s0], [sflag:$0x1] =	stream.indirect_vreg.gather [hbm4b:s3+s2], $0x80, v4, vm0, $0xb8;
	[tilespmem:$0x10100] =	vst v63  }
0x4a: {  	s8 =	rddreg [dreg:$0xf]  }
0x4b: {  	[tilespmem:s8], [sflag:$0x1] =	stream.indirect_vreg.gather [hbm4b:s4+s2], $0x80, v4, vm0, $0xb8;
	[tilespmem:$0x10100] =	vst v63  }
0x4c: {  	s8 =	simm.s32 $0x5100  }
0x4d: {  	[tilespmem:s8], [sflag:$0x1] =	stream.indirect_vreg.gather [hbm4b:s3+s2], $0x80, v3, vm0, $0xb8;
	[tilespmem:$0x10100] =	vst v63  }
0x4e: {  	_ = 	snop  }
0x4f: {  	[tilespmem:s9], [sflag:$0x1] =	stream.indirect_vreg.gather [hbm4b:s4+s2], $0x80, v3, vm0, $0xb8;
	[tilespmem:$0x10100] =	vst v63  }
0x50: {  	v3 =	vld [tilespmem:$0x30];
	_ =	sdelay $0x4  }
0x51: {  	v59 =	vshll.u32 v3, $0x2  }
0x52: {  	v3 =	vand.u32 $0x7, v3;
	v4 =	vand.u32 $0xFFFFFFE0, v59  }
0x53: {  	v3 =	vor.u32 v3, v4  }
0x54: {  	v4 =	vperm.xlane v3, v0;
	_ =	sdelay $0x1  }
0x55: {  	v4 =	vadd.s32 v1, v4;
	_ =	sdelay $0x1  }
0x56: {  	v3 =	vperm.xlane v3, v2;
	_ =	sdelay $0x1  }
0x57: {  	v3 =	vadd.s32 v1, v3  }
0x58: {  	[tilespmem:s10], [sflag:$0x1] =	stream.indirect_vreg.gather [hbm4b:s3+s2], $0x80, v4, vm0, $0xb8;
	[tilespmem:$0x10100] =	vst v63  }
0x59: {  	_ = 	snop  }
0x5a: {  	[tilespmem:s11], [sflag:$0x1] =	stream.indirect_vreg.gather [hbm4b:s4+s2], $0x80, v4, vm0, $0xb8;
	[tilespmem:$0x10100] =	vst v63  }
0x5b: {  	_ = 	snop  }
0x5c: {  	[tilespmem:s12], [sflag:$0x1] =	stream.indirect_vreg.gather [hbm4b:s3+s2], $0x80, v3, vm0, $0xb8;
	[tilespmem:$0x10100] =	vst v63  }
0x5d: {  	_ = 	snop  }
0x5e: {  	[tilespmem:s13], [sflag:$0x1] =	stream.indirect_vreg.gather [hbm4b:s4+s2], $0x80, v3, vm0, $0xb8;
	[tilespmem:$0x10100] =	vst v63  }
0x5f: {  	v3 =	vld [tilespmem:$0x80];
	_ =	sdelay $0x4  }
0x60: {  	v60 =	vshll.u32 v3, $0x2  }
0x61: {  	v3 =	vand.u32 $0x7, v3;
	v4 =	vand.u32 $0xFFFFFFE0, v60  }
0x62: {  	v3 =	vor.u32 v3, v4  }
0x63: {  	v4 =	vperm.xlane v3, v0;
	_ =	sdelay $0x1  }
0x64: {  	v4 =	vadd.s32 v1, v4;
	_ =	sdelay $0x1  }
0x65: {  	v3 =	vperm.xlane v3, v2;
	_ =	sdelay $0x1  }
0x66: {  	v3 =	vadd.s32 v1, v3  }
0x67: {  	[tilespmem:s14], [sflag:$0x2] =	stream.indirect_vreg.gather [hbm4b:s3+s2], $0x80, v4, vm0, $0xb8;
	[tilespmem:$0x10100] =	vst v63  }
0x68: {  	_ = 	snop  }
0x69: {  	[tilespmem:s15], [sflag:$0x2] =	stream.indirect_vreg.gather [hbm4b:s4+s2], $0x80, v4, vm0, $0xb8;
	[tilespmem:$0x10100] =	vst v63  }
0x6a: {  	_ = 	snop  }
0x6b: {  	[tilespmem:s16], [sflag:$0x2] =	stream.indirect_vreg.gather [hbm4b:s3+s2], $0x80, v3, vm0, $0xb8;
	[tilespmem:$0x10100] =	vst v63  }
0x6c: {  	_ = 	snop  }
0x6d: {  	[tilespmem:s17], [sflag:$0x2] =	stream.indirect_vreg.gather [hbm4b:s4+s2], $0x80, v3, vm0, $0xb8;
	[tilespmem:$0x10100] =	vst v63  }
0x6e: {  	v3 =	vld [tilespmem:$0x90];
	_ =	sdelay $0x4  }
0x6f: {  	v61 =	vshll.u32 v3, $0x2  }
0x70: {  	v3 =	vand.u32 $0x7, v3;
	v4 =	vand.u32 $0xFFFFFFE0, v61  }
0x71: {  	v3 =	vor.u32 v3, v4  }
0x72: {  	v4 =	vperm.xlane v3, v0;
	_ =	sdelay $0x1  }
0x73: {  	v4 =	vadd.s32 v1, v4;
	_ =	sdelay $0x1  }
0x74: {  	v3 =	vperm.xlane v3, v2;
	_ =	sdelay $0x1  }
0x75: {  	v3 =	vadd.s32 v1, v3  }
0x76: {  	[tilespmem:s18], [sflag:$0x2] =	stream.indirect_vreg.gather [hbm4b:s3+s2], $0x80, v4, vm0, $0xb8;
	[tilespmem:$0x10100] =	vst v63  }
0x77: {  	_ = 	snop  }
0x78: {  	[tilespmem:s19], [sflag:$0x2] =	stream.indirect_vreg.gather [hbm4b:s4+s2], $0x80, v4, vm0, $0xb8;
	[tilespmem:$0x10100] =	vst v63  }
0x79: {  	_ = 	snop  }
0x7a: {  	[tilespmem:s20], [sflag:$0x2] =	stream.indirect_vreg.gather [hbm4b:s3+s2], $0x80, v3, vm0, $0xb8;
	[tilespmem:$0x10100] =	vst v63  }
0x7b: {  	_ = 	snop  }
0x7c: {  	[tilespmem:s21], [sflag:$0x2] =	stream.indirect_vreg.gather [hbm4b:s4+s2], $0x80, v3, vm0, $0xb8;
	[tilespmem:$0x10100] =	vst v63  }
0x7d: {  	v3 =	vld [tilespmem:$0xA0];
	_ =	sdelay $0x4  }
0x7e: {  	v62 =	vshll.u32 v3, $0x2  }
0x7f: {  	v3 =	vand.u32 $0x7, v3;
	v4 =	vand.u32 $0xFFFFFFE0, v62  }
0x80: {  	v3 =	vor.u32 v3, v4  }
0x81: {  	v4 =	vperm.xlane v3, v0;
	_ =	sdelay $0x1  }
0x82: {  	v4 =	vadd.s32 v1, v4;
	_ =	sdelay $0x1  }
0x83: {  	v3 =	vperm.xlane v3, v2;
	_ =	sdelay $0x1  }
0x84: {  	v3 =	vadd.s32 v1, v3  }
0x85: {  	[tilespmem:s22], [sflag:$0x2] =	stream.indirect_vreg.gather [hbm4b:s3+s2], $0x80, v4, vm0, $0xb8;
	[tilespmem:$0x10100] =	vst v63  }
0x86: {  	_ = 	snop  }
0x87: {  	[tilespmem:s23], [sflag:$0x2] =	stream.indirect_vreg.gather [hbm4b:s4+s2], $0x80, v4, vm0, $0xb8;
	[tilespmem:$0x10100] =	vst v63  }
0x88: {  	_ = 	snop  }
0x89: {  	[tilespmem:s24], [sflag:$0x2] =	stream.indirect_vreg.gather [hbm4b:s3+s2], $0x80, v3, vm0, $0xb8;
	[tilespmem:$0x10100] =	vst v63  }
0x8a: {  	_ = 	snop  }
0x8b: {  	[tilespmem:s25], [sflag:$0x2] =	stream.indirect_vreg.gather [hbm4b:s4+s2], $0x80, v3, vm0, $0xb8;
	[tilespmem:$0x10100] =	vst v63  }
0x8c: {  	v3 =	vld [tilespmem:$0xB0];
	_ =	sdelay $0x4  }
0x8d: {  	v63 =	vshll.u32 v3, $0x2  }
0x8e: {  	v3 =	vand.u32 $0x7, v3;
	v4 =	vand.u32 $0xFFFFFFE0, v63  }
0x8f: {  	v3 =	vor.u32 v3, v4  }
0x90: {  	v4 =	vperm.xlane v3, v0;
	_ =	sdelay $0x1  }
0x91: {  	v4 =	vadd.s32 v1, v4;
	_ =	sdelay $0x1  }
0x92: {  	v3 =	vperm.xlane v3, v2;
	_ =	sdelay $0x1  }
0x93: {  	v3 =	vadd.s32 v1, v3  }
0x94: {  	[tilespmem:s26], [sflag:$0x2] =	stream.indirect_vreg.gather [hbm4b:s3+s2], $0x80, v4, vm0, $0xb8;
	[tilespmem:$0x10100] =	vst v63  }
0x95: {  	_ = 	snop  }
0x96: {  	[tilespmem:s28], [sflag:$0x2] =	stream.indirect_vreg.gather [hbm4b:s4+s2], $0x80, v4, vm0, $0xb8;
	[tilespmem:$0x10100] =	vst v63  }
0x97: {  	_ = 	snop  }
0x98: {  	[tilespmem:s29], [sflag:$0x2] =	stream.indirect_vreg.gather [hbm4b:s3+s2], $0x80, v3, vm0, $0xb8;
	[tilespmem:$0x10100] =	vst v63  }
0x99: {  	_ = 	snop  }
0x9a: {  	[tilespmem:s30], [sflag:$0x2] =	stream.indirect_vreg.gather [hbm4b:s4+s2], $0x80, v3, vm0, $0xb8;
	[tilespmem:$0x10100] =	vst v63  }
0x9b: {  	_ =	swait.ge [sflag:s31], $0x8000  }
0x9c: {  	[sflag:s31] =	ssyncset.done $0x0  }
0x9d: {  	[sflag:s31] =	ssyncadd.s32 $0xFFFF8000  }
0x9e: {  	_ =	swait.ge [sflag:s1], $0x8000  }
0x9f: {  	[sflag:s1] =	ssyncset.done $0x0  }
0xa0: {  	s8 =	rddreg [dreg:$0x4];
	[sflag:s1] =	ssyncadd.s32 $0xFFFF8000  }
0xa1: {  	[hbm4b:s8+s2] =	stream.linear.scatter [tilespmem:s7], [sflag:$0x3], $0x8000, $0x38;
	[tilespmem:$0x10100] =	vst v63  }
0xa2: {  	_ =	swait.ge [sflag:s6], $0x8000  }
0xa3: {  	p0 =	sne.s32 s5, $0x1;
	[sflag:s6] =	ssyncset.done $0x0  }
.Ltmp0:
0xa4: {  	s8 =	rddreg [dreg:$0x5];
	[sflag:s6] =	ssyncadd.s32 $0xFFFF8000;
	(pc) =	sbr.rel @p0 .LBB2_1-.Ltmp0, $4  }
0xa5: {  	[hbm4b:s8+s2] =	stream.linear.scatter [tilespmem:s14], [sflag:$0x3], $0x8000, $0x38;
	[tilespmem:$0x10100] =	vst v63  }
0xa6: {  	_ =	swait.ge [sflag:s6], $0x8000  }
0xa7: {  	[sflag:s6] =	ssyncset.done $0x0  }
0xa8: {  	s5 =	sadd.s32 $0xFFFFFFFF, s5;
	[sflag:s6] =	ssyncadd.s32 $0xFFFF8000  }
0xa9: {  	_ =	sfence.sel $0x180000  }
0xaa: {  	[bflag:$0x0] =	sbarrier.arrive $0xFFFF  }
0xab: {  	_ =	strace $0x90000050  }
0xac: {  	s0 =	stileid.u32;
	[bflag:$0x2] =	sbarrier.arrive $0xFFFF  }
0xad: {  	p0 =	sne.s32 s0, $0x0;
	s0 =	rddreg [dreg:$0x1]  }
0xae: {  	s0 =	sadd.s32 @!p0 $0x100000, s0  }
0xaf: {  	[sflag:s0] =	ssyncadd.tile.s32 @!p0 $0x1;
	_ =	shalt  }
.Lfunc_end2:
_tile_overlayer_lowered:
.L_overlay_start_2:
0xb0: {  	(tag) =	ssettag $0x2  }
0xb1: {  	s0 =	rddreg [dreg:$0x0];
	s2 =	stileid.u32  }
0xb2: {  	s1 =	rddreg [dreg:$0x1];
	p0 =	sne.s32 s2, $0x0  }
0xb3: {  	s3 =	rddreg [dreg:$0x2];
	[bflag:$0x3] =	sbarrier.arrive $0xFFFF;
	s2 =	simm.s32 @!p0 $0x1C03  }
0xb4: {  	[timem:s3], [sflag:s2] =	dma.local @!p0 [hbm:s0], s1  }
0xb5: {  	s0 =	simm.s32 @!p0 $0x3  }
0xb6: {  	_ =	swait.ge @!p0 [sflag:s0], s1  }
0xb7: {  	s1 =	ssub.s32 @!p0 $0x0, s1;
	[sflag:s0] =	ssyncset.done @!p0 $0x0  }
0xb8: {  	[sflag:s0] =	ssyncadd.s32 @!p0 s1  }
0xb9: {  	[bflag:$0x3] =	sbarrier.arrive $0xFFFF  }
0xba: {  	_ =	shalt  }

</sc_bundles>
